<compile_context>
chip_gen: v7x
topology: tpu7x:2x2x1
jax: 0.10.2.dev20260603
libtpu: 0.0.44.dev20260713+nightly
codegen_flags: <defaults>
</compile_context>

<pallas_src>
import jax
import jax.numpy as jnp
from jax import lax
from jax.experimental import pallas as pl
from jax.experimental.pallas import tpu as pltpu
from jax.experimental.pallas import tpu_sc as plsc

ROWS = 8192
COLS = 4096
NC = 2
NS = 16
NW = NC * NS
RPW = ROWS // NW
RB = 8
NBLK = RPW // RB
CW = 2048
NCHUNK = COLS // CW
VPC = CW // 16
NPOS = NBLK * NCHUNK

_BCAST15_DNUMS = lax.GatherDimensionNumbers(
    offset_dims=(), collapsed_slice_dims=(0,), start_index_map=(0,)
)


def _bcast_last(v):
    idx = jnp.full((16, 1), 15, jnp.int32)
    return lax.gather(v, idx, _BCAST15_DNUMS, slice_sizes=(1,),
                      mode=lax.GatherScatterMode.PROMISE_IN_BOUNDS)


def _body(x_hbm, out_hbm, in_a, in_b, out_a, out_b,
          isem_a, isem_b, osem_a, osem_b):
    c = lax.axis_index("c")
    s = lax.axis_index("s")
    wid = c * NS + s
    row0 = wid * RPW

    def start_in(p, buf, sem):
        blk = p // NCHUNK
        ch = p % NCHUNK
        pltpu.async_copy(
            x_hbm.at[pl.ds(row0 + RB * blk, RB), pl.ds(CW * ch, CW)],
            buf, sem)

    def wait_in(buf, sem):
        pltpu.make_async_copy(
            x_hbm.at[pl.ds(0, RB), pl.ds(0, CW)], buf, sem).wait()

    def start_out(p, buf, sem):
        blk = p // NCHUNK
        ch = p % NCHUNK
        pltpu.async_copy(
            buf,
            out_hbm.at[pl.ds(row0 + RB * blk, RB), pl.ds(CW * ch, CW)],
            sem)

    def wait_out(buf, sem):
        pltpu.make_async_copy(
            buf, out_hbm.at[pl.ds(0, RB), pl.ds(0, CW)], sem).wait()

    def compute(p, in_buf, out_buf, carry):
        fresh = (p % NCHUNK) == 0
        carry = tuple(
            jnp.where(fresh, jnp.zeros((16,), jnp.float32), carry[r])
            for r in range(RB)
        )

        @plsc.parallel_loop(0, VPC, step=1, unroll=4, carry=carry)
        def vstep(v, carry):
            new = []
            for r in range(RB):
                x = in_buf[r, pl.ds(16 * v, 16)]
                out = plsc.cumsum(x) + carry[r]
                out_buf[r, pl.ds(16 * v, 16)] = out
                new.append(_bcast_last(out))
            return tuple(new)

        return vstep

    carry0 = tuple(jnp.zeros((16,), jnp.float32) for _ in range(RB))

    start_in(0, in_a, isem_a)
    start_in(1, in_b, isem_b)

    wait_in(in_a, isem_a)
    carry = compute(0, in_a, out_a, carry0)
    start_out(0, out_a, osem_a)
    start_in(2, in_a, isem_a)

    wait_in(in_b, isem_b)
    carry = compute(1, in_b, out_b, carry)
    start_out(1, out_b, osem_b)
    start_in(3, in_b, isem_b)

    def pair_step(t, carry):
        pa = 2 * t
        pb = 2 * t + 1

        wait_in(in_a, isem_a)
        wait_out(out_a, osem_a)
        carry = compute(pa, in_a, out_a, carry)
        start_out(pa, out_a, osem_a)
        start_in(jnp.minimum(pa + 2, NPOS - 1), in_a, isem_a)

        wait_in(in_b, isem_b)
        wait_out(out_b, osem_b)
        carry = compute(pb, in_b, out_b, carry)
        start_out(pb, out_b, osem_b)
        start_in(jnp.minimum(pb + 2, NPOS - 1), in_b, isem_b)
        return carry

    lax.fori_loop(1, NPOS // 2, pair_step, carry)

    wait_in(in_a, isem_a)
    wait_in(in_b, isem_b)
    wait_out(out_a, osem_a)
    wait_out(out_b, osem_b)


def kernel(x):
    mesh = plsc.VectorSubcoreMesh(core_axis_name="c", subcore_axis_name="s")
    run = pl.kernel(
        _body,
        out_type=jax.ShapeDtypeStruct((ROWS, COLS), jnp.float32),
        mesh=mesh,
        scratch_types=[
            pltpu.VMEM((RB, CW), jnp.float32),
            pltpu.VMEM((RB, CW), jnp.float32),
            pltpu.VMEM((RB, CW), jnp.float32),
            pltpu.VMEM((RB, CW), jnp.float32),
            pltpu.SemaphoreType.DMA,
            pltpu.SemaphoreType.DMA,
            pltpu.SemaphoreType.DMA,
            pltpu.SemaphoreType.DMA,
        ],
        compiler_params=pltpu.CompilerParams(
            use_tc_tiling_on_sc=True, needs_layout_passes=False
        ),
    )
    return run(x)

# --- scband reference (transcript-rebuilt; emitter-appended) ---
"""Pipeline reference for scband-model-new-4810363372145 (READ-ONLY COPY).

The authoritative reference and input builder live on the scoring server;
editing this copy changes nothing except your own understanding.
"""

import jax, jax.numpy as jnp
import numpy as np

def setup_inputs(seed: int = 0) -> dict:
    key = jax.random.key(seed)
    x = jax.random.normal(key, (8192, 4096), dtype=jnp.float32)
    return {"x": x}

def reference(x):
    # The CUDA kernel implements an inclusive prefix-sum (Blelloch scan) along `dim`.
    # Faithful semantics: inclusive cumulative sum along axis=1.
    return jnp.cumsum(x, axis=1)

if __name__ == "__main__":
    import jax
    _d = setup_inputs()
    print(jax.jit(kernel)(*tuple(_d.values())))

</pallas_src>

<mosaic_0001>
#map = affine_map<(d0, d1) -> (0, 0)>
module attributes {stable_mosaic.version = 14 : i64} {
  func.func @_body(%arg0: i32, %arg1: i32, %arg2: memref<8192x4096xf32, #tpu.memory_space<hbm>>, %arg3: memref<8192x4096xf32, #tpu.memory_space<hbm>>, %arg4: memref<8x2048xf32, #tpu.memory_space<vmem>>, %arg5: memref<8x2048xf32, #tpu.memory_space<vmem>>, %arg6: memref<8x2048xf32, #tpu.memory_space<vmem>>, %arg7: memref<8x2048xf32, #tpu.memory_space<vmem>>, %arg8: memref<!tpu.dma_semaphore, #tpu.memory_space<semaphore_mem>>, %arg9: memref<!tpu.dma_semaphore, #tpu.memory_space<semaphore_mem>>, %arg10: memref<!tpu.dma_semaphore, #tpu.memory_space<semaphore_mem>>, %arg11: memref<!tpu.dma_semaphore, #tpu.memory_space<semaphore_mem>>) attributes {dimension_semantics = [#tpu.dimension_semantics<core_parallel>, #tpu.dimension_semantics<subcore_parallel>], iteration_bounds = array<i64: 2, 16>, scalar_prefetch = 0 : i64, scratch_operands = 8 : i64, tpu.core_type = #tpu.core_type<sc_vector_subcore>, window_params = [{transform_indices = #map}, {transform_indices = #map}]} {
    %mul3A = arith.constant 16 : i32
    %mul3A_0 = arith.muli %arg0, %mul3A : i32
    %add3A = arith.addi %mul3A_0, %arg1 : i32
    %mul3A_1 = arith.constant 256 : i32
    %mul3A_2 = arith.muli %add3A, %mul3A_1 : i32
    %broadcast_in_dim3A = arith.constant 0.000000e+00 : f32
    %broadcast_in_dim3A_3 = vector.broadcast %broadcast_in_dim3A : f32 to vector<16xf32>
    %broadcast_in_dim3A_4 = arith.constant 0.000000e+00 : f32
    %broadcast_in_dim3A_5 = vector.broadcast %broadcast_in_dim3A_4 : f32 to vector<16xf32>
    %broadcast_in_dim3A_6 = arith.constant 0.000000e+00 : f32
    %broadcast_in_dim3A_7 = vector.broadcast %broadcast_in_dim3A_6 : f32 to vector<16xf32>
    %broadcast_in_dim3A_8 = arith.constant 0.000000e+00 : f32
    %broadcast_in_dim3A_9 = vector.broadcast %broadcast_in_dim3A_8 : f32 to vector<16xf32>
    %broadcast_in_dim3A_10 = arith.constant 0.000000e+00 : f32
    %broadcast_in_dim3A_11 = vector.broadcast %broadcast_in_dim3A_10 : f32 to vector<16xf32>
    %broadcast_in_dim3A_12 = arith.constant 0.000000e+00 : f32
    %broadcast_in_dim3A_13 = vector.broadcast %broadcast_in_dim3A_12 : f32 to vector<16xf32>
    %broadcast_in_dim3A_14 = arith.constant 0.000000e+00 : f32
    %broadcast_in_dim3A_15 = vector.broadcast %broadcast_in_dim3A_14 : f32 to vector<16xf32>
    %broadcast_in_dim3A_16 = arith.constant 0.000000e+00 : f32
    %broadcast_in_dim3A_17 = vector.broadcast %broadcast_in_dim3A_16 : f32 to vector<16xf32>
    %add3A_18 = arith.constant 0 : i32
    %add3A_19 = arith.addi %mul3A_2, %add3A_18 : i32
    %dma_start3A = arith.constant 0 : i32
    %dma_start3A_20 = tpu.memref_slice %arg2[%add3A_19, %dma_start3A] : memref<8192x4096xf32, #tpu.memory_space<hbm>> -> memref<8x2048xf32, #tpu.memory_space<hbm>>
    %dma_start3A_21 = arith.constant 0 : i32
    %dma_start3A_22 = tpu.memref_slice %arg2[%add3A_19, %dma_start3A_21] : memref<8192x4096xf32, #tpu.memory_space<hbm>> -> memref<8x2048xf32, #tpu.memory_space<hbm>>
    tpu.enqueue_dma source(%dma_start3A_22 : memref<8x2048xf32, #tpu.memory_space<hbm>>) target(%arg4 : memref<8x2048xf32, #tpu.memory_space<vmem>>) target_semaphore(%arg8 : memref<!tpu.dma_semaphore, #tpu.memory_space<semaphore_mem>>)
    %add3A_23 = arith.constant 0 : i32
    %add3A_24 = arith.addi %mul3A_2, %add3A_23 : i32
    %dma_start3A_25 = arith.constant 2048 : i32
    %dma_start3A_26 = tpu.memref_slice %arg2[%add3A_24, %dma_start3A_25] : memref<8192x4096xf32, #tpu.memory_space<hbm>> -> memref<8x2048xf32, #tpu.memory_space<hbm>>
    %dma_start3A_27 = arith.constant 2048 : i32
    %dma_start3A_28 = tpu.memref_slice %arg2[%add3A_24, %dma_start3A_27] : memref<8192x4096xf32, #tpu.memory_space<hbm>> -> memref<8x2048xf32, #tpu.memory_space<hbm>>
    tpu.enqueue_dma source(%dma_start3A_28 : memref<8x2048xf32, #tpu.memory_space<hbm>>) target(%arg5 : memref<8x2048xf32, #tpu.memory_space<vmem>>) target_semaphore(%arg9 : memref<!tpu.dma_semaphore, #tpu.memory_space<semaphore_mem>>)
    %dma_wait3A = arith.constant 0 : i32
    %dma_wait3A_29 = arith.constant 0 : i32
    %dma_wait3A_30 = tpu.memref_slice %arg2[%dma_wait3A, %dma_wait3A_29] : memref<8192x4096xf32, #tpu.memory_space<hbm>> -> memref<8x2048xf32, #tpu.memory_space<hbm>>
    %dma_wait3A_31 = arith.constant 0 : i32
    %dma_wait3A_32 = arith.constant 0 : i32
    %dma_wait3A_33 = tpu.memref_slice %arg2[%dma_wait3A_31, %dma_wait3A_32] : memref<8192x4096xf32, #tpu.memory_space<hbm>> -> memref<8x2048xf32, #tpu.memory_space<hbm>>
    tpu.wait_dma2 semaphore(%arg8 : memref<!tpu.dma_semaphore, #tpu.memory_space<semaphore_mem>>) src(%dma_wait3A_33 : memref<8x2048xf32, #tpu.memory_space<hbm>>) dst(%arg4 : memref<8x2048xf32, #tpu.memory_space<vmem>>)
    %broadcast_in_dim3A_34 = arith.constant 0.000000e+00 : f32
    %broadcast_in_dim3A_35 = vector.broadcast %broadcast_in_dim3A_34 : f32 to vector<16xf32>
    %jit3A = arith.constant true
    %select_n3A = arith.select %jit3A, %broadcast_in_dim3A_35, %broadcast_in_dim3A_3 : vector<16xf32>
    %broadcast_in_dim3A_36 = arith.constant 0.000000e+00 : f32
    %broadcast_in_dim3A_37 = vector.broadcast %broadcast_in_dim3A_36 : f32 to vector<16xf32>
    %jit3A_38 = arith.constant true
    %select_n3A_39 = arith.select %jit3A_38, %broadcast_in_dim3A_37, %broadcast_in_dim3A_5 : vector<16xf32>
    %broadcast_in_dim3A_40 = arith.constant 0.000000e+00 : f32
    %broadcast_in_dim3A_41 = vector.broadcast %broadcast_in_dim3A_40 : f32 to vector<16xf32>
    %jit3A_42 = arith.constant true
    %select_n3A_43 = arith.select %jit3A_42, %broadcast_in_dim3A_41, %broadcast_in_dim3A_7 : vector<16xf32>
    %broadcast_in_dim3A_44 = arith.constant 0.000000e+00 : f32
    %broadcast_in_dim3A_45 = vector.broadcast %broadcast_in_dim3A_44 : f32 to vector<16xf32>
    %jit3A_46 = arith.constant true
    %select_n3A_47 = arith.select %jit3A_46, %broadcast_in_dim3A_45, %broadcast_in_dim3A_9 : vector<16xf32>
    %broadcast_in_dim3A_48 = arith.constant 0.000000e+00 : f32
    %broadcast_in_dim3A_49 = vector.broadcast %broadcast_in_dim3A_48 : f32 to vector<16xf32>
    %jit3A_50 = arith.constant true
    %select_n3A_51 = arith.select %jit3A_50, %broadcast_in_dim3A_49, %broadcast_in_dim3A_11 : vector<16xf32>
    %broadcast_in_dim3A_52 = arith.constant 0.000000e+00 : f32
    %broadcast_in_dim3A_53 = vector.broadcast %broadcast_in_dim3A_52 : f32 to vector<16xf32>
    %jit3A_54 = arith.constant true
    %select_n3A_55 = arith.select %jit3A_54, %broadcast_in_dim3A_53, %broadcast_in_dim3A_13 : vector<16xf32>
    %broadcast_in_dim3A_56 = arith.constant 0.000000e+00 : f32
    %broadcast_in_dim3A_57 = vector.broadcast %broadcast_in_dim3A_56 : f32 to vector<16xf32>
    %jit3A_58 = arith.constant true
    %select_n3A_59 = arith.select %jit3A_58, %broadcast_in_dim3A_57, %broadcast_in_dim3A_15 : vector<16xf32>
    %broadcast_in_dim3A_60 = arith.constant 0.000000e+00 : f32
    %broadcast_in_dim3A_61 = vector.broadcast %broadcast_in_dim3A_60 : f32 to vector<16xf32>
    %jit3A_62 = arith.constant true
    %select_n3A_63 = arith.select %jit3A_62, %broadcast_in_dim3A_61, %broadcast_in_dim3A_17 : vector<16xf32>
    %parallel_loop3A = arith.constant 0 : i32
    %parallel_loop3A_64 = arith.constant 128 : i32
    %parallel_loop3A_65 = arith.constant 1 : i32
    %parallel_loop3A_66:8 = scf.for %parallel_loop3A_162 = %parallel_loop3A to %parallel_loop3A_64 step %parallel_loop3A_65 iter_args(%parallel_loop3A_163 = %select_n3A, %parallel_loop3A_164 = %select_n3A_39, %parallel_loop3A_165 = %select_n3A_43, %parallel_loop3A_166 = %select_n3A_47, %parallel_loop3A_167 = %select_n3A_51, %parallel_loop3A_168 = %select_n3A_55, %parallel_loop3A_169 = %select_n3A_59, %parallel_loop3A_170 = %select_n3A_63) -> (vector<16xf32>, vector<16xf32>, vector<16xf32>, vector<16xf32>, vector<16xf32>, vector<16xf32>, vector<16xf32>, vector<16xf32>)  : i32 {
      %parallel_loop3A_171 = arith.constant 16 : i32
      %parallel_loop3A_172 = arith.muli %parallel_loop3A_171, %parallel_loop3A_162 : i32
      %parallel_loop3A_173 = arith.constant 0 : i32
      %parallel_loop3A_174 = arith.index_cast %parallel_loop3A_173 : i32 to index
      %parallel_loop3A_175 = arith.index_cast %parallel_loop3A_172 : i32 to index
      %parallel_loop3A_176 = tpu.vector_load %arg4[%parallel_loop3A_174, %parallel_loop3A_175] {strides = array<i32>} : memref<8x2048xf32, #tpu.memory_space<vmem>>, vector<16xf32>,
      %parallel_loop3A_177 = arith.constant true
      %parallel_loop3A_178 = vector.broadcast %parallel_loop3A_177 : i1 to vector<16xi1>
      %parallel_loop3A_179 = tpu.scan <sum>, %parallel_loop3A_176 masked %parallel_loop3A_178 : vector<16xf32>, vector<16xi1> -> vector<16xf32>
      %parallel_loop3A_180 = arith.addf %parallel_loop3A_179, %parallel_loop3A_163 : vector<16xf32>
      %parallel_loop3A_181 = arith.constant 16 : i32
      %parallel_loop3A_182 = arith.muli %parallel_loop3A_181, %parallel_loop3A_162 : i32
      %parallel_loop3A_183 = arith.constant 0 : i32
      %parallel_loop3A_184 = arith.index_cast %parallel_loop3A_183 : i32 to index
      %parallel_loop3A_185 = arith.index_cast %parallel_loop3A_182 : i32 to index
      %parallel_loop3A_186 = tpu.vector_load %arg6[%parallel_loop3A_184, %parallel_loop3A_185] {strides = array<i32>} : memref<8x2048xf32, #tpu.memory_space<vmem>>, vector<16xf32>,
      tpu.vector_store %arg6[%parallel_loop3A_184, %parallel_loop3A_185], %parallel_loop3A_180 {strides = array<i32>} : memref<8x2048xf32, #tpu.memory_space<vmem>>, vector<16xf32>,
      %parallel_loop3A_187 = arith.constant 15 : i32
      %parallel_loop3A_188 = vector.broadcast %parallel_loop3A_187 : i32 to vector<16x1xi32>
      %parallel_loop3A_189 = vector.shape_cast %parallel_loop3A_188 : vector<16x1xi32> to vector<16xi32>
      %parallel_loop3A_190 = tpu.dynamic_gather %parallel_loop3A_180[%parallel_loop3A_189] in [0] : vector<16xf32>, vector<16xi32> -> vector<16xf32>
      %parallel_loop3A_191 = arith.constant 16 : i32
      %parallel_loop3A_192 = arith.muli %parallel_loop3A_191, %parallel_loop3A_162 : i32
      %parallel_loop3A_193 = arith.constant 1 : i32
      %parallel_loop3A_194 = arith.index_cast %parallel_loop3A_193 : i32 to index
      %parallel_loop3A_195 = arith.index_cast %parallel_loop3A_192 : i32 to index
      %parallel_loop3A_196 = tpu.vector_load %arg4[%parallel_loop3A_194, %parallel_loop3A_195] {strides = array<i32>} : memref<8x2048xf32, #tpu.memory_space<vmem>>, vector<16xf32>,
      %parallel_loop3A_197 = arith.constant true
      %parallel_loop3A_198 = vector.broadcast %parallel_loop3A_197 : i1 to vector<16xi1>
      %parallel_loop3A_199 = tpu.scan <sum>, %parallel_loop3A_196 masked %parallel_loop3A_198 : vector<16xf32>, vector<16xi1> -> vector<16xf32>
      %parallel_loop3A_200 = arith.addf %parallel_loop3A_199, %parallel_loop3A_164 : vector<16xf32>
      %parallel_loop3A_201 = arith.constant 16 : i32
      %parallel_loop3A_202 = arith.muli %parallel_loop3A_201, %parallel_loop3A_162 : i32
      %parallel_loop3A_203 = arith.constant 1 : i32
      %parallel_loop3A_204 = arith.index_cast %parallel_loop3A_203 : i32 to index
      %parallel_loop3A_205 = arith.index_cast %parallel_loop3A_202 : i32 to index
      %parallel_loop3A_206 = tpu.vector_load %arg6[%parallel_loop3A_204, %parallel_loop3A_205] {strides = array<i32>} : memref<8x2048xf32, #tpu.memory_space<vmem>>, vector<16xf32>,
      tpu.vector_store %arg6[%parallel_loop3A_204, %parallel_loop3A_205], %parallel_loop3A_200 {strides = array<i32>} : memref<8x2048xf32, #tpu.memory_space<vmem>>, vector<16xf32>,
      %parallel_loop3A_207 = arith.constant 15 : i32
      %parallel_loop3A_208 = vector.broadcast %parallel_loop3A_207 : i32 to vector<16x1xi32>
      %parallel_loop3A_209 = vector.shape_cast %parallel_loop3A_208 : vector<16x1xi32> to vector<16xi32>
      %parallel_loop3A_210 = tpu.dynamic_gather %parallel_loop3A_200[%parallel_loop3A_209] in [0] : vector<16xf32>, vector<16xi32> -> vector<16xf32>
      %parallel_loop3A_211 = arith.constant 16 : i32
      %parallel_loop3A_212 = arith.muli %parallel_loop3A_211, %parallel_loop3A_162 : i32
      %parallel_loop3A_213 = arith.constant 2 : i32
      %parallel_loop3A_214 = arith.index_cast %parallel_loop3A_213 : i32 to index
      %parallel_loop3A_215 = arith.index_cast %parallel_loop3A_212 : i32 to index
      %parallel_loop3A_216 = tpu.vector_load %arg4[%parallel_loop3A_214, %parallel_loop3A_215] {strides = array<i32>} : memref<8x2048xf32, #tpu.memory_space<vmem>>, vector<16xf32>,
      %parallel_loop3A_217 = arith.constant true
      %parallel_loop3A_218 = vector.broadcast %parallel_loop3A_217 : i1 to vector<16xi1>
      %parallel_loop3A_219 = tpu.scan <sum>, %parallel_loop3A_216 masked %parallel_loop3A_218 : vector<16xf32>, vector<16xi1> -> vector<16xf32>
      %parallel_loop3A_220 = arith.addf %parallel_loop3A_219, %parallel_loop3A_165 : vector<16xf32>
      %parallel_loop3A_221 = arith.constant 16 : i32
      %parallel_loop3A_222 = arith.muli %parallel_loop3A_221, %parallel_loop3A_162 : i32
      %parallel_loop3A_223 = arith.constant 2 : i32
      %parallel_loop3A_224 = arith.index_cast %parallel_loop3A_223 : i32 to index
      %parallel_loop3A_225 = arith.index_cast %parallel_loop3A_222 : i32 to index
      %parallel_loop3A_226 = tpu.vector_load %arg6[%parallel_loop3A_224, %parallel_loop3A_225] {strides = array<i32>} : memref<8x2048xf32, #tpu.memory_space<vmem>>, vector<16xf32>,
      tpu.vector_store %arg6[%parallel_loop3A_224, %parallel_loop3A_225], %parallel_loop3A_220 {strides = array<i32>} : memref<8x2048xf32, #tpu.memory_space<vmem>>, vector<16xf32>,
      %parallel_loop3A_227 = arith.constant 15 : i32
      %parallel_loop3A_228 = vector.broadcast %parallel_loop3A_227 : i32 to vector<16x1xi32>
      %parallel_loop3A_229 = vector.shape_cast %parallel_loop3A_228 : vector<16x1xi32> to vector<16xi32>
      %parallel_loop3A_230 = tpu.dynamic_gather %parallel_loop3A_220[%parallel_loop3A_229] in [0] : vector<16xf32>, vector<16xi32> -> vector<16xf32>
      %parallel_loop3A_231 = arith.constant 16 : i32
      %parallel_loop3A_232 = arith.muli %parallel_loop3A_231, %parallel_loop3A_162 : i32
      %parallel_loop3A_233 = arith.constant 3 : i32
      %parallel_loop3A_234 = arith.index_cast %parallel_loop3A_233 : i32 to index
      %parallel_loop3A_235 = arith.index_cast %parallel_loop3A_232 : i32 to index
      %parallel_loop3A_236 = tpu.vector_load %arg4[%parallel_loop3A_234, %parallel_loop3A_235] {strides = array<i32>} : memref<8x2048xf32, #tpu.memory_space<vmem>>, vector<16xf32>,
      %parallel_loop3A_237 = arith.constant true
      %parallel_loop3A_238 = vector.broadcast %parallel_loop3A_237 : i1 to vector<16xi1>
      %parallel_loop3A_239 = tpu.scan <sum>, %parallel_loop3A_236 masked %parallel_loop3A_238 : vector<16xf32>, vector<16xi1> -> vector<16xf32>
      %parallel_loop3A_240 = arith.addf %parallel_loop3A_239, %parallel_loop3A_166 : vector<16xf32>
      %parallel_loop3A_241 = arith.constant 16 : i32
      %parallel_loop3A_242 = arith.muli %parallel_loop3A_241, %parallel_loop3A_162 : i32
      %parallel_loop3A_243 = arith.constant 3 : i32
      %parallel_loop3A_244 = arith.index_cast %parallel_loop3A_243 : i32 to index
      %parallel_loop3A_245 = arith.index_cast %parallel_loop3A_242 : i32 to index
      %parallel_loop3A_246 = tpu.vector_load %arg6[%parallel_loop3A_244, %parallel_loop3A_245] {strides = array<i32>} : memref<8x2048xf32, #tpu.memory_space<vmem>>, vector<16xf32>,
      tpu.vector_store %arg6[%parallel_loop3A_244, %parallel_loop3A_245], %parallel_loop3A_240 {strides = array<i32>} : memref<8x2048xf32, #tpu.memory_space<vmem>>, vector<16xf32>,
      %parallel_loop3A_247 = arith.constant 15 : i32
      %parallel_loop3A_248 = vector.broadcast %parallel_loop3A_247 : i32 to vector<16x1xi32>
      %parallel_loop3A_249 = vector.shape_cast %parallel_loop3A_248 : vector<16x1xi32> to vector<16xi32>
      %parallel_loop3A_250 = tpu.dynamic_gather %parallel_loop3A_240[%parallel_loop3A_249] in [0] : vector<16xf32>, vector<16xi32> -> vector<16xf32>
      %parallel_loop3A_251 = arith.constant 16 : i32
      %parallel_loop3A_252 = arith.muli %parallel_loop3A_251, %parallel_loop3A_162 : i32
      %parallel_loop3A_253 = arith.constant 4 : i32
      %parallel_loop3A_254 = arith.index_cast %parallel_loop3A_253 : i32 to index
      %parallel_loop3A_255 = arith.index_cast %parallel_loop3A_252 : i32 to index
      %parallel_loop3A_256 = tpu.vector_load %arg4[%parallel_loop3A_254, %parallel_loop3A_255] {strides = array<i32>} : memref<8x2048xf32, #tpu.memory_space<vmem>>, vector<16xf32>,
      %parallel_loop3A_257 = arith.constant true
      %parallel_loop3A_258 = vector.broadcast %parallel_loop3A_257 : i1 to vector<16xi1>
      %parallel_loop3A_259 = tpu.scan <sum>, %parallel_loop3A_256 masked %parallel_loop3A_258 : vector<16xf32>, vector<16xi1> -> vector<16xf32>
      %parallel_loop3A_260 = arith.addf %parallel_loop3A_259, %parallel_loop3A_167 : vector<16xf32>
      %parallel_loop3A_261 = arith.constant 16 : i32
      %parallel_loop3A_262 = arith.muli %parallel_loop3A_261, %parallel_loop3A_162 : i32
      %parallel_loop3A_263 = arith.constant 4 : i32
      %parallel_loop3A_264 = arith.index_cast %parallel_loop3A_263 : i32 to index
      %parallel_loop3A_265 = arith.index_cast %parallel_loop3A_262 : i32 to index
      %parallel_loop3A_266 = tpu.vector_load %arg6[%parallel_loop3A_264, %parallel_loop3A_265] {strides = array<i32>} : memref<8x2048xf32, #tpu.memory_space<vmem>>, vector<16xf32>,
      tpu.vector_store %arg6[%parallel_loop3A_264, %parallel_loop3A_265], %parallel_loop3A_260 {strides = array<i32>} : memref<8x2048xf32, #tpu.memory_space<vmem>>, vector<16xf32>,
      %parallel_loop3A_267 = arith.constant 15 : i32
      %parallel_loop3A_268 = vector.broadcast %parallel_loop3A_267 : i32 to vector<16x1xi32>
      %parallel_loop3A_269 = vector.shape_cast %parallel_loop3A_268 : vector<16x1xi32> to vector<16xi32>
      %parallel_loop3A_270 = tpu.dynamic_gather %parallel_loop3A_260[%parallel_loop3A_269] in [0] : vector<16xf32>, vector<16xi32> -> vector<16xf32>
      %parallel_loop3A_271 = arith.constant 16 : i32
      %parallel_loop3A_272 = arith.muli %parallel_loop3A_271, %parallel_loop3A_162 : i32
      %parallel_loop3A_273 = arith.constant 5 : i32
      %parallel_loop3A_274 = arith.index_cast %parallel_loop3A_273 : i32 to index
      %parallel_loop3A_275 = arith.index_cast %parallel_loop3A_272 : i32 to index
      %parallel_loop3A_276 = tpu.vector_load %arg4[%parallel_loop3A_274, %parallel_loop3A_275] {strides = array<i32>} : memref<8x2048xf32, #tpu.memory_space<vmem>>, vector<16xf32>,
      %parallel_loop3A_277 = arith.constant true
      %parallel_loop3A_278 = vector.broadcast %parallel_loop3A_277 : i1 to vector<16xi1>
      %parallel_loop3A_279 = tpu.scan <sum>, %parallel_loop3A_276 masked %parallel_loop3A_278 : vector<16xf32>, vector<16xi1> -> vector<16xf32>
      %parallel_loop3A_280 = arith.addf %parallel_loop3A_279, %parallel_loop3A_168 : vector<16xf32>
      %parallel_loop3A_281 = arith.constant 16 : i32
      %parallel_loop3A_282 = arith.muli %parallel_loop3A_281, %parallel_loop3A_162 : i32
      %parallel_loop3A_283 = arith.constant 5 : i32
      %parallel_loop3A_284 = arith.index_cast %parallel_loop3A_283 : i32 to index
      %parallel_loop3A_285 = arith.index_cast %parallel_loop3A_282 : i32 to index
      %parallel_loop3A_286 = tpu.vector_load %arg6[%parallel_loop3A_284, %parallel_loop3A_285] {strides = array<i32>} : memref<8x2048xf32, #tpu.memory_space<vmem>>, vector<16xf32>,
      tpu.vector_store %arg6[%parallel_loop3A_284, %parallel_loop3A_285], %parallel_loop3A_280 {strides = array<i32>} : memref<8x2048xf32, #tpu.memory_space<vmem>>, vector<16xf32>,
      %parallel_loop3A_287 = arith.constant 15 : i32
      %parallel_loop3A_288 = vector.broadcast %parallel_loop3A_287 : i32 to vector<16x1xi32>
      %parallel_loop3A_289 = vector.shape_cast %parallel_loop3A_288 : vector<16x1xi32> to vector<16xi32>
      %parallel_loop3A_290 = tpu.dynamic_gather %parallel_loop3A_280[%parallel_loop3A_289] in [0] : vector<16xf32>, vector<16xi32> -> vector<16xf32>
      %parallel_loop3A_291 = arith.constant 16 : i32
      %parallel_loop3A_292 = arith.muli %parallel_loop3A_291, %parallel_loop3A_162 : i32
      %parallel_loop3A_293 = arith.constant 6 : i32
      %parallel_loop3A_294 = arith.index_cast %parallel_loop3A_293 : i32 to index
      %parallel_loop3A_295 = arith.index_cast %parallel_loop3A_292 : i32 to index
      %parallel_loop3A_296 = tpu.vector_load %arg4[%parallel_loop3A_294, %parallel_loop3A_295] {strides = array<i32>} : memref<8x2048xf32, #tpu.memory_space<vmem>>, vector<16xf32>,
      %parallel_loop3A_297 = arith.constant true
      %parallel_loop3A_298 = vector.broadcast %parallel_loop3A_297 : i1 to vector<16xi1>
      %parallel_loop3A_299 = tpu.scan <sum>, %parallel_loop3A_296 masked %parallel_loop3A_298 : vector<16xf32>, vector<16xi1> -> vector<16xf32>
      %parallel_loop3A_300 = arith.addf %parallel_loop3A_299, %parallel_loop3A_169 : vector<16xf32>
      %parallel_loop3A_301 = arith.constant 16 : i32
      %parallel_loop3A_302 = arith.muli %parallel_loop3A_301, %parallel_loop3A_162 : i32
      %parallel_loop3A_303 = arith.constant 6 : i32
      %parallel_loop3A_304 = arith.index_cast %parallel_loop3A_303 : i32 to index
      %parallel_loop3A_305 = arith.index_cast %parallel_loop3A_302 : i32 to index
      %parallel_loop3A_306 = tpu.vector_load %arg6[%parallel_loop3A_304, %parallel_loop3A_305] {strides = array<i32>} : memref<8x2048xf32, #tpu.memory_space<vmem>>, vector<16xf32>,
      tpu.vector_store %arg6[%parallel_loop3A_304, %parallel_loop3A_305], %parallel_loop3A_300 {strides = array<i32>} : memref<8x2048xf32, #tpu.memory_space<vmem>>, vector<16xf32>,
      %parallel_loop3A_307 = arith.constant 15 : i32
      %parallel_loop3A_308 = vector.broadcast %parallel_loop3A_307 : i32 to vector<16x1xi32>
      %parallel_loop3A_309 = vector.shape_cast %parallel_loop3A_308 : vector<16x1xi32> to vector<16xi32>
      %parallel_loop3A_310 = tpu.dynamic_gather %parallel_loop3A_300[%parallel_loop3A_309] in [0] : vector<16xf32>, vector<16xi32> -> vector<16xf32>
      %parallel_loop3A_311 = arith.constant 16 : i32
      %parallel_loop3A_312 = arith.muli %parallel_loop3A_311, %parallel_loop3A_162 : i32
      %parallel_loop3A_313 = arith.constant 7 : i32
      %parallel_loop3A_314 = arith.index_cast %parallel_loop3A_313 : i32 to index
      %parallel_loop3A_315 = arith.index_cast %parallel_loop3A_312 : i32 to index
      %parallel_loop3A_316 = tpu.vector_load %arg4[%parallel_loop3A_314, %parallel_loop3A_315] {strides = array<i32>} : memref<8x2048xf32, #tpu.memory_space<vmem>>, vector<16xf32>,
      %parallel_loop3A_317 = arith.constant true
      %parallel_loop3A_318 = vector.broadcast %parallel_loop3A_317 : i1 to vector<16xi1>
      %parallel_loop3A_319 = tpu.scan <sum>, %parallel_loop3A_316 masked %parallel_loop3A_318 : vector<16xf32>, vector<16xi1> -> vector<16xf32>
      %parallel_loop3A_320 = arith.addf %parallel_loop3A_319, %parallel_loop3A_170 : vector<16xf32>
      %parallel_loop3A_321 = arith.constant 16 : i32
      %parallel_loop3A_322 = arith.muli %parallel_loop3A_321, %parallel_loop3A_162 : i32
      %parallel_loop3A_323 = arith.constant 7 : i32
      %parallel_loop3A_324 = arith.index_cast %parallel_loop3A_323 : i32 to index
      %parallel_loop3A_325 = arith.index_cast %parallel_loop3A_322 : i32 to index
      %parallel_loop3A_326 = tpu.vector_load %arg6[%parallel_loop3A_324, %parallel_loop3A_325] {strides = array<i32>} : memref<8x2048xf32, #tpu.memory_space<vmem>>, vector<16xf32>,
      tpu.vector_store %arg6[%parallel_loop3A_324, %parallel_loop3A_325], %parallel_loop3A_320 {strides = array<i32>} : memref<8x2048xf32, #tpu.memory_space<vmem>>, vector<16xf32>,
      %parallel_loop3A_327 = arith.constant 15 : i32
      %parallel_loop3A_328 = vector.broadcast %parallel_loop3A_327 : i32 to vector<16x1xi32>
      %parallel_loop3A_329 = vector.shape_cast %parallel_loop3A_328 : vector<16x1xi32> to vector<16xi32>
      %parallel_loop3A_330 = tpu.dynamic_gather %parallel_loop3A_320[%parallel_loop3A_329] in [0] : vector<16xf32>, vector<16xi32> -> vector<16xf32>
      scf.yield %parallel_loop3A_190, %parallel_loop3A_210, %parallel_loop3A_230, %parallel_loop3A_250, %parallel_loop3A_270, %parallel_loop3A_290, %parallel_loop3A_310, %parallel_loop3A_330 : vector<16xf32>, vector<16xf32>, vector<16xf32>, vector<16xf32>, vector<16xf32>, vector<16xf32>, vector<16xf32>, vector<16xf32>
    } {sc.loop_unroll_factor = 4 : i64, sc.parallel_access}
    %add3A_67 = arith.constant 0 : i32
    %add3A_68 = arith.addi %mul3A_2, %add3A_67 : i32
    %dma_start3A_69 = arith.constant 0 : i32
    %dma_start3A_70 = tpu.memref_slice %arg3[%add3A_68, %dma_start3A_69] : memref<8192x4096xf32, #tpu.memory_space<hbm>> -> memref<8x2048xf32, #tpu.memory_space<hbm>>
    %dma_start3A_71 = arith.constant 0 : i32
    %dma_start3A_72 = tpu.memref_slice %arg3[%add3A_68, %dma_start3A_71] : memref<8192x4096xf32, #tpu.memory_space<hbm>> -> memref<8x2048xf32, #tpu.memory_space<hbm>>
    tpu.enqueue_dma source(%arg6 : memref<8x2048xf32, #tpu.memory_space<vmem>>) target(%dma_start3A_72 : memref<8x2048xf32, #tpu.memory_space<hbm>>) target_semaphore(%arg10 : memref<!tpu.dma_semaphore, #tpu.memory_space<semaphore_mem>>)
    %add3A_73 = arith.constant 8 : i32
    %add3A_74 = arith.addi %mul3A_2, %add3A_73 : i32
    %dma_start3A_75 = arith.constant 0 : i32
    %dma_start3A_76 = tpu.memref_slice %arg2[%add3A_74, %dma_start3A_75] : memref<8192x4096xf32, #tpu.memory_space<hbm>> -> memref<8x2048xf32, #tpu.memory_space<hbm>>
    %dma_start3A_77 = arith.constant 0 : i32
    %dma_start3A_78 = tpu.memref_slice %arg2[%add3A_74, %dma_start3A_77] : memref<8192x4096xf32, #tpu.memory_space<hbm>> -> memref<8x2048xf32, #tpu.memory_space<hbm>>
    tpu.enqueue_dma source(%dma_start3A_78 : memref<8x2048xf32, #tpu.memory_space<hbm>>) target(%arg4 : memref<8x2048xf32, #tpu.memory_space<vmem>>) target_semaphore(%arg8 : memref<!tpu.dma_semaphore, #tpu.memory_space<semaphore_mem>>)
    %dma_wait3A_79 = arith.constant 0 : i32
    %dma_wait3A_80 = arith.constant 0 : i32
    %dma_wait3A_81 = tpu.memref_slice %arg2[%dma_wait3A_79, %dma_wait3A_80] : memref<8192x4096xf32, #tpu.memory_space<hbm>> -> memref<8x2048xf32, #tpu.memory_space<hbm>>
    %dma_wait3A_82 = arith.constant 0 : i32
    %dma_wait3A_83 = arith.constant 0 : i32
    %dma_wait3A_84 = tpu.memref_slice %arg2[%dma_wait3A_82, %dma_wait3A_83] : memref<8192x4096xf32, #tpu.memory_space<hbm>> -> memref<8x2048xf32, #tpu.memory_space<hbm>>
    tpu.wait_dma2 semaphore(%arg9 : memref<!tpu.dma_semaphore, #tpu.memory_space<semaphore_mem>>) src(%dma_wait3A_84 : memref<8x2048xf32, #tpu.memory_space<hbm>>) dst(%arg5 : memref<8x2048xf32, #tpu.memory_space<vmem>>)
    %broadcast_in_dim3A_85 = arith.constant 0.000000e+00 : f32
    %broadcast_in_dim3A_86 = vector.broadcast %broadcast_in_dim3A_85 : f32 to vector<16xf32>
    %jit3A_87 = arith.constant false
    %select_n3A_88 = arith.select %jit3A_87, %broadcast_in_dim3A_86, %parallel_loop3A_66#0 : vector<16xf32>
    %broadcast_in_dim3A_89 = arith.constant 0.000000e+00 : f32
    %broadcast_in_dim3A_90 = vector.broadcast %broadcast_in_dim3A_89 : f32 to vector<16xf32>
    %jit3A_91 = arith.constant false
    %select_n3A_92 = arith.select %jit3A_91, %broadcast_in_dim3A_90, %parallel_loop3A_66#1 : vector<16xf32>
    %broadcast_in_dim3A_93 = arith.constant 0.000000e+00 : f32
    %broadcast_in_dim3A_94 = vector.broadcast %broadcast_in_dim3A_93 : f32 to vector<16xf32>
    %jit3A_95 = arith.constant false
    %select_n3A_96 = arith.select %jit3A_95, %broadcast_in_dim3A_94, %parallel_loop3A_66#2 : vector<16xf32>
    %broadcast_in_dim3A_97 = arith.constant 0.000000e+00 : f32
    %broadcast_in_dim3A_98 = vector.broadcast %broadcast_in_dim3A_97 : f32 to vector<16xf32>
    %jit3A_99 = arith.constant false
    %select_n3A_100 = arith.select %jit3A_99, %broadcast_in_dim3A_98, %parallel_loop3A_66#3 : vector<16xf32>
    %broadcast_in_dim3A_101 = arith.constant 0.000000e+00 : f32
    %broadcast_in_dim3A_102 = vector.broadcast %broadcast_in_dim3A_101 : f32 to vector<16xf32>
    %jit3A_103 = arith.constant false
    %select_n3A_104 = arith.select %jit3A_103, %broadcast_in_dim3A_102, %parallel_loop3A_66#4 : vector<16xf32>
    %broadcast_in_dim3A_105 = arith.constant 0.000000e+00 : f32
    %broadcast_in_dim3A_106 = vector.broadcast %broadcast_in_dim3A_105 : f32 to vector<16xf32>
    %jit3A_107 = arith.constant false
    %select_n3A_108 = arith.select %jit3A_107, %broadcast_in_dim3A_106, %parallel_loop3A_66#5 : vector<16xf32>
    %broadcast_in_dim3A_109 = arith.constant 0.000000e+00 : f32
    %broadcast_in_dim3A_110 = vector.broadcast %broadcast_in_dim3A_109 : f32 to vector<16xf32>
    %jit3A_111 = arith.constant false
    %select_n3A_112 = arith.select %jit3A_111, %broadcast_in_dim3A_110, %parallel_loop3A_66#6 : vector<16xf32>
    %broadcast_in_dim3A_113 = arith.constant 0.000000e+00 : f32
    %broadcast_in_dim3A_114 = vector.broadcast %broadcast_in_dim3A_113 : f32 to vector<16xf32>
    %jit3A_115 = arith.constant false
    %select_n3A_116 = arith.select %jit3A_115, %broadcast_in_dim3A_114, %parallel_loop3A_66#7 : vector<16xf32>
    %parallel_loop3A_117 = arith.constant 0 : i32
    %parallel_loop3A_118 = arith.constant 128 : i32
    %parallel_loop3A_119 = arith.constant 1 : i32
    %parallel_loop3A_120:8 = scf.for %parallel_loop3A_162 = %parallel_loop3A_117 to %parallel_loop3A_118 step %parallel_loop3A_119 iter_args(%parallel_loop3A_163 = %select_n3A_88, %parallel_loop3A_164 = %select_n3A_92, %parallel_loop3A_165 = %select_n3A_96, %parallel_loop3A_166 = %select_n3A_100, %parallel_loop3A_167 = %select_n3A_104, %parallel_loop3A_168 = %select_n3A_108, %parallel_loop3A_169 = %select_n3A_112, %parallel_loop3A_170 = %select_n3A_116) -> (vector<16xf32>, vector<16xf32>, vector<16xf32>, vector<16xf32>, vector<16xf32>, vector<16xf32>, vector<16xf32>, vector<16xf32>)  : i32 {
      %parallel_loop3A_171 = arith.constant 16 : i32
      %parallel_loop3A_172 = arith.muli %parallel_loop3A_171, %parallel_loop3A_162 : i32
      %parallel_loop3A_173 = arith.constant 0 : i32
      %parallel_loop3A_174 = arith.index_cast %parallel_loop3A_173 : i32 to index
      %parallel_loop3A_175 = arith.index_cast %parallel_loop3A_172 : i32 to index
      %parallel_loop3A_176 = tpu.vector_load %arg5[%parallel_loop3A_174, %parallel_loop3A_175] {strides = array<i32>} : memref<8x2048xf32, #tpu.memory_space<vmem>>, vector<16xf32>,
      %parallel_loop3A_177 = arith.constant true
      %parallel_loop3A_178 = vector.broadcast %parallel_loop3A_177 : i1 to vector<16xi1>
      %parallel_loop3A_179 = tpu.scan <sum>, %parallel_loop3A_176 masked %parallel_loop3A_178 : vector<16xf32>, vector<16xi1> -> vector<16xf32>
      %parallel_loop3A_180 = arith.addf %parallel_loop3A_179, %parallel_loop3A_163 : vector<16xf32>
      %parallel_loop3A_181 = arith.constant 16 : i32
      %parallel_loop3A_182 = arith.muli %parallel_loop3A_181, %parallel_loop3A_162 : i32
      %parallel_loop3A_183 = arith.constant 0 : i32
      %parallel_loop3A_184 = arith.index_cast %parallel_loop3A_183 : i32 to index
      %parallel_loop3A_185 = arith.index_cast %parallel_loop3A_182 : i32 to index
      %parallel_loop3A_186 = tpu.vector_load %arg7[%parallel_loop3A_184, %parallel_loop3A_185] {strides = array<i32>} : memref<8x2048xf32, #tpu.memory_space<vmem>>, vector<16xf32>,
      tpu.vector_store %arg7[%parallel_loop3A_184, %parallel_loop3A_185], %parallel_loop3A_180 {strides = array<i32>} : memref<8x2048xf32, #tpu.memory_space<vmem>>, vector<16xf32>,
      %parallel_loop3A_187 = arith.constant 15 : i32
      %parallel_loop3A_188 = vector.broadcast %parallel_loop3A_187 : i32 to vector<16x1xi32>
      %parallel_loop3A_189 = vector.shape_cast %parallel_loop3A_188 : vector<16x1xi32> to vector<16xi32>
      %parallel_loop3A_190 = tpu.dynamic_gather %parallel_loop3A_180[%parallel_loop3A_189] in [0] : vector<16xf32>, vector<16xi32> -> vector<16xf32>
      %parallel_loop3A_191 = arith.constant 16 : i32
      %parallel_loop3A_192 = arith.muli %parallel_loop3A_191, %parallel_loop3A_162 : i32
      %parallel_loop3A_193 = arith.constant 1 : i32
      %parallel_loop3A_194 = arith.index_cast %parallel_loop3A_193 : i32 to index
      %parallel_loop3A_195 = arith.index_cast %parallel_loop3A_192 : i32 to index
      %parallel_loop3A_196 = tpu.vector_load %arg5[%parallel_loop3A_194, %parallel_loop3A_195] {strides = array<i32>} : memref<8x2048xf32, #tpu.memory_space<vmem>>, vector<16xf32>,
      %parallel_loop3A_197 = arith.constant true
      %parallel_loop3A_198 = vector.broadcast %parallel_loop3A_197 : i1 to vector<16xi1>
      %parallel_loop3A_199 = tpu.scan <sum>, %parallel_loop3A_196 masked %parallel_loop3A_198 : vector<16xf32>, vector<16xi1> -> vector<16xf32>
      %parallel_loop3A_200 = arith.addf %parallel_loop3A_199, %parallel_loop3A_164 : vector<16xf32>
      %parallel_loop3A_201 = arith.constant 16 : i32
      %parallel_loop3A_202 = arith.muli %parallel_loop3A_201, %parallel_loop3A_162 : i32
      %parallel_loop3A_203 = arith.constant 1 : i32
      %parallel_loop3A_204 = arith.index_cast %parallel_loop3A_203 : i32 to index
      %parallel_loop3A_205 = arith.index_cast %parallel_loop3A_202 : i32 to index
      %parallel_loop3A_206 = tpu.vector_load %arg7[%parallel_loop3A_204, %parallel_loop3A_205] {strides = array<i32>} : memref<8x2048xf32, #tpu.memory_space<vmem>>, vector<16xf32>,
      tpu.vector_store %arg7[%parallel_loop3A_204, %parallel_loop3A_205], %parallel_loop3A_200 {strides = array<i32>} : memref<8x2048xf32, #tpu.memory_space<vmem>>, vector<16xf32>,
      %parallel_loop3A_207 = arith.constant 15 : i32
      %parallel_loop3A_208 = vector.broadcast %parallel_loop3A_207 : i32 to vector<16x1xi32>
      %parallel_loop3A_209 = vector.shape_cast %parallel_loop3A_208 : vector<16x1xi32> to vector<16xi32>
      %parallel_loop3A_210 = tpu.dynamic_gather %parallel_loop3A_200[%parallel_loop3A_209] in [0] : vector<16xf32>, vector<16xi32> -> vector<16xf32>
      %parallel_loop3A_211 = arith.constant 16 : i32
      %parallel_loop3A_212 = arith.muli %parallel_loop3A_211, %parallel_loop3A_162 : i32
      %parallel_loop3A_213 = arith.constant 2 : i32
      %parallel_loop3A_214 = arith.index_cast %parallel_loop3A_213 : i32 to index
      %parallel_loop3A_215 = arith.index_cast %parallel_loop3A_212 : i32 to index
      %parallel_loop3A_216 = tpu.vector_load %arg5[%parallel_loop3A_214, %parallel_loop3A_215] {strides = array<i32>} : memref<8x2048xf32, #tpu.memory_space<vmem>>, vector<16xf32>,
      %parallel_loop3A_217 = arith.constant true
      %parallel_loop3A_218 = vector.broadcast %parallel_loop3A_217 : i1 to vector<16xi1>
      %parallel_loop3A_219 = tpu.scan <sum>, %parallel_loop3A_216 masked %parallel_loop3A_218 : vector<16xf32>, vector<16xi1> -> vector<16xf32>
      %parallel_loop3A_220 = arith.addf %parallel_loop3A_219, %parallel_loop3A_165 : vector<16xf32>
      %parallel_loop3A_221 = arith.constant 16 : i32
      %parallel_loop3A_222 = arith.muli %parallel_loop3A_221, %parallel_loop3A_162 : i32
      %parallel_loop3A_223 = arith.constant 2 : i32
      %parallel_loop3A_224 = arith.index_cast %parallel_loop3A_223 : i32 to index
      %parallel_loop3A_225 = arith.index_cast %parallel_loop3A_222 : i32 to index
      %parallel_loop3A_226 = tpu.vector_load %arg7[%parallel_loop3A_224, %parallel_loop3A_225] {strides = array<i32>} : memref<8x2048xf32, #tpu.memory_space<vmem>>, vector<16xf32>,
      tpu.vector_store %arg7[%parallel_loop3A_224, %parallel_loop3A_225], %parallel_loop3A_220 {strides = array<i32>} : memref<8x2048xf32, #tpu.memory_space<vmem>>, vector<16xf32>,
      %parallel_loop3A_227 = arith.constant 15 : i32
      %parallel_loop3A_228 = vector.broadcast %parallel_loop3A_227 : i32 to vector<16x1xi32>
      %parallel_loop3A_229 = vector.shape_cast %parallel_loop3A_228 : vector<16x1xi32> to vector<16xi32>
      %parallel_loop3A_230 = tpu.dynamic_gather %parallel_loop3A_220[%parallel_loop3A_229] in [0] : vector<16xf32>, vector<16xi32> -> vector<16xf32>
      %parallel_loop3A_231 = arith.constant 16 : i32
      %parallel_loop3A_232 = arith.muli %parallel_loop3A_231, %parallel_loop3A_162 : i32
      %parallel_loop3A_233 = arith.constant 3 : i32
      %parallel_loop3A_234 = arith.index_cast %parallel_loop3A_233 : i32 to index
      %parallel_loop3A_235 = arith.index_cast %parallel_loop3A_232 : i32 to index
      %parallel_loop3A_236 = tpu.vector_load %arg5[%parallel_loop3A_234, %parallel_loop3A_235] {strides = array<i32>} : memref<8x2048xf32, #tpu.memory_space<vmem>>, vector<16xf32>,
      %parallel_loop3A_237 = arith.constant true
      %parallel_loop3A_238 = vector.broadcast %parallel_loop3A_237 : i1 to vector<16xi1>
      %parallel_loop3A_239 = tpu.scan <sum>, %parallel_loop3A_236 masked %parallel_loop3A_238 : vector<16xf32>, vector<16xi1> -> vector<16xf32>
      %parallel_loop3A_240 = arith.addf %parallel_loop3A_239, %parallel_loop3A_166 : vector<16xf32>
      %parallel_loop3A_241 = arith.constant 16 : i32
      %parallel_loop3A_242 = arith.muli %parallel_loop3A_241, %parallel_loop3A_162 : i32
      %parallel_loop3A_243 = arith.constant 3 : i32
      %parallel_loop3A_244 = arith.index_cast %parallel_loop3A_243 : i32 to index
      %parallel_loop3A_245 = arith.index_cast %parallel_loop3A_242 : i32 to index
      %parallel_loop3A_246 = tpu.vector_load %arg7[%parallel_loop3A_244, %parallel_loop3A_245] {strides = array<i32>} : memref<8x2048xf32, #tpu.memory_space<vmem>>, vector<16xf32>,
      tpu.vector_store %arg7[%parallel_loop3A_244, %parallel_loop3A_245], %parallel_loop3A_240 {strides = array<i32>} : memref<8x2048xf32, #tpu.memory_space<vmem>>, vector<16xf32>,
      %parallel_loop3A_247 = arith.constant 15 : i32
      %parallel_loop3A_248 = vector.broadcast %parallel_loop3A_247 : i32 to vector<16x1xi32>
      %parallel_loop3A_249 = vector.shape_cast %parallel_loop3A_248 : vector<16x1xi32> to vector<16xi32>
      %parallel_loop3A_250 = tpu.dynamic_gather %parallel_loop3A_240[%parallel_loop3A_249] in [0] : vector<16xf32>, vector<16xi32> -> vector<16xf32>
      %parallel_loop3A_251 = arith.constant 16 : i32
      %parallel_loop3A_252 = arith.muli %parallel_loop3A_251, %parallel_loop3A_162 : i32
      %parallel_loop3A_253 = arith.constant 4 : i32
      %parallel_loop3A_254 = arith.index_cast %parallel_loop3A_253 : i32 to index
      %parallel_loop3A_255 = arith.index_cast %parallel_loop3A_252 : i32 to index
      %parallel_loop3A_256 = tpu.vector_load %arg5[%parallel_loop3A_254, %parallel_loop3A_255] {strides = array<i32>} : memref<8x2048xf32, #tpu.memory_space<vmem>>, vector<16xf32>,
      %parallel_loop3A_257 = arith.constant true
      %parallel_loop3A_258 = vector.broadcast %parallel_loop3A_257 : i1 to vector<16xi1>
      %parallel_loop3A_259 = tpu.scan <sum>, %parallel_loop3A_256 masked %parallel_loop3A_258 : vector<16xf32>, vector<16xi1> -> vector<16xf32>
      %parallel_loop3A_260 = arith.addf %parallel_loop3A_259, %parallel_loop3A_167 : vector<16xf32>
      %parallel_loop3A_261 = arith.constant 16 : i32
      %parallel_loop3A_262 = arith.muli %parallel_loop3A_261, %parallel_loop3A_162 : i32
      %parallel_loop3A_263 = arith.constant 4 : i32
      %parallel_loop3A_264 = arith.index_cast %parallel_loop3A_263 : i32 to index
      %parallel_loop3A_265 = arith.index_cast %parallel_loop3A_262 : i32 to index
      %parallel_loop3A_266 = tpu.vector_load %arg7[%parallel_loop3A_264, %parallel_loop3A_265] {strides = array<i32>} : memref<8x2048xf32, #tpu.memory_space<vmem>>, vector<16xf32>,
      tpu.vector_store %arg7[%parallel_loop3A_264, %parallel_loop3A_265], %parallel_loop3A_260 {strides = array<i32>} : memref<8x2048xf32, #tpu.memory_space<vmem>>, vector<16xf32>,
      %parallel_loop3A_267 = arith.constant 15 : i32
      %parallel_loop3A_268 = vector.broadcast %parallel_loop3A_267 : i32 to vector<16x1xi32>
      %parallel_loop3A_269 = vector.shape_cast %parallel_loop3A_268 : vector<16x1xi32> to vector<16xi32>
      %parallel_loop3A_270 = tpu.dynamic_gather %parallel_loop3A_260[%parallel_loop3A_269] in [0] : vector<16xf32>, vector<16xi32> -> vector<16xf32>
      %parallel_loop3A_271 = arith.constant 16 : i32
      %parallel_loop3A_272 = arith.muli %parallel_loop3A_271, %parallel_loop3A_162 : i32
      %parallel_loop3A_273 = arith.constant 5 : i32
      %parallel_loop3A_274 = arith.index_cast %parallel_loop3A_273 : i32 to index
      %parallel_loop3A_275 = arith.index_cast %parallel_loop3A_272 : i32 to index
      %parallel_loop3A_276 = tpu.vector_load %arg5[%parallel_loop3A_274, %parallel_loop3A_275] {strides = array<i32>} : memref<8x2048xf32, #tpu.memory_space<vmem>>, vector<16xf32>,
      %parallel_loop3A_277 = arith.constant true
      %parallel_loop3A_278 = vector.broadcast %parallel_loop3A_277 : i1 to vector<16xi1>
      %parallel_loop3A_279 = tpu.scan <sum>, %parallel_loop3A_276 masked %parallel_loop3A_278 : vector<16xf32>, vector<16xi1> -> vector<16xf32>
      %parallel_loop3A_280 = arith.addf %parallel_loop3A_279, %parallel_loop3A_168 : vector<16xf32>
      %parallel_loop3A_281 = arith.constant 16 : i32
      %parallel_loop3A_282 = arith.muli %parallel_loop3A_281, %parallel_loop3A_162 : i32
      %parallel_loop3A_283 = arith.constant 5 : i32
      %parallel_loop3A_284 = arith.index_cast %parallel_loop3A_283 : i32 to index
      %parallel_loop3A_285 = arith.index_cast %parallel_loop3A_282 : i32 to index
      %parallel_loop3A_286 = tpu.vector_load %arg7[%parallel_loop3A_284, %parallel_loop3A_285] {strides = array<i32>} : memref<8x2048xf32, #tpu.memory_space<vmem>>, vector<16xf32>,
      tpu.vector_store %arg7[%parallel_loop3A_284, %parallel_loop3A_285], %parallel_loop3A_280 {strides = array<i32>} : memref<8x2048xf32, #tpu.memory_space<vmem>>, vector<16xf32>,
      %parallel_loop3A_287 = arith.constant 15 : i32
      %parallel_loop3A_288 = vector.broadcast %parallel_loop3A_287 : i32 to vector<16x1xi32>
      %parallel_loop3A_289 = vector.shape_cast %parallel_loop3A_288 : vector<16x1xi32> to vector<16xi32>
      %parallel_loop3A_290 = tpu.dynamic_gather %parallel_loop3A_280[%parallel_loop3A_289] in [0] : vector<16xf32>, vector<16xi32> -> vector<16xf32>
      %parallel_loop3A_291 = arith.constant 16 : i32
      %parallel_loop3A_292 = arith.muli %parallel_loop3A_291, %parallel_loop3A_162 : i32
      %parallel_loop3A_293 = arith.constant 6 : i32
      %parallel_loop3A_294 = arith.index_cast %parallel_loop3A_293 : i32 to index
      %parallel_loop3A_295 = arith.index_cast %parallel_loop3A_292 : i32 to index
      %parallel_loop3A_296 = tpu.vector_load %arg5[%parallel_loop3A_294, %parallel_loop3A_295] {strides = array<i32>} : memref<8x2048xf32, #tpu.memory_space<vmem>>, vector<16xf32>,
      %parallel_loop3A_297 = arith.constant true
      %parallel_loop3A_298 = vector.broadcast %parallel_loop3A_297 : i1 to vector<16xi1>
      %parallel_loop3A_299 = tpu.scan <sum>, %parallel_loop3A_296 masked %parallel_loop3A_298 : vector<16xf32>, vector<16xi1> -> vector<16xf32>
      %parallel_loop3A_300 = arith.addf %parallel_loop3A_299, %parallel_loop3A_169 : vector<16xf32>
      %parallel_loop3A_301 = arith.constant 16 : i32
      %parallel_loop3A_302 = arith.muli %parallel_loop3A_301, %parallel_loop3A_162 : i32
      %parallel_loop3A_303 = arith.constant 6 : i32
      %parallel_loop3A_304 = arith.index_cast %parallel_loop3A_303 : i32 to index
      %parallel_loop3A_305 = arith.index_cast %parallel_loop3A_302 : i32 to index
      %parallel_loop3A_306 = tpu.vector_load %arg7[%parallel_loop3A_304, %parallel_loop3A_305] {strides = array<i32>} : memref<8x2048xf32, #tpu.memory_space<vmem>>, vector<16xf32>,
      tpu.vector_store %arg7[%parallel_loop3A_304, %parallel_loop3A_305], %parallel_loop3A_300 {strides = array<i32>} : memref<8x2048xf32, #tpu.memory_space<vmem>>, vector<16xf32>,
      %parallel_loop3A_307 = arith.constant 15 : i32
      %parallel_loop3A_308 = vector.broadcast %parallel_loop3A_307 : i32 to vector<16x1xi32>
      %parallel_loop3A_309 = vector.shape_cast %parallel_loop3A_308 : vector<16x1xi32> to vector<16xi32>
      %parallel_loop3A_310 = tpu.dynamic_gather %parallel_loop3A_300[%parallel_loop3A_309] in [0] : vector<16xf32>, vector<16xi32> -> vector<16xf32>
      %parallel_loop3A_311 = arith.constant 16 : i32
      %parallel_loop3A_312 = arith.muli %parallel_loop3A_311, %parallel_loop3A_162 : i32
      %parallel_loop3A_313 = arith.constant 7 : i32
      %parallel_loop3A_314 = arith.index_cast %parallel_loop3A_313 : i32 to index
      %parallel_loop3A_315 = arith.index_cast %parallel_loop3A_312 : i32 to index
      %parallel_loop3A_316 = tpu.vector_load %arg5[%parallel_loop3A_314, %parallel_loop3A_315] {strides = array<i32>} : memref<8x2048xf32, #tpu.memory_space<vmem>>, vector<16xf32>,
      %parallel_loop3A_317 = arith.constant true
      %parallel_loop3A_318 = vector.broadcast %parallel_loop3A_317 : i1 to vector<16xi1>
      %parallel_loop3A_319 = tpu.scan <sum>, %parallel_loop3A_316 masked %parallel_loop3A_318 : vector<16xf32>, vector<16xi1> -> vector<16xf32>
      %parallel_loop3A_320 = arith.addf %parallel_loop3A_319, %parallel_loop3A_170 : vector<16xf32>
      %parallel_loop3A_321 = arith.constant 16 : i32
      %parallel_loop3A_322 = arith.muli %parallel_loop3A_321, %parallel_loop3A_162 : i32
      %parallel_loop3A_323 = arith.constant 7 : i32
      %parallel_loop3A_324 = arith.index_cast %parallel_loop3A_323 : i32 to index
      %parallel_loop3A_325 = arith.index_cast %parallel_loop3A_322 : i32 to index
      %parallel_loop3A_326 = tpu.vector_load %arg7[%parallel_loop3A_324, %parallel_loop3A_325] {strides = array<i32>} : memref<8x2048xf32, #tpu.memory_space<vmem>>, vector<16xf32>,
      tpu.vector_store %arg7[%parallel_loop3A_324, %parallel_loop3A_325], %parallel_loop3A_320 {strides = array<i32>} : memref<8x2048xf32, #tpu.memory_space<vmem>>, vector<16xf32>,
      %parallel_loop3A_327 = arith.constant 15 : i32
      %parallel_loop3A_328 = vector.broadcast %parallel_loop3A_327 : i32 to vector<16x1xi32>
      %parallel_loop3A_329 = vector.shape_cast %parallel_loop3A_328 : vector<16x1xi32> to vector<16xi32>
      %parallel_loop3A_330 = tpu.dynamic_gather %parallel_loop3A_320[%parallel_loop3A_329] in [0] : vector<16xf32>, vector<16xi32> -> vector<16xf32>
      scf.yield %parallel_loop3A_190, %parallel_loop3A_210, %parallel_loop3A_230, %parallel_loop3A_250, %parallel_loop3A_270, %parallel_loop3A_290, %parallel_loop3A_310, %parallel_loop3A_330 : vector<16xf32>, vector<16xf32>, vector<16xf32>, vector<16xf32>, vector<16xf32>, vector<16xf32>, vector<16xf32>, vector<16xf32>
    } {sc.loop_unroll_factor = 4 : i64, sc.parallel_access}
    %add3A_121 = arith.constant 0 : i32
    %add3A_122 = arith.addi %mul3A_2, %add3A_121 : i32
    %dma_start3A_123 = arith.constant 2048 : i32
    %dma_start3A_124 = tpu.memref_slice %arg3[%add3A_122, %dma_start3A_123] : memref<8192x4096xf32, #tpu.memory_space<hbm>> -> memref<8x2048xf32, #tpu.memory_space<hbm>>
    %dma_start3A_125 = arith.constant 2048 : i32
    %dma_start3A_126 = tpu.memref_slice %arg3[%add3A_122, %dma_start3A_125] : memref<8192x4096xf32, #tpu.memory_space<hbm>> -> memref<8x2048xf32, #tpu.memory_space<hbm>>
    tpu.enqueue_dma source(%arg7 : memref<8x2048xf32, #tpu.memory_space<vmem>>) target(%dma_start3A_126 : memref<8x2048xf32, #tpu.memory_space<hbm>>) target_semaphore(%arg11 : memref<!tpu.dma_semaphore, #tpu.memory_space<semaphore_mem>>)
    %add3A_127 = arith.constant 8 : i32
    %add3A_128 = arith.addi %mul3A_2, %add3A_127 : i32
    %dma_start3A_129 = arith.constant 2048 : i32
    %dma_start3A_130 = tpu.memref_slice %arg2[%add3A_128, %dma_start3A_129] : memref<8192x4096xf32, #tpu.memory_space<hbm>> -> memref<8x2048xf32, #tpu.memory_space<hbm>>
    %dma_start3A_131 = arith.constant 2048 : i32
    %dma_start3A_132 = tpu.memref_slice %arg2[%add3A_128, %dma_start3A_131] : memref<8192x4096xf32, #tpu.memory_space<hbm>> -> memref<8x2048xf32, #tpu.memory_space<hbm>>
    tpu.enqueue_dma source(%dma_start3A_132 : memref<8x2048xf32, #tpu.memory_space<hbm>>) target(%arg5 : memref<8x2048xf32, #tpu.memory_space<vmem>>) target_semaphore(%arg9 : memref<!tpu.dma_semaphore, #tpu.memory_space<semaphore_mem>>)
    %scan3A = arith.constant 1 : i32
    %scan3A_133 = arith.constant 31 : i32
    %scan3A_134 = arith.addi %scan3A, %scan3A_133 : i32
    %scan3A_135 = arith.constant 1 : i32
    %scan3A_136:8 = scf.for %scan3A_162 = %scan3A to %scan3A_134 step %scan3A_135 iter_args(%scan3A_163 = %parallel_loop3A_120#0, %scan3A_164 = %parallel_loop3A_120#1, %scan3A_165 = %parallel_loop3A_120#2, %scan3A_166 = %parallel_loop3A_120#3, %scan3A_167 = %parallel_loop3A_120#4, %scan3A_168 = %parallel_loop3A_120#5, %scan3A_169 = %parallel_loop3A_120#6, %scan3A_170 = %parallel_loop3A_120#7) -> (vector<16xf32>, vector<16xf32>, vector<16xf32>, vector<16xf32>, vector<16xf32>, vector<16xf32>, vector<16xf32>, vector<16xf32>)  : i32 {
      %mul3A_171 = arith.constant 2 : i32
      %mul3A_172 = arith.muli %mul3A_171, %scan3A_162 : i32
      %mul3A_173 = arith.constant 2 : i32
      %mul3A_174 = arith.muli %mul3A_173, %scan3A_162 : i32
      %add3A_175 = arith.constant 1 : i32
      %add3A_176 = arith.addi %mul3A_174, %add3A_175 : i32
      %dma_wait3A_177 = arith.constant 0 : i32
      %dma_wait3A_178 = arith.constant 0 : i32
      %dma_wait3A_179 = tpu.memref_slice %arg2[%dma_wait3A_177, %dma_wait3A_178] : memref<8192x4096xf32, #tpu.memory_space<hbm>> -> memref<8x2048xf32, #tpu.memory_space<hbm>>
      %dma_wait3A_180 = arith.constant 0 : i32
      %dma_wait3A_181 = arith.constant 0 : i32
      %dma_wait3A_182 = tpu.memref_slice %arg2[%dma_wait3A_180, %dma_wait3A_181] : memref<8192x4096xf32, #tpu.memory_space<hbm>> -> memref<8x2048xf32, #tpu.memory_space<hbm>>
      tpu.wait_dma2 semaphore(%arg8 : memref<!tpu.dma_semaphore, #tpu.memory_space<semaphore_mem>>) src(%dma_wait3A_182 : memref<8x2048xf32, #tpu.memory_space<hbm>>) dst(%arg4 : memref<8x2048xf32, #tpu.memory_space<vmem>>)
      %dma_wait3A_183 = arith.constant 0 : i32
      %dma_wait3A_184 = arith.constant 0 : i32
      %dma_wait3A_185 = tpu.memref_slice %arg3[%dma_wait3A_183, %dma_wait3A_184] : memref<8192x4096xf32, #tpu.memory_space<hbm>> -> memref<8x2048xf32, #tpu.memory_space<hbm>>
      %dma_wait3A_186 = arith.constant 0 : i32
      %dma_wait3A_187 = arith.constant 0 : i32
      %dma_wait3A_188 = tpu.memref_slice %arg3[%dma_wait3A_186, %dma_wait3A_187] : memref<8192x4096xf32, #tpu.memory_space<hbm>> -> memref<8x2048xf32, #tpu.memory_space<hbm>>
      tpu.wait_dma2 semaphore(%arg10 : memref<!tpu.dma_semaphore, #tpu.memory_space<semaphore_mem>>) src(%arg6 : memref<8x2048xf32, #tpu.memory_space<vmem>>) dst(%dma_wait3A_188 : memref<8x2048xf32, #tpu.memory_space<hbm>>)
      %jit3A_189 = arith.constant 2 : i32
      %eq3A = arith.constant 0 : i32
      %eq3A_190 = arith.cmpi eq, %jit3A_189, %eq3A : i32
      %jit3A_191 = arith.constant 1 : i32
      %select_n3A_192 = arith.select %eq3A_190, %jit3A_191, %jit3A_189 : i32
      %rem3A = arith.remsi %mul3A_172, %select_n3A_192 : i32
      %ne3A = arith.constant 0 : i32
      %ne3A_193 = arith.cmpi ne, %rem3A, %ne3A : i32
      %lt3A = arith.constant 0 : i32
      %lt3A_194 = arith.cmpi slt, %rem3A, %lt3A : i32
      %lt3A_195 = arith.constant 0 : i32
      %lt3A_196 = arith.cmpi slt, %select_n3A_192, %lt3A_195 : i32
      %ne3A_197 = arith.xori %lt3A_194, %lt3A_196 : i1
      %and3A = arith.andi %ne3A_197, %ne3A_193 : i1
      %add3A_198 = arith.addi %rem3A, %select_n3A_192 : i32
      %select_n3A_199 = arith.select %and3A, %add3A_198, %rem3A : i32
      %eq3A_200 = arith.constant 0 : i32
      %eq3A_201 = arith.cmpi eq, %select_n3A_199, %eq3A_200 : i32
      %broadcast_in_dim3A_202 = arith.constant 0.000000e+00 : f32
      %broadcast_in_dim3A_203 = vector.broadcast %broadcast_in_dim3A_202 : f32 to vector<16xf32>
      %select_n3A_204 = arith.select %eq3A_201, %broadcast_in_dim3A_203, %scan3A_163 : vector<16xf32>
      %broadcast_in_dim3A_205 = arith.constant 0.000000e+00 : f32
      %broadcast_in_dim3A_206 = vector.broadcast %broadcast_in_dim3A_205 : f32 to vector<16xf32>
      %select_n3A_207 = arith.select %eq3A_201, %broadcast_in_dim3A_206, %scan3A_164 : vector<16xf32>
      %broadcast_in_dim3A_208 = arith.constant 0.000000e+00 : f32
      %broadcast_in_dim3A_209 = vector.broadcast %broadcast_in_dim3A_208 : f32 to vector<16xf32>
      %select_n3A_210 = arith.select %eq3A_201, %broadcast_in_dim3A_209, %scan3A_165 : vector<16xf32>
      %broadcast_in_dim3A_211 = arith.constant 0.000000e+00 : f32
      %broadcast_in_dim3A_212 = vector.broadcast %broadcast_in_dim3A_211 : f32 to vector<16xf32>
      %select_n3A_213 = arith.select %eq3A_201, %broadcast_in_dim3A_212, %scan3A_166 : vector<16xf32>
      %broadcast_in_dim3A_214 = arith.constant 0.000000e+00 : f32
      %broadcast_in_dim3A_215 = vector.broadcast %broadcast_in_dim3A_214 : f32 to vector<16xf32>
      %select_n3A_216 = arith.select %eq3A_201, %broadcast_in_dim3A_215, %scan3A_167 : vector<16xf32>
      %broadcast_in_dim3A_217 = arith.constant 0.000000e+00 : f32
      %broadcast_in_dim3A_218 = vector.broadcast %broadcast_in_dim3A_217 : f32 to vector<16xf32>
      %select_n3A_219 = arith.select %eq3A_201, %broadcast_in_dim3A_218, %scan3A_168 : vector<16xf32>
      %broadcast_in_dim3A_220 = arith.constant 0.000000e+00 : f32
      %broadcast_in_dim3A_221 = vector.broadcast %broadcast_in_dim3A_220 : f32 to vector<16xf32>
      %select_n3A_222 = arith.select %eq3A_201, %broadcast_in_dim3A_221, %scan3A_169 : vector<16xf32>
      %broadcast_in_dim3A_223 = arith.constant 0.000000e+00 : f32
      %broadcast_in_dim3A_224 = vector.broadcast %broadcast_in_dim3A_223 : f32 to vector<16xf32>
      %select_n3A_225 = arith.select %eq3A_201, %broadcast_in_dim3A_224, %scan3A_170 : vector<16xf32>
      %parallel_loop3A_226 = arith.constant 0 : i32
      %parallel_loop3A_227 = arith.constant 128 : i32
      %parallel_loop3A_228 = arith.constant 1 : i32
      %parallel_loop3A_229:8 = scf.for %parallel_loop3A_480 = %parallel_loop3A_226 to %parallel_loop3A_227 step %parallel_loop3A_228 iter_args(%parallel_loop3A_481 = %select_n3A_204, %parallel_loop3A_482 = %select_n3A_207, %parallel_loop3A_483 = %select_n3A_210, %parallel_loop3A_484 = %select_n3A_213, %parallel_loop3A_485 = %select_n3A_216, %parallel_loop3A_486 = %select_n3A_219, %parallel_loop3A_487 = %select_n3A_222, %parallel_loop3A_488 = %select_n3A_225) -> (vector<16xf32>, vector<16xf32>, vector<16xf32>, vector<16xf32>, vector<16xf32>, vector<16xf32>, vector<16xf32>, vector<16xf32>)  : i32 {
        %parallel_loop3A_489 = arith.constant 16 : i32
        %parallel_loop3A_490 = arith.muli %parallel_loop3A_489, %parallel_loop3A_480 : i32
        %parallel_loop3A_491 = arith.constant 0 : i32
        %parallel_loop3A_492 = arith.index_cast %parallel_loop3A_491 : i32 to index
        %parallel_loop3A_493 = arith.index_cast %parallel_loop3A_490 : i32 to index
        %parallel_loop3A_494 = tpu.vector_load %arg4[%parallel_loop3A_492, %parallel_loop3A_493] {strides = array<i32>} : memref<8x2048xf32, #tpu.memory_space<vmem>>, vector<16xf32>,
        %parallel_loop3A_495 = arith.constant true
        %parallel_loop3A_496 = vector.broadcast %parallel_loop3A_495 : i1 to vector<16xi1>
        %parallel_loop3A_497 = tpu.scan <sum>, %parallel_loop3A_494 masked %parallel_loop3A_496 : vector<16xf32>, vector<16xi1> -> vector<16xf32>
        %parallel_loop3A_498 = arith.addf %parallel_loop3A_497, %parallel_loop3A_481 : vector<16xf32>
        %parallel_loop3A_499 = arith.constant 16 : i32
        %parallel_loop3A_500 = arith.muli %parallel_loop3A_499, %parallel_loop3A_480 : i32
        %parallel_loop3A_501 = arith.constant 0 : i32
        %parallel_loop3A_502 = arith.index_cast %parallel_loop3A_501 : i32 to index
        %parallel_loop3A_503 = arith.index_cast %parallel_loop3A_500 : i32 to index
        %parallel_loop3A_504 = tpu.vector_load %arg6[%parallel_loop3A_502, %parallel_loop3A_503] {strides = array<i32>} : memref<8x2048xf32, #tpu.memory_space<vmem>>, vector<16xf32>,
        tpu.vector_store %arg6[%parallel_loop3A_502, %parallel_loop3A_503], %parallel_loop3A_498 {strides = array<i32>} : memref<8x2048xf32, #tpu.memory_space<vmem>>, vector<16xf32>,
        %parallel_loop3A_505 = arith.constant 15 : i32
        %parallel_loop3A_506 = vector.broadcast %parallel_loop3A_505 : i32 to vector<16x1xi32>
        %parallel_loop3A_507 = vector.shape_cast %parallel_loop3A_506 : vector<16x1xi32> to vector<16xi32>
        %parallel_loop3A_508 = tpu.dynamic_gather %parallel_loop3A_498[%parallel_loop3A_507] in [0] : vector<16xf32>, vector<16xi32> -> vector<16xf32>
        %parallel_loop3A_509 = arith.constant 16 : i32
        %parallel_loop3A_510 = arith.muli %parallel_loop3A_509, %parallel_loop3A_480 : i32
        %parallel_loop3A_511 = arith.constant 1 : i32
        %parallel_loop3A_512 = arith.index_cast %parallel_loop3A_511 : i32 to index
        %parallel_loop3A_513 = arith.index_cast %parallel_loop3A_510 : i32 to index
        %parallel_loop3A_514 = tpu.vector_load %arg4[%parallel_loop3A_512, %parallel_loop3A_513] {strides = array<i32>} : memref<8x2048xf32, #tpu.memory_space<vmem>>, vector<16xf32>,
        %parallel_loop3A_515 = arith.constant true
        %parallel_loop3A_516 = vector.broadcast %parallel_loop3A_515 : i1 to vector<16xi1>
        %parallel_loop3A_517 = tpu.scan <sum>, %parallel_loop3A_514 masked %parallel_loop3A_516 : vector<16xf32>, vector<16xi1> -> vector<16xf32>
        %parallel_loop3A_518 = arith.addf %parallel_loop3A_517, %parallel_loop3A_482 : vector<16xf32>
        %parallel_loop3A_519 = arith.constant 16 : i32
        %parallel_loop3A_520 = arith.muli %parallel_loop3A_519, %parallel_loop3A_480 : i32
        %parallel_loop3A_521 = arith.constant 1 : i32
        %parallel_loop3A_522 = arith.index_cast %parallel_loop3A_521 : i32 to index
        %parallel_loop3A_523 = arith.index_cast %parallel_loop3A_520 : i32 to index
        %parallel_loop3A_524 = tpu.vector_load %arg6[%parallel_loop3A_522, %parallel_loop3A_523] {strides = array<i32>} : memref<8x2048xf32, #tpu.memory_space<vmem>>, vector<16xf32>,
        tpu.vector_store %arg6[%parallel_loop3A_522, %parallel_loop3A_523], %parallel_loop3A_518 {strides = array<i32>} : memref<8x2048xf32, #tpu.memory_space<vmem>>, vector<16xf32>,
        %parallel_loop3A_525 = arith.constant 15 : i32
        %parallel_loop3A_526 = vector.broadcast %parallel_loop3A_525 : i32 to vector<16x1xi32>
        %parallel_loop3A_527 = vector.shape_cast %parallel_loop3A_526 : vector<16x1xi32> to vector<16xi32>
        %parallel_loop3A_528 = tpu.dynamic_gather %parallel_loop3A_518[%parallel_loop3A_527] in [0] : vector<16xf32>, vector<16xi32> -> vector<16xf32>
        %parallel_loop3A_529 = arith.constant 16 : i32
        %parallel_loop3A_530 = arith.muli %parallel_loop3A_529, %parallel_loop3A_480 : i32
        %parallel_loop3A_531 = arith.constant 2 : i32
        %parallel_loop3A_532 = arith.index_cast %parallel_loop3A_531 : i32 to index
        %parallel_loop3A_533 = arith.index_cast %parallel_loop3A_530 : i32 to index
        %parallel_loop3A_534 = tpu.vector_load %arg4[%parallel_loop3A_532, %parallel_loop3A_533] {strides = array<i32>} : memref<8x2048xf32, #tpu.memory_space<vmem>>, vector<16xf32>,
        %parallel_loop3A_535 = arith.constant true
        %parallel_loop3A_536 = vector.broadcast %parallel_loop3A_535 : i1 to vector<16xi1>
        %parallel_loop3A_537 = tpu.scan <sum>, %parallel_loop3A_534 masked %parallel_loop3A_536 : vector<16xf32>, vector<16xi1> -> vector<16xf32>
        %parallel_loop3A_538 = arith.addf %parallel_loop3A_537, %parallel_loop3A_483 : vector<16xf32>
        %parallel_loop3A_539 = arith.constant 16 : i32
        %parallel_loop3A_540 = arith.muli %parallel_loop3A_539, %parallel_loop3A_480 : i32
        %parallel_loop3A_541 = arith.constant 2 : i32
        %parallel_loop3A_542 = arith.index_cast %parallel_loop3A_541 : i32 to index
        %parallel_loop3A_543 = arith.index_cast %parallel_loop3A_540 : i32 to index
        %parallel_loop3A_544 = tpu.vector_load %arg6[%parallel_loop3A_542, %parallel_loop3A_543] {strides = array<i32>} : memref<8x2048xf32, #tpu.memory_space<vmem>>, vector<16xf32>,
        tpu.vector_store %arg6[%parallel_loop3A_542, %parallel_loop3A_543], %parallel_loop3A_538 {strides = array<i32>} : memref<8x2048xf32, #tpu.memory_space<vmem>>, vector<16xf32>,
        %parallel_loop3A_545 = arith.constant 15 : i32
        %parallel_loop3A_546 = vector.broadcast %parallel_loop3A_545 : i32 to vector<16x1xi32>
        %parallel_loop3A_547 = vector.shape_cast %parallel_loop3A_546 : vector<16x1xi32> to vector<16xi32>
        %parallel_loop3A_548 = tpu.dynamic_gather %parallel_loop3A_538[%parallel_loop3A_547] in [0] : vector<16xf32>, vector<16xi32> -> vector<16xf32>
        %parallel_loop3A_549 = arith.constant 16 : i32
        %parallel_loop3A_550 = arith.muli %parallel_loop3A_549, %parallel_loop3A_480 : i32
        %parallel_loop3A_551 = arith.constant 3 : i32
        %parallel_loop3A_552 = arith.index_cast %parallel_loop3A_551 : i32 to index
        %parallel_loop3A_553 = arith.index_cast %parallel_loop3A_550 : i32 to index
        %parallel_loop3A_554 = tpu.vector_load %arg4[%parallel_loop3A_552, %parallel_loop3A_553] {strides = array<i32>} : memref<8x2048xf32, #tpu.memory_space<vmem>>, vector<16xf32>,
        %parallel_loop3A_555 = arith.constant true
        %parallel_loop3A_556 = vector.broadcast %parallel_loop3A_555 : i1 to vector<16xi1>
        %parallel_loop3A_557 = tpu.scan <sum>, %parallel_loop3A_554 masked %parallel_loop3A_556 : vector<16xf32>, vector<16xi1> -> vector<16xf32>
        %parallel_loop3A_558 = arith.addf %parallel_loop3A_557, %parallel_loop3A_484 : vector<16xf32>
        %parallel_loop3A_559 = arith.constant 16 : i32
        %parallel_loop3A_560 = arith.muli %parallel_loop3A_559, %parallel_loop3A_480 : i32
        %parallel_loop3A_561 = arith.constant 3 : i32
        %parallel_loop3A_562 = arith.index_cast %parallel_loop3A_561 : i32 to index
        %parallel_loop3A_563 = arith.index_cast %parallel_loop3A_560 : i32 to index
        %parallel_loop3A_564 = tpu.vector_load %arg6[%parallel_loop3A_562, %parallel_loop3A_563] {strides = array<i32>} : memref<8x2048xf32, #tpu.memory_space<vmem>>, vector<16xf32>,
        tpu.vector_store %arg6[%parallel_loop3A_562, %parallel_loop3A_563], %parallel_loop3A_558 {strides = array<i32>} : memref<8x2048xf32, #tpu.memory_space<vmem>>, vector<16xf32>,
        %parallel_loop3A_565 = arith.constant 15 : i32
        %parallel_loop3A_566 = vector.broadcast %parallel_loop3A_565 : i32 to vector<16x1xi32>
        %parallel_loop3A_567 = vector.shape_cast %parallel_loop3A_566 : vector<16x1xi32> to vector<16xi32>
        %parallel_loop3A_568 = tpu.dynamic_gather %parallel_loop3A_558[%parallel_loop3A_567] in [0] : vector<16xf32>, vector<16xi32> -> vector<16xf32>
        %parallel_loop3A_569 = arith.constant 16 : i32
        %parallel_loop3A_570 = arith.muli %parallel_loop3A_569, %parallel_loop3A_480 : i32
        %parallel_loop3A_571 = arith.constant 4 : i32
        %parallel_loop3A_572 = arith.index_cast %parallel_loop3A_571 : i32 to index
        %parallel_loop3A_573 = arith.index_cast %parallel_loop3A_570 : i32 to index
        %parallel_loop3A_574 = tpu.vector_load %arg4[%parallel_loop3A_572, %parallel_loop3A_573] {strides = array<i32>} : memref<8x2048xf32, #tpu.memory_space<vmem>>, vector<16xf32>,
        %parallel_loop3A_575 = arith.constant true
        %parallel_loop3A_576 = vector.broadcast %parallel_loop3A_575 : i1 to vector<16xi1>
        %parallel_loop3A_577 = tpu.scan <sum>, %parallel_loop3A_574 masked %parallel_loop3A_576 : vector<16xf32>, vector<16xi1> -> vector<16xf32>
        %parallel_loop3A_578 = arith.addf %parallel_loop3A_577, %parallel_loop3A_485 : vector<16xf32>
        %parallel_loop3A_579 = arith.constant 16 : i32
        %parallel_loop3A_580 = arith.muli %parallel_loop3A_579, %parallel_loop3A_480 : i32
        %parallel_loop3A_581 = arith.constant 4 : i32
        %parallel_loop3A_582 = arith.index_cast %parallel_loop3A_581 : i32 to index
        %parallel_loop3A_583 = arith.index_cast %parallel_loop3A_580 : i32 to index
        %parallel_loop3A_584 = tpu.vector_load %arg6[%parallel_loop3A_582, %parallel_loop3A_583] {strides = array<i32>} : memref<8x2048xf32, #tpu.memory_space<vmem>>, vector<16xf32>,
        tpu.vector_store %arg6[%parallel_loop3A_582, %parallel_loop3A_583], %parallel_loop3A_578 {strides = array<i32>} : memref<8x2048xf32, #tpu.memory_space<vmem>>, vector<16xf32>,
        %parallel_loop3A_585 = arith.constant 15 : i32
        %parallel_loop3A_586 = vector.broadcast %parallel_loop3A_585 : i32 to vector<16x1xi32>
        %parallel_loop3A_587 = vector.shape_cast %parallel_loop3A_586 : vector<16x1xi32> to vector<16xi32>
        %parallel_loop3A_588 = tpu.dynamic_gather %parallel_loop3A_578[%parallel_loop3A_587] in [0] : vector<16xf32>, vector<16xi32> -> vector<16xf32>
        %parallel_loop3A_589 = arith.constant 16 : i32
        %parallel_loop3A_590 = arith.muli %parallel_loop3A_589, %parallel_loop3A_480 : i32
        %parallel_loop3A_591 = arith.constant 5 : i32
        %parallel_loop3A_592 = arith.index_cast %parallel_loop3A_591 : i32 to index
        %parallel_loop3A_593 = arith.index_cast %parallel_loop3A_590 : i32 to index
        %parallel_loop3A_594 = tpu.vector_load %arg4[%parallel_loop3A_592, %parallel_loop3A_593] {strides = array<i32>} : memref<8x2048xf32, #tpu.memory_space<vmem>>, vector<16xf32>,
        %parallel_loop3A_595 = arith.constant true
        %parallel_loop3A_596 = vector.broadcast %parallel_loop3A_595 : i1 to vector<16xi1>
        %parallel_loop3A_597 = tpu.scan <sum>, %parallel_loop3A_594 masked %parallel_loop3A_596 : vector<16xf32>, vector<16xi1> -> vector<16xf32>
        %parallel_loop3A_598 = arith.addf %parallel_loop3A_597, %parallel_loop3A_486 : vector<16xf32>
        %parallel_loop3A_599 = arith.constant 16 : i32
        %parallel_loop3A_600 = arith.muli %parallel_loop3A_599, %parallel_loop3A_480 : i32
        %parallel_loop3A_601 = arith.constant 5 : i32
        %parallel_loop3A_602 = arith.index_cast %parallel_loop3A_601 : i32 to index
        %parallel_loop3A_603 = arith.index_cast %parallel_loop3A_600 : i32 to index
        %parallel_loop3A_604 = tpu.vector_load %arg6[%parallel_loop3A_602, %parallel_loop3A_603] {strides = array<i32>} : memref<8x2048xf32, #tpu.memory_space<vmem>>, vector<16xf32>,
        tpu.vector_store %arg6[%parallel_loop3A_602, %parallel_loop3A_603], %parallel_loop3A_598 {strides = array<i32>} : memref<8x2048xf32, #tpu.memory_space<vmem>>, vector<16xf32>,
        %parallel_loop3A_605 = arith.constant 15 : i32
        %parallel_loop3A_606 = vector.broadcast %parallel_loop3A_605 : i32 to vector<16x1xi32>
        %parallel_loop3A_607 = vector.shape_cast %parallel_loop3A_606 : vector<16x1xi32> to vector<16xi32>
        %parallel_loop3A_608 = tpu.dynamic_gather %parallel_loop3A_598[%parallel_loop3A_607] in [0] : vector<16xf32>, vector<16xi32> -> vector<16xf32>
        %parallel_loop3A_609 = arith.constant 16 : i32
        %parallel_loop3A_610 = arith.muli %parallel_loop3A_609, %parallel_loop3A_480 : i32
        %parallel_loop3A_611 = arith.constant 6 : i32
        %parallel_loop3A_612 = arith.index_cast %parallel_loop3A_611 : i32 to index
        %parallel_loop3A_613 = arith.index_cast %parallel_loop3A_610 : i32 to index
        %parallel_loop3A_614 = tpu.vector_load %arg4[%parallel_loop3A_612, %parallel_loop3A_613] {strides = array<i32>} : memref<8x2048xf32, #tpu.memory_space<vmem>>, vector<16xf32>,
        %parallel_loop3A_615 = arith.constant true
        %parallel_loop3A_616 = vector.broadcast %parallel_loop3A_615 : i1 to vector<16xi1>
        %parallel_loop3A_617 = tpu.scan <sum>, %parallel_loop3A_614 masked %parallel_loop3A_616 : vector<16xf32>, vector<16xi1> -> vector<16xf32>
        %parallel_loop3A_618 = arith.addf %parallel_loop3A_617, %parallel_loop3A_487 : vector<16xf32>
        %parallel_loop3A_619 = arith.constant 16 : i32
        %parallel_loop3A_620 = arith.muli %parallel_loop3A_619, %parallel_loop3A_480 : i32
        %parallel_loop3A_621 = arith.constant 6 : i32
        %parallel_loop3A_622 = arith.index_cast %parallel_loop3A_621 : i32 to index
        %parallel_loop3A_623 = arith.index_cast %parallel_loop3A_620 : i32 to index
        %parallel_loop3A_624 = tpu.vector_load %arg6[%parallel_loop3A_622, %parallel_loop3A_623] {strides = array<i32>} : memref<8x2048xf32, #tpu.memory_space<vmem>>, vector<16xf32>,
        tpu.vector_store %arg6[%parallel_loop3A_622, %parallel_loop3A_623], %parallel_loop3A_618 {strides = array<i32>} : memref<8x2048xf32, #tpu.memory_space<vmem>>, vector<16xf32>,
        %parallel_loop3A_625 = arith.constant 15 : i32
        %parallel_loop3A_626 = vector.broadcast %parallel_loop3A_625 : i32 to vector<16x1xi32>
        %parallel_loop3A_627 = vector.shape_cast %parallel_loop3A_626 : vector<16x1xi32> to vector<16xi32>
        %parallel_loop3A_628 = tpu.dynamic_gather %parallel_loop3A_618[%parallel_loop3A_627] in [0] : vector<16xf32>, vector<16xi32> -> vector<16xf32>
        %parallel_loop3A_629 = arith.constant 16 : i32
        %parallel_loop3A_630 = arith.muli %parallel_loop3A_629, %parallel_loop3A_480 : i32
        %parallel_loop3A_631 = arith.constant 7 : i32
        %parallel_loop3A_632 = arith.index_cast %parallel_loop3A_631 : i32 to index
        %parallel_loop3A_633 = arith.index_cast %parallel_loop3A_630 : i32 to index
        %parallel_loop3A_634 = tpu.vector_load %arg4[%parallel_loop3A_632, %parallel_loop3A_633] {strides = array<i32>} : memref<8x2048xf32, #tpu.memory_space<vmem>>, vector<16xf32>,
        %parallel_loop3A_635 = arith.constant true
        %parallel_loop3A_636 = vector.broadcast %parallel_loop3A_635 : i1 to vector<16xi1>
        %parallel_loop3A_637 = tpu.scan <sum>, %parallel_loop3A_634 masked %parallel_loop3A_636 : vector<16xf32>, vector<16xi1> -> vector<16xf32>
        %parallel_loop3A_638 = arith.addf %parallel_loop3A_637, %parallel_loop3A_488 : vector<16xf32>
        %parallel_loop3A_639 = arith.constant 16 : i32
        %parallel_loop3A_640 = arith.muli %parallel_loop3A_639, %parallel_loop3A_480 : i32
        %parallel_loop3A_641 = arith.constant 7 : i32
        %parallel_loop3A_642 = arith.index_cast %parallel_loop3A_641 : i32 to index
        %parallel_loop3A_643 = arith.index_cast %parallel_loop3A_640 : i32 to index
        %parallel_loop3A_644 = tpu.vector_load %arg6[%parallel_loop3A_642, %parallel_loop3A_643] {strides = array<i32>} : memref<8x2048xf32, #tpu.memory_space<vmem>>, vector<16xf32>,
        tpu.vector_store %arg6[%parallel_loop3A_642, %parallel_loop3A_643], %parallel_loop3A_638 {strides = array<i32>} : memref<8x2048xf32, #tpu.memory_space<vmem>>, vector<16xf32>,
        %parallel_loop3A_645 = arith.constant 15 : i32
        %parallel_loop3A_646 = vector.broadcast %parallel_loop3A_645 : i32 to vector<16x1xi32>
        %parallel_loop3A_647 = vector.shape_cast %parallel_loop3A_646 : vector<16x1xi32> to vector<16xi32>
        %parallel_loop3A_648 = tpu.dynamic_gather %parallel_loop3A_638[%parallel_loop3A_647] in [0] : vector<16xf32>, vector<16xi32> -> vector<16xf32>
        scf.yield %parallel_loop3A_508, %parallel_loop3A_528, %parallel_loop3A_548, %parallel_loop3A_568, %parallel_loop3A_588, %parallel_loop3A_608, %parallel_loop3A_628, %parallel_loop3A_648 : vector<16xf32>, vector<16xf32>, vector<16xf32>, vector<16xf32>, vector<16xf32>, vector<16xf32>, vector<16xf32>, vector<16xf32>
      } {sc.loop_unroll_factor = 4 : i64, sc.parallel_access}
      %jit3A_230 = arith.constant 2 : i32
      %div3A = arith.divsi %mul3A_172, %jit3A_230 : i32
      %sign3A = arith.constant 0 : i32
      %sign3A_231 = arith.cmpi sgt, %mul3A_172, %sign3A : i32
      %sign3A_232 = arith.extui %sign3A_231 : i1 to i32
      %sign3A_233 = arith.constant 0 : i32
      %sign3A_234 = arith.cmpi slt, %mul3A_172, %sign3A_233 : i32
      %sign3A_235 = arith.extui %sign3A_234 : i1 to i32
      %sign3A_236 = arith.subi %sign3A_232, %sign3A_235 : i32
      %sign3A_237 = arith.constant 0 : i32
      %sign3A_238 = arith.cmpi sgt, %jit3A_230, %sign3A_237 : i32
      %sign3A_239 = arith.extui %sign3A_238 : i1 to i32
      %sign3A_240 = arith.constant 0 : i32
      %sign3A_241 = arith.cmpi slt, %jit3A_230, %sign3A_240 : i32
      %sign3A_242 = arith.extui %sign3A_241 : i1 to i32
      %sign3A_243 = arith.subi %sign3A_239, %sign3A_242 : i32
      %ne3A_244 = arith.cmpi ne, %sign3A_236, %sign3A_243 : i32
      %rem3A_245 = arith.remsi %mul3A_172, %jit3A_230 : i32
      %ne3A_246 = arith.constant 0 : i32
      %ne3A_247 = arith.cmpi ne, %rem3A_245, %ne3A_246 : i32
      %and3A_248 = arith.andi %ne3A_244, %ne3A_247 : i1
      %sub3A = arith.constant 1 : i32
      %sub3A_249 = arith.subi %div3A, %sub3A : i32
      %select_n3A_250 = arith.select %and3A_248, %sub3A_249, %div3A : i32
      %jit3A_251 = arith.constant 2 : i32
      %eq3A_252 = arith.constant 0 : i32
      %eq3A_253 = arith.cmpi eq, %jit3A_251, %eq3A_252 : i32
      %jit3A_254 = arith.constant 1 : i32
      %select_n3A_255 = arith.select %eq3A_253, %jit3A_254, %jit3A_251 : i32
      %rem3A_256 = arith.remsi %mul3A_172, %select_n3A_255 : i32
      %ne3A_257 = arith.constant 0 : i32
      %ne3A_258 = arith.cmpi ne, %rem3A_256, %ne3A_257 : i32
      %lt3A_259 = arith.constant 0 : i32
      %lt3A_260 = arith.cmpi slt, %rem3A_256, %lt3A_259 : i32
      %lt3A_261 = arith.constant 0 : i32
      %lt3A_262 = arith.cmpi slt, %select_n3A_255, %lt3A_261 : i32
      %ne3A_263 = arith.xori %lt3A_260, %lt3A_262 : i1
      %and3A_264 = arith.andi %ne3A_263, %ne3A_258 : i1
      %add3A_265 = arith.addi %rem3A_256, %select_n3A_255 : i32
      %select_n3A_266 = arith.select %and3A_264, %add3A_265, %rem3A_256 : i32
      %mul3A_267 = arith.constant 8 : i32
      %mul3A_268 = arith.muli %mul3A_267, %select_n3A_250 : i32
      %add3A_269 = arith.addi %mul3A_2, %mul3A_268 : i32
      %mul3A_270 = arith.constant 2048 : i32
      %mul3A_271 = arith.muli %mul3A_270, %select_n3A_266 : i32
      %dma_start3A_272 = tpu.memref_slice %arg3[%add3A_269, %mul3A_271] : memref<8192x4096xf32, #tpu.memory_space<hbm>> -> memref<8x2048xf32, #tpu.memory_space<hbm>>
      %dma_start3A_273 = tpu.memref_slice %arg3[%add3A_269, %mul3A_271] : memref<8192x4096xf32, #tpu.memory_space<hbm>> -> memref<8x2048xf32, #tpu.memory_space<hbm>>
      tpu.enqueue_dma source(%arg6 : memref<8x2048xf32, #tpu.memory_space<vmem>>) target(%dma_start3A_273 : memref<8x2048xf32, #tpu.memory_space<hbm>>) target_semaphore(%arg10 : memref<!tpu.dma_semaphore, #tpu.memory_space<semaphore_mem>>)
      %add3A_274 = arith.constant 2 : i32
      %add3A_275 = arith.addi %mul3A_172, %add3A_274 : i32
      %min3A = arith.constant 63 : i32
      %min3A_276 = arith.minsi %add3A_275, %min3A : i32
      %jit3A_277 = arith.constant 2 : i32
      %div3A_278 = arith.divsi %min3A_276, %jit3A_277 : i32
      %sign3A_279 = arith.constant 0 : i32
      %sign3A_280 = arith.cmpi sgt, %min3A_276, %sign3A_279 : i32
      %sign3A_281 = arith.extui %sign3A_280 : i1 to i32
      %sign3A_282 = arith.constant 0 : i32
      %sign3A_283 = arith.cmpi slt, %min3A_276, %sign3A_282 : i32
      %sign3A_284 = arith.extui %sign3A_283 : i1 to i32
      %sign3A_285 = arith.subi %sign3A_281, %sign3A_284 : i32
      %sign3A_286 = arith.constant 0 : i32
      %sign3A_287 = arith.cmpi sgt, %jit3A_277, %sign3A_286 : i32
      %sign3A_288 = arith.extui %sign3A_287 : i1 to i32
      %sign3A_289 = arith.constant 0 : i32
      %sign3A_290 = arith.cmpi slt, %jit3A_277, %sign3A_289 : i32
      %sign3A_291 = arith.extui %sign3A_290 : i1 to i32
      %sign3A_292 = arith.subi %sign3A_288, %sign3A_291 : i32
      %ne3A_293 = arith.cmpi ne, %sign3A_285, %sign3A_292 : i32
      %rem3A_294 = arith.remsi %min3A_276, %jit3A_277 : i32
      %ne3A_295 = arith.constant 0 : i32
      %ne3A_296 = arith.cmpi ne, %rem3A_294, %ne3A_295 : i32
      %and3A_297 = arith.andi %ne3A_293, %ne3A_296 : i1
      %sub3A_298 = arith.constant 1 : i32
      %sub3A_299 = arith.subi %div3A_278, %sub3A_298 : i32
      %select_n3A_300 = arith.select %and3A_297, %sub3A_299, %div3A_278 : i32
      %jit3A_301 = arith.constant 2 : i32
      %eq3A_302 = arith.constant 0 : i32
      %eq3A_303 = arith.cmpi eq, %jit3A_301, %eq3A_302 : i32
      %jit3A_304 = arith.constant 1 : i32
      %select_n3A_305 = arith.select %eq3A_303, %jit3A_304, %jit3A_301 : i32
      %rem3A_306 = arith.remsi %min3A_276, %select_n3A_305 : i32
      %ne3A_307 = arith.constant 0 : i32
      %ne3A_308 = arith.cmpi ne, %rem3A_306, %ne3A_307 : i32
      %lt3A_309 = arith.constant 0 : i32
      %lt3A_310 = arith.cmpi slt, %rem3A_306, %lt3A_309 : i32
      %lt3A_311 = arith.constant 0 : i32
      %lt3A_312 = arith.cmpi slt, %select_n3A_305, %lt3A_311 : i32
      %ne3A_313 = arith.xori %lt3A_310, %lt3A_312 : i1
      %and3A_314 = arith.andi %ne3A_313, %ne3A_308 : i1
      %add3A_315 = arith.addi %rem3A_306, %select_n3A_305 : i32
      %select_n3A_316 = arith.select %and3A_314, %add3A_315, %rem3A_306 : i32
      %mul3A_317 = arith.constant 8 : i32
      %mul3A_318 = arith.muli %mul3A_317, %select_n3A_300 : i32
      %add3A_319 = arith.addi %mul3A_2, %mul3A_318 : i32
      %mul3A_320 = arith.constant 2048 : i32
      %mul3A_321 = arith.muli %mul3A_320, %select_n3A_316 : i32
      %dma_start3A_322 = tpu.memref_slice %arg2[%add3A_319, %mul3A_321] : memref<8192x4096xf32, #tpu.memory_space<hbm>> -> memref<8x2048xf32, #tpu.memory_space<hbm>>
      %dma_start3A_323 = tpu.memref_slice %arg2[%add3A_319, %mul3A_321] : memref<8192x4096xf32, #tpu.memory_space<hbm>> -> memref<8x2048xf32, #tpu.memory_space<hbm>>
      tpu.enqueue_dma source(%dma_start3A_323 : memref<8x2048xf32, #tpu.memory_space<hbm>>) target(%arg4 : memref<8x2048xf32, #tpu.memory_space<vmem>>) target_semaphore(%arg8 : memref<!tpu.dma_semaphore, #tpu.memory_space<semaphore_mem>>)
      %dma_wait3A_324 = arith.constant 0 : i32
      %dma_wait3A_325 = arith.constant 0 : i32
      %dma_wait3A_326 = tpu.memref_slice %arg2[%dma_wait3A_324, %dma_wait3A_325] : memref<8192x4096xf32, #tpu.memory_space<hbm>> -> memref<8x2048xf32, #tpu.memory_space<hbm>>
      %dma_wait3A_327 = arith.constant 0 : i32
      %dma_wait3A_328 = arith.constant 0 : i32
      %dma_wait3A_329 = tpu.memref_slice %arg2[%dma_wait3A_327, %dma_wait3A_328] : memref<8192x4096xf32, #tpu.memory_space<hbm>> -> memref<8x2048xf32, #tpu.memory_space<hbm>>
      tpu.wait_dma2 semaphore(%arg9 : memref<!tpu.dma_semaphore, #tpu.memory_space<semaphore_mem>>) src(%dma_wait3A_329 : memref<8x2048xf32, #tpu.memory_space<hbm>>) dst(%arg5 : memref<8x2048xf32, #tpu.memory_space<vmem>>)
      %dma_wait3A_330 = arith.constant 0 : i32
      %dma_wait3A_331 = arith.constant 0 : i32
      %dma_wait3A_332 = tpu.memref_slice %arg3[%dma_wait3A_330, %dma_wait3A_331] : memref<8192x4096xf32, #tpu.memory_space<hbm>> -> memref<8x2048xf32, #tpu.memory_space<hbm>>
      %dma_wait3A_333 = arith.constant 0 : i32
      %dma_wait3A_334 = arith.constant 0 : i32
      %dma_wait3A_335 = tpu.memref_slice %arg3[%dma_wait3A_333, %dma_wait3A_334] : memref<8192x4096xf32, #tpu.memory_space<hbm>> -> memref<8x2048xf32, #tpu.memory_space<hbm>>
      tpu.wait_dma2 semaphore(%arg11 : memref<!tpu.dma_semaphore, #tpu.memory_space<semaphore_mem>>) src(%arg7 : memref<8x2048xf32, #tpu.memory_space<vmem>>) dst(%dma_wait3A_335 : memref<8x2048xf32, #tpu.memory_space<hbm>>)
      %jit3A_336 = arith.constant 2 : i32
      %eq3A_337 = arith.constant 0 : i32
      %eq3A_338 = arith.cmpi eq, %jit3A_336, %eq3A_337 : i32
      %jit3A_339 = arith.constant 1 : i32
      %select_n3A_340 = arith.select %eq3A_338, %jit3A_339, %jit3A_336 : i32
      %rem3A_341 = arith.remsi %add3A_176, %select_n3A_340 : i32
      %ne3A_342 = arith.constant 0 : i32
      %ne3A_343 = arith.cmpi ne, %rem3A_341, %ne3A_342 : i32
      %lt3A_344 = arith.constant 0 : i32
      %lt3A_345 = arith.cmpi slt, %rem3A_341, %lt3A_344 : i32
      %lt3A_346 = arith.constant 0 : i32
      %lt3A_347 = arith.cmpi slt, %select_n3A_340, %lt3A_346 : i32
      %ne3A_348 = arith.xori %lt3A_345, %lt3A_347 : i1
      %and3A_349 = arith.andi %ne3A_348, %ne3A_343 : i1
      %add3A_350 = arith.addi %rem3A_341, %select_n3A_340 : i32
      %select_n3A_351 = arith.select %and3A_349, %add3A_350, %rem3A_341 : i32
      %eq3A_352 = arith.constant 0 : i32
      %eq3A_353 = arith.cmpi eq, %select_n3A_351, %eq3A_352 : i32
      %broadcast_in_dim3A_354 = arith.constant 0.000000e+00 : f32
      %broadcast_in_dim3A_355 = vector.broadcast %broadcast_in_dim3A_354 : f32 to vector<16xf32>
      %select_n3A_356 = arith.select %eq3A_353, %broadcast_in_dim3A_355, %parallel_loop3A_229#0 : vector<16xf32>
      %broadcast_in_dim3A_357 = arith.constant 0.000000e+00 : f32
      %broadcast_in_dim3A_358 = vector.broadcast %broadcast_in_dim3A_357 : f32 to vector<16xf32>
      %select_n3A_359 = arith.select %eq3A_353, %broadcast_in_dim3A_358, %parallel_loop3A_229#1 : vector<16xf32>
      %broadcast_in_dim3A_360 = arith.constant 0.000000e+00 : f32
      %broadcast_in_dim3A_361 = vector.broadcast %broadcast_in_dim3A_360 : f32 to vector<16xf32>
      %select_n3A_362 = arith.select %eq3A_353, %broadcast_in_dim3A_361, %parallel_loop3A_229#2 : vector<16xf32>
      %broadcast_in_dim3A_363 = arith.constant 0.000000e+00 : f32
      %broadcast_in_dim3A_364 = vector.broadcast %broadcast_in_dim3A_363 : f32 to vector<16xf32>
      %select_n3A_365 = arith.select %eq3A_353, %broadcast_in_dim3A_364, %parallel_loop3A_229#3 : vector<16xf32>
      %broadcast_in_dim3A_366 = arith.constant 0.000000e+00 : f32
      %broadcast_in_dim3A_367 = vector.broadcast %broadcast_in_dim3A_366 : f32 to vector<16xf32>
      %select_n3A_368 = arith.select %eq3A_353, %broadcast_in_dim3A_367, %parallel_loop3A_229#4 : vector<16xf32>
      %broadcast_in_dim3A_369 = arith.constant 0.000000e+00 : f32
      %broadcast_in_dim3A_370 = vector.broadcast %broadcast_in_dim3A_369 : f32 to vector<16xf32>
      %select_n3A_371 = arith.select %eq3A_353, %broadcast_in_dim3A_370, %parallel_loop3A_229#5 : vector<16xf32>
      %broadcast_in_dim3A_372 = arith.constant 0.000000e+00 : f32
      %broadcast_in_dim3A_373 = vector.broadcast %broadcast_in_dim3A_372 : f32 to vector<16xf32>
      %select_n3A_374 = arith.select %eq3A_353, %broadcast_in_dim3A_373, %parallel_loop3A_229#6 : vector<16xf32>
      %broadcast_in_dim3A_375 = arith.constant 0.000000e+00 : f32
      %broadcast_in_dim3A_376 = vector.broadcast %broadcast_in_dim3A_375 : f32 to vector<16xf32>
      %select_n3A_377 = arith.select %eq3A_353, %broadcast_in_dim3A_376, %parallel_loop3A_229#7 : vector<16xf32>
      %parallel_loop3A_378 = arith.constant 0 : i32
      %parallel_loop3A_379 = arith.constant 128 : i32
      %parallel_loop3A_380 = arith.constant 1 : i32
      %parallel_loop3A_381:8 = scf.for %parallel_loop3A_480 = %parallel_loop3A_378 to %parallel_loop3A_379 step %parallel_loop3A_380 iter_args(%parallel_loop3A_481 = %select_n3A_356, %parallel_loop3A_482 = %select_n3A_359, %parallel_loop3A_483 = %select_n3A_362, %parallel_loop3A_484 = %select_n3A_365, %parallel_loop3A_485 = %select_n3A_368, %parallel_loop3A_486 = %select_n3A_371, %parallel_loop3A_487 = %select_n3A_374, %parallel_loop3A_488 = %select_n3A_377) -> (vector<16xf32>, vector<16xf32>, vector<16xf32>, vector<16xf32>, vector<16xf32>, vector<16xf32>, vector<16xf32>, vector<16xf32>)  : i32 {
        %parallel_loop3A_489 = arith.constant 16 : i32
        %parallel_loop3A_490 = arith.muli %parallel_loop3A_489, %parallel_loop3A_480 : i32
        %parallel_loop3A_491 = arith.constant 0 : i32
        %parallel_loop3A_492 = arith.index_cast %parallel_loop3A_491 : i32 to index
        %parallel_loop3A_493 = arith.index_cast %parallel_loop3A_490 : i32 to index
        %parallel_loop3A_494 = tpu.vector_load %arg5[%parallel_loop3A_492, %parallel_loop3A_493] {strides = array<i32>} : memref<8x2048xf32, #tpu.memory_space<vmem>>, vector<16xf32>,
        %parallel_loop3A_495 = arith.constant true
        %parallel_loop3A_496 = vector.broadcast %parallel_loop3A_495 : i1 to vector<16xi1>
        %parallel_loop3A_497 = tpu.scan <sum>, %parallel_loop3A_494 masked %parallel_loop3A_496 : vector<16xf32>, vector<16xi1> -> vector<16xf32>
        %parallel_loop3A_498 = arith.addf %parallel_loop3A_497, %parallel_loop3A_481 : vector<16xf32>
        %parallel_loop3A_499 = arith.constant 16 : i32
        %parallel_loop3A_500 = arith.muli %parallel_loop3A_499, %parallel_loop3A_480 : i32
        %parallel_loop3A_501 = arith.constant 0 : i32
        %parallel_loop3A_502 = arith.index_cast %parallel_loop3A_501 : i32 to index
        %parallel_loop3A_503 = arith.index_cast %parallel_loop3A_500 : i32 to index
        %parallel_loop3A_504 = tpu.vector_load %arg7[%parallel_loop3A_502, %parallel_loop3A_503] {strides = array<i32>} : memref<8x2048xf32, #tpu.memory_space<vmem>>, vector<16xf32>,
        tpu.vector_store %arg7[%parallel_loop3A_502, %parallel_loop3A_503], %parallel_loop3A_498 {strides = array<i32>} : memref<8x2048xf32, #tpu.memory_space<vmem>>, vector<16xf32>,
        %parallel_loop3A_505 = arith.constant 15 : i32
        %parallel_loop3A_506 = vector.broadcast %parallel_loop3A_505 : i32 to vector<16x1xi32>
        %parallel_loop3A_507 = vector.shape_cast %parallel_loop3A_506 : vector<16x1xi32> to vector<16xi32>
        %parallel_loop3A_508 = tpu.dynamic_gather %parallel_loop3A_498[%parallel_loop3A_507] in [0] : vector<16xf32>, vector<16xi32> -> vector<16xf32>
        %parallel_loop3A_509 = arith.constant 16 : i32
        %parallel_loop3A_510 = arith.muli %parallel_loop3A_509, %parallel_loop3A_480 : i32
        %parallel_loop3A_511 = arith.constant 1 : i32
        %parallel_loop3A_512 = arith.index_cast %parallel_loop3A_511 : i32 to index
        %parallel_loop3A_513 = arith.index_cast %parallel_loop3A_510 : i32 to index
        %parallel_loop3A_514 = tpu.vector_load %arg5[%parallel_loop3A_512, %parallel_loop3A_513] {strides = array<i32>} : memref<8x2048xf32, #tpu.memory_space<vmem>>, vector<16xf32>,
        %parallel_loop3A_515 = arith.constant true
        %parallel_loop3A_516 = vector.broadcast %parallel_loop3A_515 : i1 to vector<16xi1>
        %parallel_loop3A_517 = tpu.scan <sum>, %parallel_loop3A_514 masked %parallel_loop3A_516 : vector<16xf32>, vector<16xi1> -> vector<16xf32>
        %parallel_loop3A_518 = arith.addf %parallel_loop3A_517, %parallel_loop3A_482 : vector<16xf32>
        %parallel_loop3A_519 = arith.constant 16 : i32
        %parallel_loop3A_520 = arith.muli %parallel_loop3A_519, %parallel_loop3A_480 : i32
        %parallel_loop3A_521 = arith.constant 1 : i32
        %parallel_loop3A_522 = arith.index_cast %parallel_loop3A_521 : i32 to index
        %parallel_loop3A_523 = arith.index_cast %parallel_loop3A_520 : i32 to index
        %parallel_loop3A_524 = tpu.vector_load %arg7[%parallel_loop3A_522, %parallel_loop3A_523] {strides = array<i32>} : memref<8x2048xf32, #tpu.memory_space<vmem>>, vector<16xf32>,
        tpu.vector_store %arg7[%parallel_loop3A_522, %parallel_loop3A_523], %parallel_loop3A_518 {strides = array<i32>} : memref<8x2048xf32, #tpu.memory_space<vmem>>, vector<16xf32>,
        %parallel_loop3A_525 = arith.constant 15 : i32
        %parallel_loop3A_526 = vector.broadcast %parallel_loop3A_525 : i32 to vector<16x1xi32>
        %parallel_loop3A_527 = vector.shape_cast %parallel_loop3A_526 : vector<16x1xi32> to vector<16xi32>
        %parallel_loop3A_528 = tpu.dynamic_gather %parallel_loop3A_518[%parallel_loop3A_527] in [0] : vector<16xf32>, vector<16xi32> -> vector<16xf32>
        %parallel_loop3A_529 = arith.constant 16 : i32
        %parallel_loop3A_530 = arith.muli %parallel_loop3A_529, %parallel_loop3A_480 : i32
        %parallel_loop3A_531 = arith.constant 2 : i32
        %parallel_loop3A_532 = arith.index_cast %parallel_loop3A_531 : i32 to index
        %parallel_loop3A_533 = arith.index_cast %parallel_loop3A_530 : i32 to index
        %parallel_loop3A_534 = tpu.vector_load %arg5[%parallel_loop3A_532, %parallel_loop3A_533] {strides = array<i32>} : memref<8x2048xf32, #tpu.memory_space<vmem>>, vector<16xf32>,
        %parallel_loop3A_535 = arith.constant true
        %parallel_loop3A_536 = vector.broadcast %parallel_loop3A_535 : i1 to vector<16xi1>
        %parallel_loop3A_537 = tpu.scan <sum>, %parallel_loop3A_534 masked %parallel_loop3A_536 : vector<16xf32>, vector<16xi1> -> vector<16xf32>
        %parallel_loop3A_538 = arith.addf %parallel_loop3A_537, %parallel_loop3A_483 : vector<16xf32>
        %parallel_loop3A_539 = arith.constant 16 : i32
        %parallel_loop3A_540 = arith.muli %parallel_loop3A_539, %parallel_loop3A_480 : i32
        %parallel_loop3A_541 = arith.constant 2 : i32
        %parallel_loop3A_542 = arith.index_cast %parallel_loop3A_541 : i32 to index
        %parallel_loop3A_543 = arith.index_cast %parallel_loop3A_540 : i32 to index
        %parallel_loop3A_544 = tpu.vector_load %arg7[%parallel_loop3A_542, %parallel_loop3A_543] {strides = array<i32>} : memref<8x2048xf32, #tpu.memory_space<vmem>>, vector<16xf32>,
        tpu.vector_store %arg7[%parallel_loop3A_542, %parallel_loop3A_543], %parallel_loop3A_538 {strides = array<i32>} : memref<8x2048xf32, #tpu.memory_space<vmem>>, vector<16xf32>,
        %parallel_loop3A_545 = arith.constant 15 : i32
        %parallel_loop3A_546 = vector.broadcast %parallel_loop3A_545 : i32 to vector<16x1xi32>
        %parallel_loop3A_547 = vector.shape_cast %parallel_loop3A_546 : vector<16x1xi32> to vector<16xi32>
        %parallel_loop3A_548 = tpu.dynamic_gather %parallel_loop3A_538[%parallel_loop3A_547] in [0] : vector<16xf32>, vector<16xi32> -> vector<16xf32>
        %parallel_loop3A_549 = arith.constant 16 : i32
        %parallel_loop3A_550 = arith.muli %parallel_loop3A_549, %parallel_loop3A_480 : i32
        %parallel_loop3A_551 = arith.constant 3 : i32
        %parallel_loop3A_552 = arith.index_cast %parallel_loop3A_551 : i32 to index
        %parallel_loop3A_553 = arith.index_cast %parallel_loop3A_550 : i32 to index
        %parallel_loop3A_554 = tpu.vector_load %arg5[%parallel_loop3A_552, %parallel_loop3A_553] {strides = array<i32>} : memref<8x2048xf32, #tpu.memory_space<vmem>>, vector<16xf32>,
        %parallel_loop3A_555 = arith.constant true
        %parallel_loop3A_556 = vector.broadcast %parallel_loop3A_555 : i1 to vector<16xi1>
        %parallel_loop3A_557 = tpu.scan <sum>, %parallel_loop3A_554 masked %parallel_loop3A_556 : vector<16xf32>, vector<16xi1> -> vector<16xf32>
        %parallel_loop3A_558 = arith.addf %parallel_loop3A_557, %parallel_loop3A_484 : vector<16xf32>
        %parallel_loop3A_559 = arith.constant 16 : i32
        %parallel_loop3A_560 = arith.muli %parallel_loop3A_559, %parallel_loop3A_480 : i32
        %parallel_loop3A_561 = arith.constant 3 : i32
        %parallel_loop3A_562 = arith.index_cast %parallel_loop3A_561 : i32 to index
        %parallel_loop3A_563 = arith.index_cast %parallel_loop3A_560 : i32 to index
        %parallel_loop3A_564 = tpu.vector_load %arg7[%parallel_loop3A_562, %parallel_loop3A_563] {strides = array<i32>} : memref<8x2048xf32, #tpu.memory_space<vmem>>, vector<16xf32>,
        tpu.vector_store %arg7[%parallel_loop3A_562, %parallel_loop3A_563], %parallel_loop3A_558 {strides = array<i32>} : memref<8x2048xf32, #tpu.memory_space<vmem>>, vector<16xf32>,
        %parallel_loop3A_565 = arith.constant 15 : i32
        %parallel_loop3A_566 = vector.broadcast %parallel_loop3A_565 : i32 to vector<16x1xi32>
        %parallel_loop3A_567 = vector.shape_cast %parallel_loop3A_566 : vector<16x1xi32> to vector<16xi32>
        %parallel_loop3A_568 = tpu.dynamic_gather %parallel_loop3A_558[%parallel_loop3A_567] in [0] : vector<16xf32>, vector<16xi32> -> vector<16xf32>
        %parallel_loop3A_569 = arith.constant 16 : i32
        %parallel_loop3A_570 = arith.muli %parallel_loop3A_569, %parallel_loop3A_480 : i32
        %parallel_loop3A_571 = arith.constant 4 : i32
        %parallel_loop3A_572 = arith.index_cast %parallel_loop3A_571 : i32 to index
        %parallel_loop3A_573 = arith.index_cast %parallel_loop3A_570 : i32 to index
        %parallel_loop3A_574 = tpu.vector_load %arg5[%parallel_loop3A_572, %parallel_loop3A_573] {strides = array<i32>} : memref<8x2048xf32, #tpu.memory_space<vmem>>, vector<16xf32>,
        %parallel_loop3A_575 = arith.constant true
        %parallel_loop3A_576 = vector.broadcast %parallel_loop3A_575 : i1 to vector<16xi1>
        %parallel_loop3A_577 = tpu.scan <sum>, %parallel_loop3A_574 masked %parallel_loop3A_576 : vector<16xf32>, vector<16xi1> -> vector<16xf32>
        %parallel_loop3A_578 = arith.addf %parallel_loop3A_577, %parallel_loop3A_485 : vector<16xf32>
        %parallel_loop3A_579 = arith.constant 16 : i32
        %parallel_loop3A_580 = arith.muli %parallel_loop3A_579, %parallel_loop3A_480 : i32
        %parallel_loop3A_581 = arith.constant 4 : i32
        %parallel_loop3A_582 = arith.index_cast %parallel_loop3A_581 : i32 to index
        %parallel_loop3A_583 = arith.index_cast %parallel_loop3A_580 : i32 to index
        %parallel_loop3A_584 = tpu.vector_load %arg7[%parallel_loop3A_582, %parallel_loop3A_583] {strides = array<i32>} : memref<8x2048xf32, #tpu.memory_space<vmem>>, vector<16xf32>,
        tpu.vector_store %arg7[%parallel_loop3A_582, %parallel_loop3A_583], %parallel_loop3A_578 {strides = array<i32>} : memref<8x2048xf32, #tpu.memory_space<vmem>>, vector<16xf32>,
        %parallel_loop3A_585 = arith.constant 15 : i32
        %parallel_loop3A_586 = vector.broadcast %parallel_loop3A_585 : i32 to vector<16x1xi32>
        %parallel_loop3A_587 = vector.shape_cast %parallel_loop3A_586 : vector<16x1xi32> to vector<16xi32>
        %parallel_loop3A_588 = tpu.dynamic_gather %parallel_loop3A_578[%parallel_loop3A_587] in [0] : vector<16xf32>, vector<16xi32> -> vector<16xf32>
        %parallel_loop3A_589 = arith.constant 16 : i32
        %parallel_loop3A_590 = arith.muli %parallel_loop3A_589, %parallel_loop3A_480 : i32
        %parallel_loop3A_591 = arith.constant 5 : i32
        %parallel_loop3A_592 = arith.index_cast %parallel_loop3A_591 : i32 to index
        %parallel_loop3A_593 = arith.index_cast %parallel_loop3A_590 : i32 to index
        %parallel_loop3A_594 = tpu.vector_load %arg5[%parallel_loop3A_592, %parallel_loop3A_593] {strides = array<i32>} : memref<8x2048xf32, #tpu.memory_space<vmem>>, vector<16xf32>,
        %parallel_loop3A_595 = arith.constant true
        %parallel_loop3A_596 = vector.broadcast %parallel_loop3A_595 : i1 to vector<16xi1>
        %parallel_loop3A_597 = tpu.scan <sum>, %parallel_loop3A_594 masked %parallel_loop3A_596 : vector<16xf32>, vector<16xi1> -> vector<16xf32>
        %parallel_loop3A_598 = arith.addf %parallel_loop3A_597, %parallel_loop3A_486 : vector<16xf32>
        %parallel_loop3A_599 = arith.constant 16 : i32
        %parallel_loop3A_600 = arith.muli %parallel_loop3A_599, %parallel_loop3A_480 : i32
        %parallel_loop3A_601 = arith.constant 5 : i32
        %parallel_loop3A_602 = arith.index_cast %parallel_loop3A_601 : i32 to index
        %parallel_loop3A_603 = arith.index_cast %parallel_loop3A_600 : i32 to index
        %parallel_loop3A_604 = tpu.vector_load %arg7[%parallel_loop3A_602, %parallel_loop3A_603] {strides = array<i32>} : memref<8x2048xf32, #tpu.memory_space<vmem>>, vector<16xf32>,
        tpu.vector_store %arg7[%parallel_loop3A_602, %parallel_loop3A_603], %parallel_loop3A_598 {strides = array<i32>} : memref<8x2048xf32, #tpu.memory_space<vmem>>, vector<16xf32>,
        %parallel_loop3A_605 = arith.constant 15 : i32
        %parallel_loop3A_606 = vector.broadcast %parallel_loop3A_605 : i32 to vector<16x1xi32>
        %parallel_loop3A_607 = vector.shape_cast %parallel_loop3A_606 : vector<16x1xi32> to vector<16xi32>
        %parallel_loop3A_608 = tpu.dynamic_gather %parallel_loop3A_598[%parallel_loop3A_607] in [0] : vector<16xf32>, vector<16xi32> -> vector<16xf32>
        %parallel_loop3A_609 = arith.constant 16 : i32
        %parallel_loop3A_610 = arith.muli %parallel_loop3A_609, %parallel_loop3A_480 : i32
        %parallel_loop3A_611 = arith.constant 6 : i32
        %parallel_loop3A_612 = arith.index_cast %parallel_loop3A_611 : i32 to index
        %parallel_loop3A_613 = arith.index_cast %parallel_loop3A_610 : i32 to index
        %parallel_loop3A_614 = tpu.vector_load %arg5[%parallel_loop3A_612, %parallel_loop3A_613] {strides = array<i32>} : memref<8x2048xf32, #tpu.memory_space<vmem>>, vector<16xf32>,
        %parallel_loop3A_615 = arith.constant true
        %parallel_loop3A_616 = vector.broadcast %parallel_loop3A_615 : i1 to vector<16xi1>
        %parallel_loop3A_617 = tpu.scan <sum>, %parallel_loop3A_614 masked %parallel_loop3A_616 : vector<16xf32>, vector<16xi1> -> vector<16xf32>
        %parallel_loop3A_618 = arith.addf %parallel_loop3A_617, %parallel_loop3A_487 : vector<16xf32>
        %parallel_loop3A_619 = arith.constant 16 : i32
        %parallel_loop3A_620 = arith.muli %parallel_loop3A_619, %parallel_loop3A_480 : i32
        %parallel_loop3A_621 = arith.constant 6 : i32
        %parallel_loop3A_622 = arith.index_cast %parallel_loop3A_621 : i32 to index
        %parallel_loop3A_623 = arith.index_cast %parallel_loop3A_620 : i32 to index
        %parallel_loop3A_624 = tpu.vector_load %arg7[%parallel_loop3A_622, %parallel_loop3A_623] {strides = array<i32>} : memref<8x2048xf32, #tpu.memory_space<vmem>>, vector<16xf32>,
        tpu.vector_store %arg7[%parallel_loop3A_622, %parallel_loop3A_623], %parallel_loop3A_618 {strides = array<i32>} : memref<8x2048xf32, #tpu.memory_space<vmem>>, vector<16xf32>,
        %parallel_loop3A_625 = arith.constant 15 : i32
        %parallel_loop3A_626 = vector.broadcast %parallel_loop3A_625 : i32 to vector<16x1xi32>
        %parallel_loop3A_627 = vector.shape_cast %parallel_loop3A_626 : vector<16x1xi32> to vector<16xi32>
        %parallel_loop3A_628 = tpu.dynamic_gather %parallel_loop3A_618[%parallel_loop3A_627] in [0] : vector<16xf32>, vector<16xi32> -> vector<16xf32>
        %parallel_loop3A_629 = arith.constant 16 : i32
        %parallel_loop3A_630 = arith.muli %parallel_loop3A_629, %parallel_loop3A_480 : i32
        %parallel_loop3A_631 = arith.constant 7 : i32
        %parallel_loop3A_632 = arith.index_cast %parallel_loop3A_631 : i32 to index
        %parallel_loop3A_633 = arith.index_cast %parallel_loop3A_630 : i32 to index
        %parallel_loop3A_634 = tpu.vector_load %arg5[%parallel_loop3A_632, %parallel_loop3A_633] {strides = array<i32>} : memref<8x2048xf32, #tpu.memory_space<vmem>>, vector<16xf32>,
        %parallel_loop3A_635 = arith.constant true
        %parallel_loop3A_636 = vector.broadcast %parallel_loop3A_635 : i1 to vector<16xi1>
        %parallel_loop3A_637 = tpu.scan <sum>, %parallel_loop3A_634 masked %parallel_loop3A_636 : vector<16xf32>, vector<16xi1> -> vector<16xf32>
        %parallel_loop3A_638 = arith.addf %parallel_loop3A_637, %parallel_loop3A_488 : vector<16xf32>
        %parallel_loop3A_639 = arith.constant 16 : i32
        %parallel_loop3A_640 = arith.muli %parallel_loop3A_639, %parallel_loop3A_480 : i32
        %parallel_loop3A_641 = arith.constant 7 : i32
        %parallel_loop3A_642 = arith.index_cast %parallel_loop3A_641 : i32 to index
        %parallel_loop3A_643 = arith.index_cast %parallel_loop3A_640 : i32 to index
        %parallel_loop3A_644 = tpu.vector_load %arg7[%parallel_loop3A_642, %parallel_loop3A_643] {strides = array<i32>} : memref<8x2048xf32, #tpu.memory_space<vmem>>, vector<16xf32>,
        tpu.vector_store %arg7[%parallel_loop3A_642, %parallel_loop3A_643], %parallel_loop3A_638 {strides = array<i32>} : memref<8x2048xf32, #tpu.memory_space<vmem>>, vector<16xf32>,
        %parallel_loop3A_645 = arith.constant 15 : i32
        %parallel_loop3A_646 = vector.broadcast %parallel_loop3A_645 : i32 to vector<16x1xi32>
        %parallel_loop3A_647 = vector.shape_cast %parallel_loop3A_646 : vector<16x1xi32> to vector<16xi32>
        %parallel_loop3A_648 = tpu.dynamic_gather %parallel_loop3A_638[%parallel_loop3A_647] in [0] : vector<16xf32>, vector<16xi32> -> vector<16xf32>
        scf.yield %parallel_loop3A_508, %parallel_loop3A_528, %parallel_loop3A_548, %parallel_loop3A_568, %parallel_loop3A_588, %parallel_loop3A_608, %parallel_loop3A_628, %parallel_loop3A_648 : vector<16xf32>, vector<16xf32>, vector<16xf32>, vector<16xf32>, vector<16xf32>, vector<16xf32>, vector<16xf32>, vector<16xf32>
      } {sc.loop_unroll_factor = 4 : i64, sc.parallel_access}
      %jit3A_382 = arith.constant 2 : i32
      %div3A_383 = arith.divsi %add3A_176, %jit3A_382 : i32
      %sign3A_384 = arith.constant 0 : i32
      %sign3A_385 = arith.cmpi sgt, %add3A_176, %sign3A_384 : i32
      %sign3A_386 = arith.extui %sign3A_385 : i1 to i32
      %sign3A_387 = arith.constant 0 : i32
      %sign3A_388 = arith.cmpi slt, %add3A_176, %sign3A_387 : i32
      %sign3A_389 = arith.extui %sign3A_388 : i1 to i32
      %sign3A_390 = arith.subi %sign3A_386, %sign3A_389 : i32
      %sign3A_391 = arith.constant 0 : i32
      %sign3A_392 = arith.cmpi sgt, %jit3A_382, %sign3A_391 : i32
      %sign3A_393 = arith.extui %sign3A_392 : i1 to i32
      %sign3A_394 = arith.constant 0 : i32
      %sign3A_395 = arith.cmpi slt, %jit3A_382, %sign3A_394 : i32
      %sign3A_396 = arith.extui %sign3A_395 : i1 to i32
      %sign3A_397 = arith.subi %sign3A_393, %sign3A_396 : i32
      %ne3A_398 = arith.cmpi ne, %sign3A_390, %sign3A_397 : i32
      %rem3A_399 = arith.remsi %add3A_176, %jit3A_382 : i32
      %ne3A_400 = arith.constant 0 : i32
      %ne3A_401 = arith.cmpi ne, %rem3A_399, %ne3A_400 : i32
      %and3A_402 = arith.andi %ne3A_398, %ne3A_401 : i1
      %sub3A_403 = arith.constant 1 : i32
      %sub3A_404 = arith.subi %div3A_383, %sub3A_403 : i32
      %select_n3A_405 = arith.select %and3A_402, %sub3A_404, %div3A_383 : i32
      %jit3A_406 = arith.constant 2 : i32
      %eq3A_407 = arith.constant 0 : i32
      %eq3A_408 = arith.cmpi eq, %jit3A_406, %eq3A_407 : i32
      %jit3A_409 = arith.constant 1 : i32
      %select_n3A_410 = arith.select %eq3A_408, %jit3A_409, %jit3A_406 : i32
      %rem3A_411 = arith.remsi %add3A_176, %select_n3A_410 : i32
      %ne3A_412 = arith.constant 0 : i32
      %ne3A_413 = arith.cmpi ne, %rem3A_411, %ne3A_412 : i32
      %lt3A_414 = arith.constant 0 : i32
      %lt3A_415 = arith.cmpi slt, %rem3A_411, %lt3A_414 : i32
      %lt3A_416 = arith.constant 0 : i32
      %lt3A_417 = arith.cmpi slt, %select_n3A_410, %lt3A_416 : i32
      %ne3A_418 = arith.xori %lt3A_415, %lt3A_417 : i1
      %and3A_419 = arith.andi %ne3A_418, %ne3A_413 : i1
      %add3A_420 = arith.addi %rem3A_411, %select_n3A_410 : i32
      %select_n3A_421 = arith.select %and3A_419, %add3A_420, %rem3A_411 : i32
      %mul3A_422 = arith.constant 8 : i32
      %mul3A_423 = arith.muli %mul3A_422, %select_n3A_405 : i32
      %add3A_424 = arith.addi %mul3A_2, %mul3A_423 : i32
      %mul3A_425 = arith.constant 2048 : i32
      %mul3A_426 = arith.muli %mul3A_425, %select_n3A_421 : i32
      %dma_start3A_427 = tpu.memref_slice %arg3[%add3A_424, %mul3A_426] : memref<8192x4096xf32, #tpu.memory_space<hbm>> -> memref<8x2048xf32, #tpu.memory_space<hbm>>
      %dma_start3A_428 = tpu.memref_slice %arg3[%add3A_424, %mul3A_426] : memref<8192x4096xf32, #tpu.memory_space<hbm>> -> memref<8x2048xf32, #tpu.memory_space<hbm>>
      tpu.enqueue_dma source(%arg7 : memref<8x2048xf32, #tpu.memory_space<vmem>>) target(%dma_start3A_428 : memref<8x2048xf32, #tpu.memory_space<hbm>>) target_semaphore(%arg11 : memref<!tpu.dma_semaphore, #tpu.memory_space<semaphore_mem>>)
      %add3A_429 = arith.constant 2 : i32
      %add3A_430 = arith.addi %add3A_176, %add3A_429 : i32
      %min3A_431 = arith.constant 63 : i32
      %min3A_432 = arith.minsi %add3A_430, %min3A_431 : i32
      %jit3A_433 = arith.constant 2 : i32
      %div3A_434 = arith.divsi %min3A_432, %jit3A_433 : i32
      %sign3A_435 = arith.constant 0 : i32
      %sign3A_436 = arith.cmpi sgt, %min3A_432, %sign3A_435 : i32
      %sign3A_437 = arith.extui %sign3A_436 : i1 to i32
      %sign3A_438 = arith.constant 0 : i32
      %sign3A_439 = arith.cmpi slt, %min3A_432, %sign3A_438 : i32
      %sign3A_440 = arith.extui %sign3A_439 : i1 to i32
      %sign3A_441 = arith.subi %sign3A_437, %sign3A_440 : i32
      %sign3A_442 = arith.constant 0 : i32
      %sign3A_443 = arith.cmpi sgt, %jit3A_433, %sign3A_442 : i32
      %sign3A_444 = arith.extui %sign3A_443 : i1 to i32
      %sign3A_445 = arith.constant 0 : i32
      %sign3A_446 = arith.cmpi slt, %jit3A_433, %sign3A_445 : i32
      %sign3A_447 = arith.extui %sign3A_446 : i1 to i32
      %sign3A_448 = arith.subi %sign3A_444, %sign3A_447 : i32
      %ne3A_449 = arith.cmpi ne, %sign3A_441, %sign3A_448 : i32
      %rem3A_450 = arith.remsi %min3A_432, %jit3A_433 : i32
      %ne3A_451 = arith.constant 0 : i32
      %ne3A_452 = arith.cmpi ne, %rem3A_450, %ne3A_451 : i32
      %and3A_453 = arith.andi %ne3A_449, %ne3A_452 : i1
      %sub3A_454 = arith.constant 1 : i32
      %sub3A_455 = arith.subi %div3A_434, %sub3A_454 : i32
      %select_n3A_456 = arith.select %and3A_453, %sub3A_455, %div3A_434 : i32
      %jit3A_457 = arith.constant 2 : i32
      %eq3A_458 = arith.constant 0 : i32
      %eq3A_459 = arith.cmpi eq, %jit3A_457, %eq3A_458 : i32
      %jit3A_460 = arith.constant 1 : i32
      %select_n3A_461 = arith.select %eq3A_459, %jit3A_460, %jit3A_457 : i32
      %rem3A_462 = arith.remsi %min3A_432, %select_n3A_461 : i32
      %ne3A_463 = arith.constant 0 : i32
      %ne3A_464 = arith.cmpi ne, %rem3A_462, %ne3A_463 : i32
      %lt3A_465 = arith.constant 0 : i32
      %lt3A_466 = arith.cmpi slt, %rem3A_462, %lt3A_465 : i32
      %lt3A_467 = arith.constant 0 : i32
      %lt3A_468 = arith.cmpi slt, %select_n3A_461, %lt3A_467 : i32
      %ne3A_469 = arith.xori %lt3A_466, %lt3A_468 : i1
      %and3A_470 = arith.andi %ne3A_469, %ne3A_464 : i1
      %add3A_471 = arith.addi %rem3A_462, %select_n3A_461 : i32
      %select_n3A_472 = arith.select %and3A_470, %add3A_471, %rem3A_462 : i32
      %mul3A_473 = arith.constant 8 : i32
      %mul3A_474 = arith.muli %mul3A_473, %select_n3A_456 : i32
      %add3A_475 = arith.addi %mul3A_2, %mul3A_474 : i32
      %mul3A_476 = arith.constant 2048 : i32
      %mul3A_477 = arith.muli %mul3A_476, %select_n3A_472 : i32
      %dma_start3A_478 = tpu.memref_slice %arg2[%add3A_475, %mul3A_477] : memref<8192x4096xf32, #tpu.memory_space<hbm>> -> memref<8x2048xf32, #tpu.memory_space<hbm>>
      %dma_start3A_479 = tpu.memref_slice %arg2[%add3A_475, %mul3A_477] : memref<8192x4096xf32, #tpu.memory_space<hbm>> -> memref<8x2048xf32, #tpu.memory_space<hbm>>
      tpu.enqueue_dma source(%dma_start3A_479 : memref<8x2048xf32, #tpu.memory_space<hbm>>) target(%arg5 : memref<8x2048xf32, #tpu.memory_space<vmem>>) target_semaphore(%arg9 : memref<!tpu.dma_semaphore, #tpu.memory_space<semaphore_mem>>)
      scf.yield %parallel_loop3A_381#0, %parallel_loop3A_381#1, %parallel_loop3A_381#2, %parallel_loop3A_381#3, %parallel_loop3A_381#4, %parallel_loop3A_381#5, %parallel_loop3A_381#6, %parallel_loop3A_381#7 : vector<16xf32>, vector<16xf32>, vector<16xf32>, vector<16xf32>, vector<16xf32>, vector<16xf32>, vector<16xf32>, vector<16xf32>
    }
    %scan3A_137 = arith.constant 31 : i32
    %dma_wait3A_138 = arith.constant 0 : i32
    %dma_wait3A_139 = arith.constant 0 : i32
    %dma_wait3A_140 = tpu.memref_slice %arg2[%dma_wait3A_138, %dma_wait3A_139] : memref<8192x4096xf32, #tpu.memory_space<hbm>> -> memref<8x2048xf32, #tpu.memory_space<hbm>>
    %dma_wait3A_141 = arith.constant 0 : i32
    %dma_wait3A_142 = arith.constant 0 : i32
    %dma_wait3A_143 = tpu.memref_slice %arg2[%dma_wait3A_141, %dma_wait3A_142] : memref<8192x4096xf32, #tpu.memory_space<hbm>> -> memref<8x2048xf32, #tpu.memory_space<hbm>>
    tpu.wait_dma2 semaphore(%arg8 : memref<!tpu.dma_semaphore, #tpu.memory_space<semaphore_mem>>) src(%dma_wait3A_143 : memref<8x2048xf32, #tpu.memory_space<hbm>>) dst(%arg4 : memref<8x2048xf32, #tpu.memory_space<vmem>>)
    %dma_wait3A_144 = arith.constant 0 : i32
    %dma_wait3A_145 = arith.constant 0 : i32
    %dma_wait3A_146 = tpu.memref_slice %arg2[%dma_wait3A_144, %dma_wait3A_145] : memref<8192x4096xf32, #tpu.memory_space<hbm>> -> memref<8x2048xf32, #tpu.memory_space<hbm>>
    %dma_wait3A_147 = arith.constant 0 : i32
    %dma_wait3A_148 = arith.constant 0 : i32
    %dma_wait3A_149 = tpu.memref_slice %arg2[%dma_wait3A_147, %dma_wait3A_148] : memref<8192x4096xf32, #tpu.memory_space<hbm>> -> memref<8x2048xf32, #tpu.memory_space<hbm>>
    tpu.wait_dma2 semaphore(%arg9 : memref<!tpu.dma_semaphore, #tpu.memory_space<semaphore_mem>>) src(%dma_wait3A_149 : memref<8x2048xf32, #tpu.memory_space<hbm>>) dst(%arg5 : memref<8x2048xf32, #tpu.memory_space<vmem>>)
    %dma_wait3A_150 = arith.constant 0 : i32
    %dma_wait3A_151 = arith.constant 0 : i32
    %dma_wait3A_152 = tpu.memref_slice %arg3[%dma_wait3A_150, %dma_wait3A_151] : memref<8192x4096xf32, #tpu.memory_space<hbm>> -> memref<8x2048xf32, #tpu.memory_space<hbm>>
    %dma_wait3A_153 = arith.constant 0 : i32
    %dma_wait3A_154 = arith.constant 0 : i32
    %dma_wait3A_155 = tpu.memref_slice %arg3[%dma_wait3A_153, %dma_wait3A_154] : memref<8192x4096xf32, #tpu.memory_space<hbm>> -> memref<8x2048xf32, #tpu.memory_space<hbm>>
    tpu.wait_dma2 semaphore(%arg10 : memref<!tpu.dma_semaphore, #tpu.memory_space<semaphore_mem>>) src(%arg6 : memref<8x2048xf32, #tpu.memory_space<vmem>>) dst(%dma_wait3A_155 : memref<8x2048xf32, #tpu.memory_space<hbm>>)
    %dma_wait3A_156 = arith.constant 0 : i32
    %dma_wait3A_157 = arith.constant 0 : i32
    %dma_wait3A_158 = tpu.memref_slice %arg3[%dma_wait3A_156, %dma_wait3A_157] : memref<8192x4096xf32, #tpu.memory_space<hbm>> -> memref<8x2048xf32, #tpu.memory_space<hbm>>
    %dma_wait3A_159 = arith.constant 0 : i32
    %dma_wait3A_160 = arith.constant 0 : i32
    %dma_wait3A_161 = tpu.memref_slice %arg3[%dma_wait3A_159, %dma_wait3A_160] : memref<8192x4096xf32, #tpu.memory_space<hbm>> -> memref<8x2048xf32, #tpu.memory_space<hbm>>
    tpu.wait_dma2 semaphore(%arg11 : memref<!tpu.dma_semaphore, #tpu.memory_space<semaphore_mem>>) src(%arg7 : memref<8x2048xf32, #tpu.memory_space<vmem>>) dst(%dma_wait3A_161 : memref<8x2048xf32, #tpu.memory_space<hbm>>)
    return
  }
}

</mosaic_0001>

<sc_bundles>
// kernel: kernel.3.cloned.1.call-start
scs
__scs_entry_jumppad:
0x0: {  	(pc) =	sbr.rel $0x88, $3  }
0x1: {  	(tag) =	ssettag $0x0;
	lr =	simm.s32 $0x1  }
0x2: {  	[smem:$0x3FA0] =	sst lr;
	_ =	strace $0xD0000000  }
0x3: {  	_ = 	snop  }
0x4: {  	_ = 	snop  }
0x5: {  	_ = 	snop  }
0x6: {  	_ = 	snop  }
0x7: {  	_ = 	snop  }
__scs_overlays_trampoline_lowered:
0x8: {  	[smem:$0x3FAF] =	sst s0  }
0x9: {  	[smem:$0x3FB0] =	sst s1  }
0xa: {  	[smem:$0x3FB1] =	sst s2  }
0xb: {  	[smem:$0x3FB2] =	sst s3  }
0xc: {  	[smem:$0x3FB3] =	sst s4  }
0xd: {  	[smem:$0x3FB4] =	sst s5  }
0xe: {  	[smem:$0x3FB5] =	sst s6  }
0xf: {  	[smem:$0x3FB6] =	sst s7  }
0x10: {  	[smem:$0x3FB7] =	sst s8  }
0x11: {  	[smem:$0x3FB8] =	sst s9;
	s0 =	simm.s32 @!p0 $0x0  }
0x12: {  	s1 =	sld [smem:$0x3F9E];
	s0 =	simm.s32 @p0 $0x1  }
0x13: {  	[smem:$0x3FB9] =	sst s0;
	s0 =	simm.s32 @!p1 $0x0  }
0x14: {  	s2 =	sld [smem:$0x3F9D];
	s0 =	simm.s32 @p1 $0x1  }
0x15: {  	[smem:$0x3FBA] =	sst s0;
	s0 =	simm.s32 @!p2 $0x0  }
0x16: {  	s3 =	sld [smem:$0x3FDB];
	s0 =	simm.s32 @p2 $0x1  }
0x17: {  	s4 =	simm.s32 $0x1BF5;
	[smem:$0x3FBC] =	sst s0  }
0x18: {  	s0 =	sld [smem:$0x3F9F];
	_ =	swait.ge [sflag:s4], $0x0  }
0x19: {  	s7 =	sld [smem:$0x3FA0]  }
0x1a: {  	s8 =	sadd.s32 $0xFFFFE003, lr  }
0x1b: {  	s9 =	sadd.s32 $0xFFFFFEF7, lr;
	s5 =	simm.s32 $0xFFFFFFFF;
	p2 =	slt.u32 s8, $0xFFFFF086  }
0x1c: {  	p1 =	slt.u32 s9, $0xF7A;
	s5 =	simm.s32 @!p2 $0x0  }
0x1d: {  	s5 =	simm.s32 @p1 $0x1;
	p0 =	seq.s32 s7, s2  }
0x1e: {  	s7 =	smul.u32 @!p0 $0xF7A, s2;
	p2 =	seq.s32 @!p0 s5, $0x0  }
0x1f: {  	s9 =	smul.u32 $0xF7A, s1;
	s8 =	simm.s32 @!p0 $0x1BF5;
	p2 =	por !p2, p0  }
0x20: {  	[sflag:s8] =	ssyncset.s32 @!p0 $0xFFFFF086;
	s6 =	sadd.s32 @!p0 s3, s7;
	s7 =	simm.s32 @!p0 $0x108  }
0x21: {  	s3 =	sadd.s32 s3, s9;
	s6 =	sadd.s32 @!p0 $0x88, s6;
	s7 =	simm.s32 @p2 $0x1082  }
0x22: {  	[simem:s7], [sflag:s8] =	dma.local @!p0 [hbm:s6], $0xF7A  }
0x23: {  	s9 =	sor.u32 $0xD0000000, s2;
	s6 =	simm.s32 $0x108;
	_ =	swait.ge @!p0 [sflag:s8], $0x0  }
0x24: {  	s3 =	sadd.s32 $0x88, s3;
	s6 =	simm.s32 @!p1 $0x1082;
	[sflag:s4] =	ssyncset.s32 $0xFFFFF086  }
0x25: {  	[simem:s6], [sflag:s4] =	dma.local [hbm:s3], $0xF7A  }
0x26: {  	[smem:$0x3FA0] =	sst s1;
	(tag) =	ssettag s2;
	_ =	strace s9  }
0x27: {  	s1 =	sld [smem:$0x3FB0]  }
0x28: {  	s2 =	sld [smem:$0x3FB1]  }
0x29: {  	s4 =	sld [smem:$0x3FB3]  }
0x2a: {  	p0 =	seq.s32 s5, $0x0;
	s5 =	sld [smem:$0x3FB4]  }
0x2b: {  	s6 =	sld [smem:$0x3FB5]  }
0x2c: {  	s7 =	sld [smem:$0x3FB6]  }
0x2d: {  	s3 =	simm.s32 $0x108;
	s8 =	sld [smem:$0x3FB7]  }
0x2e: {  	s3 =	simm.s32 @!p0 $0x1082;
	s9 =	sld [smem:$0x3FB8]  }
0x2f: {  	lr =	sadd.s32 s0, s3;
	s0 =	sld [smem:$0x3FAF]  }
0x30: {  	s3 =	sld [smem:$0x3FB2]  }
0x31: {  	[smem:$0x3FBB] =	sst s10  }
0x32: {  	s10 =	sld [smem:$0x3FB9];
	_ =	sdelay $0x3  }
0x33: {  	p0 =	seq.s32 s10, $0x1;
	s10 =	sld [smem:$0x3FBB];
	_ =	sdelay $0x3  }
0x34: {  	[smem:$0x3FBB] =	sst s10  }
0x35: {  	s10 =	sld [smem:$0x3FBA];
	_ =	sdelay $0x3  }
0x36: {  	p1 =	seq.s32 s10, $0x1;
	s10 =	sld [smem:$0x3FBB];
	_ =	sdelay $0x3  }
0x37: {  	[smem:$0x3FBB] =	sst s10  }
0x38: {  	s10 =	sld [smem:$0x3FBC]  }
0x39: {  	_ = 	snop;
	(pc) =	sbr.ind lr, $3  }
0x3a: {  	_ = 	snop  }
0x3b: {  	_ = 	snop  }
0x3c: {  	p2 =	seq.s32 s10, $0x1;
	s10 =	sld [smem:$0x3FBB]  }
0x3d: {  	_ =	shalt  }
0x3e: {  	_ =	shalt  }
0x3f: {  	_ =	shalt  }
0x40: {  	_ =	shalt  }
0x41: {  	_ =	shalt  }
0x42: {  	_ =	shalt  }
0x43: {  	_ =	shalt  }
0x44: {  	_ =	shalt  }
0x45: {  	_ =	shalt  }
0x46: {  	_ =	shalt  }
0x47: {  	_ =	shalt  }
0x48: {  	_ =	shalt  }
0x49: {  	_ =	shalt  }
0x4a: {  	_ =	shalt  }
0x4b: {  	_ =	shalt  }
0x4c: {  	_ =	shalt  }
0x4d: {  	_ =	shalt  }
0x4e: {  	_ =	shalt  }
0x4f: {  	_ =	shalt  }
0x50: {  	_ =	shalt  }
0x51: {  	_ =	shalt  }
0x52: {  	_ =	shalt  }
0x53: {  	_ =	shalt  }
0x54: {  	_ =	shalt  }
0x55: {  	_ =	shalt  }
0x56: {  	_ =	shalt  }
0x57: {  	_ =	shalt  }
0x58: {  	_ =	shalt  }
0x59: {  	_ =	shalt  }
0x5a: {  	_ =	shalt  }
0x5b: {  	_ =	shalt  }
0x5c: {  	_ =	shalt  }
0x5d: {  	_ =	shalt  }
0x5e: {  	_ =	shalt  }
0x5f: {  	_ =	shalt  }
0x60: {  	_ =	shalt  }
0x61: {  	_ =	shalt  }
0x62: {  	_ =	shalt  }
0x63: {  	_ =	shalt  }
0x64: {  	_ =	shalt  }
0x65: {  	_ =	shalt  }
0x66: {  	_ =	shalt  }
0x67: {  	_ =	shalt  }
0x68: {  	_ =	shalt  }
0x69: {  	_ =	shalt  }
0x6a: {  	_ =	shalt  }
0x6b: {  	_ =	shalt  }
0x6c: {  	_ =	shalt  }
0x6d: {  	_ =	shalt  }
0x6e: {  	_ =	shalt  }
0x6f: {  	_ =	shalt  }
0x70: {  	_ =	shalt  }
0x71: {  	_ =	shalt  }
0x72: {  	_ =	shalt  }
0x73: {  	_ =	shalt  }
0x74: {  	_ =	shalt  }
0x75: {  	_ =	shalt  }
0x76: {  	_ =	shalt  }
0x77: {  	_ =	shalt  }
0x78: {  	_ =	shalt  }
0x79: {  	_ =	shalt  }
0x7a: {  	_ =	shalt  }
0x7b: {  	_ =	shalt  }
0x7c: {  	_ =	shalt  }
0x7d: {  	_ =	shalt  }
0x7e: {  	_ =	shalt  }
0x7f: {  	_ =	shalt  }
0x80: {  	_ =	shalt  }
0x81: {  	_ =	shalt  }
0x82: {  	_ =	shalt  }
0x83: {  	_ =	shalt  }
0x84: {  	_ =	shalt  }
0x85: {  	_ =	shalt  }
0x86: {  	_ =	shalt  }
0x87: {  	_ =	shalt  }
.Lfunc_end0:
.L_simem_size_0:
called_computation_lowered:
.L_overlay_start_0:
0x88: {  	s2 =	sld [smem:$0x3FD9]  }
0x89: {  	s3 =	sld [smem:$0x3FFE];
	_ =	sdelay $0x1  }
0x8a: {  	s1 =	srdreg.scid  }
0x8b: {  	s0 =	sand.u32 $0x1, s1  }
0x8c: {  	s18 =	sshll.u32 s0, $0xA;
	s2 =	sadd.s32 s3, s2  }
0x8d: {  	s2 =	sadd.s32 s2, s18  }
0x8e: {  	[smem:$0x3FC7] =	sst s2  }
0x8f: {  	_ = 	snop  }
0x90: {  	s2 =	sld [smem:$0x3FC9]  }
0x91: {  	s19 =	sld [smem:$0x3FD0];
	(tm) =	ssettm $0x1  }
0x92: {  	s4 =	sld [smem:$0x3FFB];
	_ =	sdelay $0x3  }
0x93: {  	_ =	strace s4  }
0x94: {  	s4 =	sld [smem:$0x3FFC];
	_ =	sdelay $0x3  }
0x95: {  	_ =	strace s4  }
0x96: {  	s4 =	sld [smem:$0x3FFD];
	_ =	sdelay $0x3  }
0x97: {  	_ =	strace s4  }
0x98: {  	_ =	strace $0x8FFFFFFF  }
0x99: {  	s20 =	sld [smem:$0x3FDB];
	_ =	sdelay $0x1  }
0x9a: {  	s5 =	simm.s32 $_scs_section_size  }
0x9b: {  	s6 =	simm.s32 $_size__tile_overlayer_lowered;
	s7 =	simm.s32 $_tile_overlayer_lowered  }
0x9c: {  	s23 =	simm.s32 $0x1BFF;
	s22 =	sshll.u32 s7, $0x1;
	s4 =	sadd.s32 s5, s20  }
0x9d: {  	s8 =	simm.s32 $0x0;
	s21 =	sshll.u32 s6, $0x1;
	s6 =	sadd.s32 s22, s4  }
0x9e: {  	[timem:s8], [sflag:s23] =	dma.local [hbm:s6], s21  }
0x9f: {  	_ =	swait.ge [sflag:s23], s21  }
0xa0: {  	s5 =	ssub.s32 $0x0, s21;
	[sflag:s23] =	ssyncset.done $0x0  }
0xa1: {  	[sflag:s23] =	ssyncadd.s32 s5;
	_ =	sdelay $0x1  }
0xa2: {  	s24 =	simm.s32 $0x1B8B  }
0xa3: {  	_ =	swait.ge [sflag:s24], $0x1  }
0xa4: {  	[sflag:s24] =	ssyncset.done $0x0  }
0xa5: {  	s25 =	simm.s32 $0x1B8E;
	[sflag:s24] =	ssyncadd.s32 $0xFFFFFFFF  }
0xa6: {  	s26 =	simm.s32 $execute0_lowered;
	[smem:$0x3FD2] =	sst s25  }
0xa7: {  	s5 =	sshll.u32 s26, $0x1;
	_ =	strace $0x80000046;
	[dreg:$0x1] =	wrdreg $0xFFFFFFFF  }
0xa8: {  	s28 =	simm.s32 $_size_execute0_lowered;
	s4 =	sadd.s32 s4, s5;
	[dreg:$0x0] =	wrdreg $0x0  }
0xa9: {  	s5 =	sshll.u32 s28, $0x1;
	[dreg:$0x2] =	wrdreg s4  }
0xaa: {  	[dreg:$0x3] =	wrdreg s5  }
0xab: {  	[dreg:$0x4] =	wrdreg $0xC0  }
0xac: {  	_ =	task [dreg:s8], $0x5FFFF  }
0xad: {  	[dreg:$0x1] =	wrdreg $0xFFFFFFFF  }
0xae: {  	[dreg:$0x0] =	wrdreg $0x60  }
0xaf: {  	[dreg:$0x2] =	wrdreg s2  }
0xb0: {  	[dreg:$0x3] =	wrdreg s19  }
0xb1: {  	[dreg:$0x4] =	wrdreg $0x9  }
0xb2: {  	_ =	task.clear_ibuf [dreg:s8], $0x5FFFF;
	_ =	strace $0x90000046  }
0xb3: {  	s29 =	simm.s32 $0x9;
	_ =	strace $0x80000048  }
0xb4: {  	_ =	swait.ge [sflag:s29], $0x1  }
0xb5: {  	[sflag:s29] =	ssyncadd.s32 $0xFFFFFFFF  }
0xb6: {  	_ =	strace $0x90000048  }
0xb7: {  	_ =	sfence  }
0xb8: {  	s30 =	sld [smem:$0x0];
	_ =	sdelay $0x2  }
0xb9: {  	s31 =	sshll.u32 s1, $0xD;
	s1 =	sshrl.u32 s1, $0x2  }
0xba: {  	s3 =	sand.u32 $0x4000, s31;
	s1 =	sadd.s32 s1, s30  }
0xbb: {  	s0 =	sor.u32 s3, s0;
	s1 =	sshll.u32 s1, $0x11  }
0xbc: {  	s0 =	sor.u32 s1, s0  }
0xbd: {  	s0 =	sadd.s32 $0x8F2B, s0  }
0xbe: {  	[sflag:s0] =	ssyncadd.remote.s32 $0x1  }
0xbf: {  	_ =	sfence.sel $0xFFFF  }
0xc0: {  	[dreg:$0x0] =	wrdreg $0xFFFFFFFF;
	(pc) =	sbr.abs _section_cstart, $3  }
0xc1: {  	[dreg:$0x1] =	wrdreg $0xFFFFFFFF  }
0xc2: {  	_ =	task.clear_ibuf [dreg:s8], $0x2FFFF;
	_ =	strace $0x9FFFFFFF  }
0xc3: {  	(tm) =	ssettm $0x7FFFFFFF  }
tec
execute0_lowered:
.L_overlay_start_1:
0x0: {  	(tag) =	ssettag $0x1  }
0x1: {  	s2 =	rddreg [dreg:$0x0];
	s0 =	srdreg.scid  }
0x2: {  	s3 =	rddreg [dreg:$0x1];
	s4 =	stileid.u32;
	s15 =	simm.s32 $0x4000  }
0x3: {  	s16 =	simm.s32 $0x1;
	s17 =	simm.s32 $0x8000;
	s0 =	sand.u32 $0x1, s0  }
0x4: {  	s18 =	simm.s32 $0x2;
	s5 =	sshll.u32 s4, $0x8;
	s1 =	sshll.u32 s0, $0xC  }
0x5: {  	s4 =	simm.s32 $0x0;
	s0 =	ssub.s32 $0x2, s0;
	s1 =	sor.u32 s5, s1  }
0x6: {  	[smem:$0x7FF] =	sst s4;
	s28 =	sshrl.u32 s0, $0x1;
	s6 =	sshll.u32 s1, $0x9  }
0x7: {  	s7 =	sor.u32 $0x800, s6;
	s29 =	sadd.s32 s2, s6;
	s6 =	sadd.s32 s3, s6  }
0x8: {  	_ =	strace $0x80000047;
	s0 =	ssub.s32 s0, s28;
	[dreg:$0x5] =	wrdreg s6  }
0x9: {  	s19 =	simm.s32 $0xC000;
	s0 =	smax.u32 s0, $0x1;
	[dreg:$0x3] =	wrdreg s29  }
0xa: {  	s20 =	simm.s32 $0x3;
	s8 =	sadd.s32 s2, s7;
	[dreg:$0x9] =	wrdreg s0  }
0xb: {  	s21 =	simm.s32 $0x4;
	s30 =	sadd.s32 $0x1000, s29;
	[dreg:$0x4] =	wrdreg s8  }
0xc: {  	s12 =	sadd.s32 $0x800, s3;
	s31 =	sadd.s32 s3, s7;
	[dreg:$0x6] =	wrdreg s30  }
0xd: {  	s13 =	sadd.s32 $0x800, s2;
	s5 =	sadd.s32 $0x1800, s29;
	[dreg:$0x7] =	wrdreg s31  }
0xe: {  	v0 =	vimm.s32 $0xF;
	s11 =	sshrl.u32 s1, $0x3;
	s1 =	simm.s32 $0x0;
	[dreg:$0x8] =	wrdreg s5  }
.LBB2_1:
0xf: {  	[dreg:$0xa] =	wrdreg s1  }
0x10: {  	s0 =	rddreg [dreg:$0x3]  }
0x11: {  	[tilespmem:s4], [sflag:$0x1] =	stream.linear.gather [hbm4b:s0+s4], $0x4000, $0x38;
	[tilespmem:$0x10000] =	vst v63  }
0x12: {  	s9 =	rddreg [dreg:$0x4]  }
0x13: {  	[tilespmem:s15], [sflag:$0x2] =	stream.linear.gather [hbm4b:s9+s4], $0x4000, $0x38;
	[tilespmem:$0x10000] =	vst v63  }
0x14: {  	_ =	swait.ge [sflag:s16], $0x4000  }
0x15: {  	s10 =	sand.u32 $0x40, s4;
	s14 =	sand.u32 $0x3C00, s4;
	[sflag:s16] =	ssyncset.done $0x0  }
0x16: {  	s8 =	sor.u32 s10, s14;
	[sflag:s16] =	ssyncadd.s32 $0xFFFFC000  }
0x17: {  	v1 =	vld [tilespmem:s8+$0x180]  }
0x18: {  	v2 =	vld [tilespmem:s8+$0x90]  }
0x19: {  	v3 =	vld [tilespmem:s8+$0x1A0]  }
0x1a: {  	v4 =	vld [tilespmem:s8+$0x190]  }
0x1b: {  	v5 =	vld [tilespmem:s8+$0x1B0]  }
0x1c: {  	(xrf2) =	vadd.scan.msk.f32 $0xffff, v1;
	v1 =	vld [tilespmem:s8+$0x100]  }
0x1d: {  	(xrf2) =	vadd.scan.msk.f32 $0xffff, v2;
	v2 =	vld [tilespmem:s8+$0x0]  }
0x1e: {  	v6 =	vld [tilespmem:s8+$0x80];
	(xrf2) =	vadd.scan.msk.f32 $0xffff, v3  }
0x1f: {  	(xrf2) =	vadd.scan.msk.f32 $0xffff, v4  }
0x20: {  	v3 =	vld [tilespmem:s8+$0x10];
	(xrf2) =	vadd.scan.msk.f32 $0xffff, v5  }
0x21: {  	v4 =	vld [tilespmem:s8+$0xA0];
	(xrf2) =	vadd.scan.msk.f32 $0xffff, v1  }
0x22: {  	v1 =	vld [tilespmem:s8+$0x20];
	(xrf2) =	vadd.scan.msk.f32 $0xffff, v2  }
0x23: {  	v2 =	vld [tilespmem:s8+$0xB0];
	(xrf2) =	vadd.scan.msk.f32 $0xffff, v6  }
0x24: {  	v5 =	vld [tilespmem:s8+$0x110]  }
0x25: {  	(xrf2) =	vadd.scan.msk.f32 $0xffff, v3  }
0x26: {  	(xrf2) =	vadd.scan.msk.f32 $0xffff, v4;
	v3, _, _ =	vpop (xrf2)  }
0x27: {  	(xrf2) =	vadd.scan.msk.f32 $0xffff, v1;
	v4, _, _ =	vpop (xrf2)  }
0x28: {  	(xrf2) =	vadd.scan.msk.f32 $0xffff, v2;
	v2, _, _ =	vpop (xrf2)  }
0x29: {  	(xrf2) =	vadd.scan.msk.f32 $0xffff, v5;
	v5, _, _ =	vpop (xrf2)  }
0x2a: {  	v6, _, _ =	vpop (xrf2)  }
0x2b: {  	v9 =	vld [tilespmem:s8+$0x120];
	v7, _, _ =	vpop (xrf2)  }
0x2c: {  	v8, _, _ =	vpop (xrf2)  }
0x2d: {  	v1 =	vimm.f32 $0.0e+00;
	v10, _, _ =	vpop (xrf2)  }
0x2e: {  	v10 =	vadd.f32 v10, v1  }
0x2f: {  	v3 =	vadd.f32 v3, v1;
	v11, _, _ =	vpop (xrf2)  }
0x30: {  	p0 =	por $0x0, $0x0;
	s0 =	simm.s32 $0x1;
	v15 =	vld [tilespmem:s8+$0x130];
	v7 =	vadd.f32 v7, v1;
	v12, _, _ =	vpop (xrf2);
	(xrf2) =	vadd.scan.msk.f32 $0xffff, v9;
	v13 =	vperm.xlane v10, v0  }
0x31: {  	s0 =	simm.s32 @!p0 $0x0;
	[tilespmem:s8+$0x8180] =	vst v3;
	v3 =	vperm.xlane v3, v0;
	v8 =	vadd.f32 v8, v1  }
0x32: {  	s0 =	sshll.u32 s0, $0x6;
	[tilespmem:s8+$0x8100] =	vst v7;
	v14, _, _ =	vpop (xrf2)  }
0x33: {  	s6 =	sadd.s32 $0x0, s0;
	v16 =	vld [tilespmem:s8+$0x30];
	v3 =	vadd.f32 v5, v3;
	[tilespmem:s8+$0x8080] =	vst v10;
	v10 =	vperm.xlane v7, v0;
	v7 =	vperm.xlane v8, v0;
	v9, _, _ =	vpop (xrf2)  }
0x34: {  	s9 =	sor.u32 $0x200, s6;
	[tilespmem:s8+$0x8000] =	vst v8;
	v4 =	vadd.f32 v4, v13;
	v13, _, _ =	vpop (xrf2)  }
0x35: {  	[tilespmem:s8+$0x8190] =	vst v3;
	v7 =	vadd.f32 v11, v7;
	(xrf2) =	vadd.scan.msk.f32 $0xffff, v15;
	v8 =	vadd.f32 v13, v10;
	v10 =	vld [tilespmem:s9+$0x0]  }
0x36: {  	[tilespmem:s8+$0x8090] =	vst v4  }
0x37: {  	s7 =	sadd.s32 $0x10, s6;
	[tilespmem:s8+$0x8010] =	vst v7  }
0x38: {  	s10 =	sor.u32 $0x200, s7;
	v3 =	vperm.xlane v3, v0;
	(xrf2) =	vadd.scan.msk.f32 $0xffff, v16;
	[tilespmem:s8+$0x8110] =	vst v8  }
0x39: {  	v7 =	vperm.xlane v7, v0;
	v8 =	vperm.xlane v8, v0;
	v5 =	vld [tilespmem:s10+$0x0]  }
0x3a: {  	v3 =	vadd.f32 v2, v3;
	v4 =	vperm.xlane v4, v0;
	(xrf2) =	vadd.scan.msk.f32 $0xffff, v10;
	v10, _, _ =	vpop (xrf2)  }
0x3b: {  	v7 =	vadd.f32 v14, v7;
	v8 =	vadd.f32 v10, v8  }
0x3c: {  	[tilespmem:s8+$0x81A0] =	vst v3;
	v4 =	vadd.f32 v12, v4  }
0x3d: {  	[tilespmem:s8+$0x8020] =	vst v7  }
0x3e: {  	s1 =	sadd.s32 $0x20, s6;
	[tilespmem:s8+$0x80A0] =	vst v4;
	v10 =	vperm.xlane v4, v0;
	(xrf2) =	vadd.scan.msk.f32 $0xffff, v5;
	v2 =	vperm.xlane v8, v0  }
0x3f: {  	s25 =	sor.u32 $0x200, s1;
	v4 =	vperm.xlane v3, v0;
	[tilespmem:s8+$0x8120] =	vst v8;
	v8, _, _ =	vpop (xrf2)  }
0x40: {  	v5 =	vperm.xlane v7, v0;
	v7 =	vadd.f32 v9, v10;
	v2 =	vadd.f32 v8, v2;
	v8 =	vld [tilespmem:s25+$0x0]  }
0x41: {  	v4 =	vadd.f32 v6, v4  }
0x42: {  	[tilespmem:s8+$0x80B0] =	vst v7;
	v3, _, _ =	vpop (xrf2)  }
0x43: {  	[tilespmem:s8+$0x81B0] =	vst v4;
	v3 =	vadd.f32 v3, v5  }
0x44: {  	s23 =	simm.s32 $0x40;
	s24 =	simm.s32 $0x200;
	s0 =	sadd.s32 $0x30, s6;
	[tilespmem:s8+$0x8130] =	vst v2;
	v5, _, _ =	vpop (xrf2)  }
0x45: {  	s23 =	sand.u32 $0x40, s23;
	s26 =	sand.u32 $0x3C00, s24;
	s22 =	sor.u32 $0x200, s0;
	[tilespmem:s8+$0x8030] =	vst v3;
	v5 =	vadd.f32 v5, v1;
	(xrf2) =	vadd.scan.msk.f32 $0xffff, v8  }
0x46: {  	s23 =	sor.u32 s23, s26;
	v6 =	vld [tilespmem:s22+$0x0]  }
0x47: {  	s26 =	sor.u32 $0x280, s6;
	v9 =	vld [tilespmem:s23+$0x180];
	[tilespmem:s9+$0x8000] =	vst v5;
	v5 =	vperm.xlane v5, v0  }
0x48: {  	v10, _, _ =	vpop (xrf2);
	v8 =	vld [tilespmem:s26+$0x0]  }
0x49: {  	v5 =	vadd.f32 v10, v5;
	_ =	sdelay $0x1  }
0x4a: {  	s30 =	sor.u32 $0x280, s7;
	(xrf2) =	vadd.scan.msk.f32 $0xffff, v6;
	[tilespmem:s10+$0x8000] =	vst v5  }
0x4b: {  	(xrf2) =	vadd.scan.msk.f32 $0xffff, v9;
	v6 =	vld [tilespmem:s30+$0x0]  }
0x4c: {  	(xrf2) =	vadd.scan.msk.f32 $0xffff, v8  }
0x4d: {  	v5 =	vperm.xlane v5, v0  }
0x4e: {  	v8, _, _ =	vpop (xrf2)  }
0x4f: {  	v5 =	vadd.f32 v8, v5  }
0x50: {  	(xrf2) =	vadd.scan.msk.f32 $0xffff, v6  }
0x51: {  	v6 =	vperm.xlane v5, v0;
	_ =	sdelay $0x2  }
0x52: {  	v8, _, _ =	vpop (xrf2)  }
0x53: {  	s31 =	sor.u32 $0x280, s1;
	[tilespmem:s25+$0x8000] =	vst v5;
	v5 =	vadd.f32 v8, v6;
	v6, _, _ =	vpop (xrf2)  }
0x54: {  	v8 =	vld [tilespmem:s31+$0x0];
	v9, _, _ =	vpop (xrf2)  }
0x55: {  	s5 =	sor.u32 $0x280, s0;
	[tilespmem:s22+$0x8000] =	vst v5;
	v9 =	vadd.f32 v9, v1  }
0x56: {  	v10 =	vld [tilespmem:s5+$0x0]  }
0x57: {  	s14 =	sor.u32 $0x300, s6;
	v11 =	vld [tilespmem:s23+$0x90];
	[tilespmem:s26+$0x8000] =	vst v9;
	v9 =	vperm.xlane v9, v0  }
0x58: {  	v12 =	vld [tilespmem:s14+$0x0];
	v13, _, _ =	vpop (xrf2)  }
0x59: {  	(xrf2) =	vadd.scan.msk.f32 $0xffff, v8;
	v8 =	vadd.f32 v13, v9;
	_ =	sdelay $0x1  }
0x5a: {  	s22 =	sor.u32 $0x300, s7;
	(xrf2) =	vadd.scan.msk.f32 $0xffff, v10;
	[tilespmem:s30+$0x8000] =	vst v8  }
0x5b: {  	(xrf2) =	vadd.scan.msk.f32 $0xffff, v11;
	v9 =	vld [tilespmem:s22+$0x0]  }
0x5c: {  	(xrf2) =	vadd.scan.msk.f32 $0xffff, v12;
	_ =	sdelay $0x3  }
0x5d: {  	(xrf2) =	vadd.scan.msk.f32 $0xffff, v9  }
0x5e: {  	v8 =	vperm.xlane v8, v0  }
0x5f: {  	v9, _, _ =	vpop (xrf2)  }
0x60: {  	v8 =	vadd.f32 v9, v8  }
0x61: {  	v9, _, _ =	vpop (xrf2)  }
0x62: {  	v10 =	vperm.xlane v8, v0;
	v11, _, _ =	vpop (xrf2)  }
0x63: {  	v12, _, _ =	vpop (xrf2)  }
0x64: {  	v10 =	vadd.f32 v9, v10;
	v9 =	vadd.f32 v12, v1  }
0x65: {  	s26 =	sor.u32 $0x300, s1;
	[tilespmem:s31+$0x8000] =	vst v8  }
0x66: {  	s30 =	sor.u32 $0x300, s0;
	v8 =	vld [tilespmem:s26+$0x0];
	[tilespmem:s5+$0x8000] =	vst v10;
	v12 =	vperm.xlane v9, v0  }
0x67: {  	v13 =	vld [tilespmem:s30+$0x0];
	v14, _, _ =	vpop (xrf2)  }
0x68: {  	v15 =	vld [tilespmem:s23+$0x1A0];
	v12 =	vadd.f32 v14, v12  }
0x69: {  	s6 =	sor.u32 $0x380, s6;
	[tilespmem:s14+$0x8000] =	vst v9;
	v14 =	vld [tilespmem:s23+$0x190]  }
0x6a: {  	s7 =	sor.u32 $0x380, s7;
	v9 =	vld [tilespmem:s6+$0x0];
	[tilespmem:s22+$0x8000] =	vst v12  }
0x6b: {  	(xrf2) =	vadd.scan.msk.f32 $0xffff, v8;
	v8 =	vld [tilespmem:s7+$0x0]  }
0x6c: {  	(xrf2) =	vadd.scan.msk.f32 $0xffff, v13;
	v13 =	vld [tilespmem:s23+$0x1B0]  }
0x6d: {  	v16 =	vld [tilespmem:s23+$0x100];
	(xrf2) =	vadd.scan.msk.f32 $0xffff, v15  }
0x6e: {  	(xrf2) =	vadd.scan.msk.f32 $0xffff, v14;
	v14 =	vld [tilespmem:s23+$0x0]  }
0x6f: {  	v15 =	vld [tilespmem:s23+$0x80];
	(xrf2) =	vadd.scan.msk.f32 $0xffff, v9  }
0x70: {  	(xrf2) =	vadd.scan.msk.f32 $0xffff, v8  }
0x71: {  	(xrf2) =	vadd.scan.msk.f32 $0xffff, v13  }
0x72: {  	(xrf2) =	vadd.scan.msk.f32 $0xffff, v16  }
0x73: {  	(xrf2) =	vadd.scan.msk.f32 $0xffff, v14  }
0x74: {  	(xrf2) =	vadd.scan.msk.f32 $0xffff, v15  }
0x75: {  	v8, _, _ =	vpop (xrf2);
	v13 =	vld [tilespmem:s23+$0x10]  }
0x76: {  	v9, _, _ =	vpop (xrf2);
	v15 =	vld [tilespmem:s23+$0xA0]  }
0x77: {  	v19 =	vld [tilespmem:s23+$0x20];
	v12 =	vperm.xlane v12, v0;
	v14, _, _ =	vpop (xrf2)  }
0x78: {  	v16, _, _ =	vpop (xrf2)  }
0x79: {  	v17, _, _ =	vpop (xrf2)  }
0x7a: {  	(xrf2) =	vadd.scan.msk.f32 $0xffff, v13;
	v13 =	vld [tilespmem:s23+$0xB0];
	v18, _, _ =	vpop (xrf2)  }
0x7b: {  	v20 =	vld [tilespmem:s23+$0x110];
	v8 =	vadd.f32 v8, v12;
	(xrf2) =	vadd.scan.msk.f32 $0xffff, v15;
	v12, _, _ =	vpop (xrf2)  }
0x7c: {  	v4 =	vperm.xlane v4, v0;
	(xrf2) =	vadd.scan.msk.f32 $0xffff, v19;
	v21, _, _ =	vpop (xrf2)  }
0x7d: {  	v7 =	vperm.xlane v7, v0;
	v15, _, _ =	vpop (xrf2)  }
0x7e: {  	s25 =	sor.u32 $0x380, s1;
	v24 =	vadd.f32 v6, v4;
	[tilespmem:s26+$0x8000] =	vst v8;
	v23, _, _ =	vpop (xrf2)  }
0x7f: {  	v3 =	vperm.xlane v3, v0;
	v22 =	vld [tilespmem:s25+$0x0];
	v1 =	vadd.f32 v17, v1;
	(xrf2) =	vadd.scan.msk.f32 $0xffff, v13;
	v19 =	vadd.f32 v23, v7  }
0x80: {  	v6 =	vperm.xlane v24, v0;
	v4 =	vperm.xlane v8, v0;
	(xrf2) =	vadd.scan.msk.f32 $0xffff, v20  }
0x81: {  	[tilespmem:s6+$0x8000] =	vst v1;
	v15 =	vadd.f32 v15, v3;
	v3 =	vperm.xlane v1, v0;
	v1 =	vld [tilespmem:s23+$0x120];
	v7 =	vperm.xlane v19, v0  }
0x82: {  	v13 =	vadd.f32 v9, v4;
	v9 =	vadd.f32 v16, v6  }
0x83: {  	v4 =	vperm.xlane v15, v0;
	v63 =	vadd.f32 v11, v7  }
0x84: {  	v2 =	vperm.xlane v2, v0;
	(xrf2) =	vadd.scan.msk.f32 $0xffff, v22;
	v8 =	vperm.xlane v9, v0;
	v6, _, _ =	vpop (xrf2)  }
0x85: {  	v17 =	vld [tilespmem:s23+$0x130];
	v11 =	vadd.f32 v18, v3;
	v16, _, _ =	vpop (xrf2);
	v7 =	vadd.f32 v6, v4;
	v3 =	vperm.xlane v63, v0  }
0x86: {  	v2 =	vadd.f32 v21, v2;
	v8 =	vadd.f32 v14, v8;
	v14, _, _ =	vpop (xrf2);
	(xrf2) =	vadd.scan.msk.f32 $0xffff, v1  }
0x87: {  	[tilespmem:s30+$0x8000] =	vst v13;
	v4 =	vperm.xlane v5, v0;
	v5 =	vperm.xlane v7, v0;
	v6 =	vadd.f32 v16, v3  }
0x88: {  	p0 =	por !p0, !p0;
	s1 =	simm.s32 $0x1;
	[tilespmem:s23+$0x8100] =	vst v2;
	v18 =	vld [tilespmem:s23+$0x30];
	v3 =	vperm.xlane v10, v0  }
0x89: {  	s1 =	simm.s32 @!p0 $0x0;
	[tilespmem:s23+$0x8000] =	vst v15;
	v10 =	vperm.xlane v2, v0;
	v5 =	vadd.f32 v14, v5;
	v14, _, _ =	vpop (xrf2);
	v16 =	vperm.xlane v6, v0  }
0x8a: {  	s31 =	sshll.u32 s1, $0x6;
	s1 =	sor.u32 $0x380, s0;
	[tilespmem:s23+$0x8080] =	vst v19;
	v19 =	vperm.xlane v8, v0;
	(xrf2) =	vadd.scan.msk.f32 $0xffff, v17;
	v2 =	vperm.xlane v13, v0;
	v15, _, _ =	vpop (xrf2)  }
0x8b: {  	[tilespmem:s7+$0x8000] =	vst v11;
	v13 =	vadd.f32 v14, v16;
	v16 =	vadd.f32 v15, v10;
	v10 =	vperm.xlane v11, v0;
	v11 =	vld [tilespmem:s1+$0x0]  }
0x8c: {  	v12 =	vadd.f32 v12, v19  }
0x8d: {  	[tilespmem:s23+$0x8180] =	vst v24;
	s29 =	sadd.s32 $0x200, s31;
	(xrf2) =	vadd.scan.msk.f32 $0xffff, v18  }
0x8e: {  	s7 =	sor.u32 $0x200, s29;
	[tilespmem:s23+$0x8020] =	vst v5;
	v19, _, _ =	vpop (xrf2);
	v14 =	vperm.xlane v5, v0;
	v5 =	vperm.xlane v12, v0  }
0x8f: {  	s28 =	simm.s32 $0x4;
	s0 =	simm.s32 $0x80;
	s26 =	sadd.s32 $0x20, s29;
	[tilespmem:s23+$0x8090] =	vst v63;
	v15 =	vld [tilespmem:s7+$0x0];
	v1 =	vperm.xlane v13, v0;
	v17 =	vperm.xlane v16, v0;
	v10 =	vadd.f32 v19, v10  }
.LBB2_2:
0x90: {  	s28 =	sadd.s32 $0x4, s28;
	[tilespmem:s23+$0x8110] =	vst v16;
	s24 =	sadd.s32 $0x200, s24;
	p0 =	por !p0, !p0;
	v16, _, _ =	vpop (xrf2);
	(xrf2) =	vadd.scan.msk.f32 $0xffff, v11  }
0x91: {  	p1 =	slt.u32 s28, $0x7C;
	[tilespmem:s23+$0x8010] =	vst v7;
	v7 =	vadd.f32 v16, v17  }
0x92: {  	s6 =	sadd.s32 $0x10, s29  }
0x93: {  	s9 =	sor.u32 $0x200, s6;
	[tilespmem:s23+$0x8190] =	vst v9;
	v9 =	vperm.xlane v7, v0  }
0x94: {  	s8 =	sand.u32 $0x40, s0;
	s10 =	sand.u32 $0x3C00, s24;
	v11 =	vld [tilespmem:s9+$0x0];
	v16, _, _ =	vpop (xrf2)  }
0x95: {  	s10 =	sor.u32 s8, s10;
	[tilespmem:s23+$0x8120] =	vst v7;
	v7 =	vadd.f32 v16, v9;
	(xrf2) =	vadd.scan.msk.f32 $0xffff, v15  }
0x96: {  	v9 =	vld [tilespmem:s10+$0x180];
	[tilespmem:s23+$0x80A0] =	vst v6  }
0x97: {  	s30 =	sor.u32 $0x200, s26;
	[tilespmem:s23+$0x81A0] =	vst v8;
	v6 =	vperm.xlane v7, v0;
	v8, _, _ =	vpop (xrf2)  }
0x98: {  	v15 =	vld [tilespmem:s30+$0x0];
	v14 =	vadd.f32 v8, v14;
	[tilespmem:s23+$0x80B0] =	vst v13  }
0x99: {  	[tilespmem:s23+$0x8130] =	vst v7;
	(xrf2) =	vadd.scan.msk.f32 $0xffff, v11;
	v11 =	vperm.xlane v10, v0  }
0x9a: {  	s8 =	sadd.s32 $0x30, s29;
	[tilespmem:s23+$0x8030] =	vst v14;
	v7 =	vperm.xlane v14, v0;
	v8, _, _ =	vpop (xrf2)  }
0x9b: {  	s31 =	sor.u32 $0x200, s8;
	[tilespmem:s23+$0x81B0] =	vst v12;
	v8 =	vadd.f32 v8, v11;
	s23 =	smov.u32 s10  }
0x9c: {  	v11 =	vld [tilespmem:s31+$0x0];
	[tilespmem:s25+$0x8000] =	vst v10  }
0x9d: {  	(xrf2) =	vadd.scan.msk.f32 $0xffff, v15;
	[tilespmem:s1+$0x8000] =	vst v8;
	v8 =	vperm.xlane v8, v0;
	_ =	sdelay $0x1  }
0x9e: {  	v10, _, _ =	vpop (xrf2)  }
0x9f: {  	v4 =	vadd.f32 v10, v4  }
0xa0: {  	(xrf2) =	vadd.scan.msk.f32 $0xffff, v11  }
0xa1: {  	s1 =	sor.u32 $0x280, s29;
	[tilespmem:s7+$0x8000] =	vst v4;
	v4 =	vperm.xlane v4, v0  }
0xa2: {  	v10 =	vld [tilespmem:s1+$0x0];
	v11, _, _ =	vpop (xrf2)  }
0xa3: {  	v4 =	vadd.f32 v11, v4  }
0xa4: {  	v11 =	vld [tilespmem:s23+$0x90];
	(xrf2) =	vadd.scan.msk.f32 $0xffff, v9  }
0xa5: {  	s7 =	sor.u32 $0x280, s6;
	[tilespmem:s9+$0x8000] =	vst v4;
	v4 =	vperm.xlane v4, v0  }
0xa6: {  	v9 =	vld [tilespmem:s7+$0x0];
	v12, _, _ =	vpop (xrf2)  }
0xa7: {  	v4 =	vadd.f32 v12, v4;
	(xrf2) =	vadd.scan.msk.f32 $0xffff, v10;
	_ =	sdelay $0x1  }
0xa8: {  	s9 =	sor.u32 $0x280, s26;
	[tilespmem:s30+$0x8000] =	vst v4;
	v4 =	vperm.xlane v4, v0  }
0xa9: {  	v10 =	vld [tilespmem:s9+$0x0];
	v12, _, _ =	vpop (xrf2)  }
0xaa: {  	v4 =	vadd.f32 v12, v4;
	(xrf2) =	vadd.scan.msk.f32 $0xffff, v9;
	_ =	sdelay $0x1  }
0xab: {  	s10 =	sor.u32 $0x280, s8;
	[tilespmem:s31+$0x8000] =	vst v4;
	v4 =	vperm.xlane v4, v0  }
0xac: {  	v9, _, _ =	vpop (xrf2);
	v12 =	vld [tilespmem:s10+$0x0]  }
0xad: {  	v5 =	vadd.f32 v9, v5;
	(xrf2) =	vadd.scan.msk.f32 $0xffff, v10;
	_ =	sdelay $0x1  }
0xae: {  	v9, _, _ =	vpop (xrf2)  }
0xaf: {  	v3 =	vadd.f32 v9, v3  }
0xb0: {  	(xrf2) =	vadd.scan.msk.f32 $0xffff, v12  }
0xb1: {  	[tilespmem:s1+$0x8000] =	vst v3;
	v3 =	vperm.xlane v3, v0;
	s1 =	sor.u32 $0x300, s29  }
0xb2: {  	v9 =	vld [tilespmem:s1+$0x0];
	v10, _, _ =	vpop (xrf2)  }
0xb3: {  	v3 =	vadd.f32 v10, v3  }
0xb4: {  	(xrf2) =	vadd.scan.msk.f32 $0xffff, v11  }
0xb5: {  	[tilespmem:s7+$0x8000] =	vst v3;
	v3 =	vperm.xlane v3, v0;
	s7 =	sor.u32 $0x300, s6  }
0xb6: {  	v10 =	vld [tilespmem:s7+$0x0];
	v11, _, _ =	vpop (xrf2)  }
0xb7: {  	v3 =	vadd.f32 v11, v3;
	(xrf2) =	vadd.scan.msk.f32 $0xffff, v9;
	_ =	sdelay $0x1  }
0xb8: {  	[tilespmem:s9+$0x8000] =	vst v3;
	v3 =	vperm.xlane v3, v0;
	s9 =	sor.u32 $0x300, s26  }
0xb9: {  	v9 =	vld [tilespmem:s9+$0x0];
	v11, _, _ =	vpop (xrf2)  }
0xba: {  	v3 =	vadd.f32 v11, v3;
	(xrf2) =	vadd.scan.msk.f32 $0xffff, v10  }
0xbb: {  	v10 =	vld [tilespmem:s23+$0x190]  }
0xbc: {  	[tilespmem:s10+$0x8000] =	vst v3;
	v3 =	vperm.xlane v3, v0;
	s10 =	sor.u32 $0x300, s8  }
0xbd: {  	v12, _, _ =	vpop (xrf2);
	v11 =	vld [tilespmem:s10+$0x0]  }
0xbe: {  	(xrf2) =	vadd.scan.msk.f32 $0xffff, v9;
	_ =	sdelay $0x1  }
0xbf: {  	v9, _, _ =	vpop (xrf2)  }
0xc0: {  	v13 =	vld [tilespmem:s23+$0x1A0];
	v2 =	vadd.f32 v9, v2  }
0xc1: {  	(xrf2) =	vadd.scan.msk.f32 $0xffff, v11  }
0xc2: {  	s29 =	sor.u32 $0x380, s29;
	v14 =	vld [tilespmem:s23+$0x80];
	[tilespmem:s1+$0x8000] =	vst v2;
	v2 =	vperm.xlane v2, v0  }
0xc3: {  	v9 =	vld [tilespmem:s29+$0x0];
	v11, _, _ =	vpop (xrf2)  }
0xc4: {  	v15 =	vld [tilespmem:s23+$0x100];
	v2 =	vadd.f32 v11, v2  }
0xc5: {  	(xrf2) =	vadd.scan.msk.f32 $0xffff, v13  }
0xc6: {  	s6 =	sor.u32 $0x380, s6;
	[tilespmem:s7+$0x8000] =	vst v2;
	v2 =	vperm.xlane v2, v0  }
0xc7: {  	v11 =	vld [tilespmem:s6+$0x0];
	v13, _, _ =	vpop (xrf2)  }
0xc8: {  	(xrf2) =	vadd.scan.msk.f32 $0xffff, v10;
	v2 =	vadd.f32 v13, v2;
	_ =	sdelay $0x1  }
0xc9: {  	[tilespmem:s9+$0x8000] =	vst v2;
	v2 =	vperm.xlane v2, v0  }
0xca: {  	s25 =	sor.u32 $0x380, s26;
	v10 =	vld [tilespmem:s23+$0x1B0];
	(xrf2) =	vadd.scan.msk.f32 $0xffff, v9;
	v9, _, _ =	vpop (xrf2)  }
0xcb: {  	v13 =	vld [tilespmem:s25+$0x0];
	v2 =	vadd.f32 v9, v2  }
0xcc: {  	v16 =	vld [tilespmem:s23+$0x0]  }
0xcd: {  	s1 =	sor.u32 $0x380, s8;
	[tilespmem:s10+$0x8000] =	vst v2;
	v2 =	vperm.xlane v2, v0;
	(xrf2) =	vadd.scan.msk.f32 $0xffff, v11  }
0xce: {  	v17, _, _ =	vpop (xrf2);
	v11 =	vld [tilespmem:s1+$0x0];
	_ =	sdelay $0x1  }
0xcf: {  	v9 =	vperm.xlane v5, v0;
	(xrf2) =	vadd.scan.msk.f32 $0xffff, v10  }
0xd0: {  	v10, _, _ =	vpop (xrf2)  }
0xd1: {  	v9 =	vadd.f32 v10, v9  }
0xd2: {  	(xrf2) =	vadd.scan.msk.f32 $0xffff, v15  }
0xd3: {  	v10 =	vld [tilespmem:s23+$0x110];
	v15 =	vperm.xlane v9, v0;
	v18, _, _ =	vpop (xrf2)  }
0xd4: {  	v18 =	vadd.f32 v18, v8  }
0xd5: {  	v19 =	vld [tilespmem:s23+$0x10];
	v8 =	vadd.f32 v17, v15;
	(xrf2) =	vadd.scan.msk.f32 $0xffff, v16  }
0xd6: {  	[tilespmem:s29+$0x8000] =	vst v18;
	v15 =	vperm.xlane v18, v0;
	v16, _, _ =	vpop (xrf2);
	_ =	sdelay $0x1  }
0xd7: {  	(xrf2) =	vadd.scan.msk.f32 $0xffff, v14;
	v17 =	vadd.f32 v16, v15  }
0xd8: {  	v16, _, _ =	vpop (xrf2)  }
0xd9: {  	v14 =	vld [tilespmem:s23+$0xA0];
	[tilespmem:s6+$0x8000] =	vst v17;
	_ =	sdelay $0x1  }
0xda: {  	v15, _, _ =	vpop (xrf2);
	(xrf2) =	vadd.scan.msk.f32 $0xffff, v19  }
0xdb: {  	v18 =	vld [tilespmem:s23+$0x20];
	_ =	sdelay $0x1  }
0xdc: {  	v19 =	vld [tilespmem:s23+$0xB0];
	v20, _, _ =	vpop (xrf2);
	(xrf2) =	vadd.scan.msk.f32 $0xffff, v14;
	_ =	sdelay $0x2  }
0xdd: {  	v14, _, _ =	vpop (xrf2);
	(xrf2) =	vadd.scan.msk.f32 $0xffff, v18  }
0xde: {  	s6 =	simm.s32 $0x1;
	v1 =	vadd.f32 v14, v1  }
0xdf: {  	s6 =	simm.s32 @!p0 $0x0;
	v6 =	vadd.f32 v15, v6;
	[tilespmem:s23+$0x8180] =	vst v5  }
0xe0: {  	s6 =	sshll.u32 s6, $0x6;
	v5 =	vadd.f32 v20, v7;
	[tilespmem:s23+$0x8080] =	vst v1;
	v1 =	vperm.xlane v1, v0;
	(xrf2) =	vadd.scan.msk.f32 $0xffff, v19  }
0xe1: {  	s29 =	sadd.s32 s6, s24;
	[tilespmem:s23+$0x8100] =	vst v6;
	v7, _, _ =	vpop (xrf2)  }
0xe2: {  	s7 =	sor.u32 $0x200, s29;
	s26 =	sadd.s32 $0x20, s29;
	[tilespmem:s23+$0x8000] =	vst v5;
	v5 =	vperm.xlane v5, v0;
	v18 =	vadd.f32 v12, v1;
	v1 =	vld [tilespmem:s23+$0x120]  }
0xe3: {  	v15 =	vld [tilespmem:s7+$0x0];
	(xrf2) =	vadd.scan.msk.f32 $0xffff, v10  }
0xe4: {  	v10 =	vperm.xlane v6, v0;
	v7 =	vadd.f32 v7, v5;
	v14 =	vperm.xlane v18, v0;
	v6, _, _ =	vpop (xrf2);
	_ =	sdelay $0x1  }
0xe5: {  	v12 =	vperm.xlane v7, v0;
	v6 =	vadd.f32 v6, v14;
	(xrf2) =	vadd.scan.msk.f32 $0xffff, v13  }
0xe6: {  	v5, _, _ =	vpop (xrf2)  }
0xe7: {  	v5 =	vadd.f32 v5, v12;
	v12 =	vperm.xlane v6, v0;
	v19 =	vld [tilespmem:s23+$0x130]  }
0xe8: {  	(xrf2) =	vadd.scan.msk.f32 $0xffff, v1  }
0xe9: {  	v14 =	vperm.xlane v5, v0;
	v1, _, _ =	vpop (xrf2)  }
0xea: {  	v20 =	vld [tilespmem:s23+$0x30];
	v13 =	vadd.f32 v1, v12  }
0xeb: {  	v12 =	vperm.xlane v8, v0  }
0xec: {  	v1 =	vperm.xlane v13, v0;
	v21, _, _ =	vpop (xrf2);
	(xrf2) =	vadd.scan.msk.f32 $0xffff, v19  }
.Ltmp0:
0xed: {  	v12 =	vadd.f32 v16, v12;
	(pc) =	sbr.rel @p1 .LBB2_2-.Ltmp0, $4  }
0xee: {  	v16 =	vadd.f32 v21, v10;
	v10 =	vperm.xlane v17, v0  }
0xef: {  	[tilespmem:s23+$0x8020] =	vst v5;
	v5 =	vperm.xlane v12, v0;
	(xrf2) =	vadd.scan.msk.f32 $0xffff, v20;
	v19, _, _ =	vpop (xrf2)  }
0xf0: {  	v17 =	vperm.xlane v16, v0;
	v10 =	vadd.f32 v19, v10  }
0xf1: {  	s0 =	sadd.s32 $0x40, s0;
	[tilespmem:s23+$0x8090] =	vst v18  }
0xf2: {  	[tilespmem:s23+$0x8110] =	vst v16  }
0xf3: {  	v16, _, _ =	vpop (xrf2);
	[tilespmem:s23+$0x8010] =	vst v7;
	s0 =	sadd.s32 $0x10, s29  }
0xf4: {  	[tilespmem:s23+$0x8190] =	vst v9;
	v7 =	vadd.f32 v16, v17;
	s8 =	sor.u32 $0x200, s0  }
0xf5: {  	(xrf2) =	vadd.scan.msk.f32 $0xffff, v11;
	v9 =	vld [tilespmem:s8+$0x0]  }
0xf6: {  	[tilespmem:s23+$0x80A0] =	vst v6;
	(xrf2) =	vadd.scan.msk.f32 $0xffff, v15  }
0xf7: {  	[tilespmem:s23+$0x81A0] =	vst v8;
	v11 =	vperm.xlane v7, v0  }
0xf8: {  	s9 =	sor.u32 $0x200, s26;
	[tilespmem:s23+$0x8120] =	vst v7;
	v7, _, _ =	vpop (xrf2)  }
0xf9: {  	[tilespmem:s23+$0x80B0] =	vst v13;
	v7 =	vadd.f32 v7, v11;
	v11 =	vld [tilespmem:s9+$0x0];
	v6, _, _ =	vpop (xrf2)  }
0xfa: {  	[tilespmem:s23+$0x81B0] =	vst v12;
	(xrf2) =	vadd.scan.msk.f32 $0xffff, v9;
	v8 =	vadd.f32 v6, v14  }
0xfb: {  	s6 =	sadd.s32 $0x30, s29;
	[tilespmem:s23+$0x8130] =	vst v7  }
0xfc: {  	s10 =	sor.u32 $0x200, s6;
	[tilespmem:s23+$0x8030] =	vst v8  }
0xfd: {  	v6 =	vld [tilespmem:s10+$0x0]  }
0xfe: {  	(xrf2) =	vadd.scan.msk.f32 $0xffff, v11  }
0xff: {  	v9, _, _ =	vpop (xrf2)  }
0x100: {  	v11, _, _ =	vpop (xrf2)  }
0x101: {  	v4 =	vadd.f32 v11, v4  }
0x102: {  	(xrf2) =	vadd.scan.msk.f32 $0xffff, v6  }
0x103: {  	s30 =	sor.u32 $0x280, s29;
	[tilespmem:s7+$0x8000] =	vst v4;
	v4 =	vperm.xlane v4, v0  }
0x104: {  	v6 =	vld [tilespmem:s30+$0x0];
	v11, _, _ =	vpop (xrf2)  }
0x105: {  	v4 =	vadd.f32 v11, v4;
	_ =	sdelay $0x1  }
0x106: {  	s31 =	sor.u32 $0x280, s0;
	[tilespmem:s8+$0x8000] =	vst v4;
	v4 =	vperm.xlane v4, v0  }
0x107: {  	v11 =	vld [tilespmem:s31+$0x0];
	v12, _, _ =	vpop (xrf2)  }
0x108: {  	(xrf2) =	vadd.scan.msk.f32 $0xffff, v6;
	v4 =	vadd.f32 v12, v4;
	_ =	sdelay $0x1  }
0x109: {  	s5 =	sor.u32 $0x280, s26;
	[tilespmem:s9+$0x8000] =	vst v4;
	v4 =	vperm.xlane v4, v0  }
0x10a: {  	v12 =	vld [tilespmem:s5+$0x0];
	v6, _, _ =	vpop (xrf2)  }
0x10b: {  	(xrf2) =	vadd.scan.msk.f32 $0xffff, v11;
	v6 =	vadd.f32 v6, v4;
	_ =	sdelay $0x1  }
0x10c: {  	s14 =	sor.u32 $0x280, s6;
	[tilespmem:s10+$0x8000] =	vst v6  }
0x10d: {  	v4 =	vld [tilespmem:s14+$0x0]  }
0x10e: {  	(xrf2) =	vadd.scan.msk.f32 $0xffff, v12;
	_ =	sdelay $0x1  }
0x10f: {  	v11, _, _ =	vpop (xrf2)  }
0x110: {  	v3 =	vadd.f32 v11, v3  }
0x111: {  	(xrf2) =	vadd.scan.msk.f32 $0xffff, v4  }
0x112: {  	s22 =	sor.u32 $0x300, s29;
	[tilespmem:s30+$0x8000] =	vst v3;
	v3 =	vperm.xlane v3, v0  }
0x113: {  	v4 =	vld [tilespmem:s22+$0x0];
	v11, _, _ =	vpop (xrf2)  }
0x114: {  	v3 =	vadd.f32 v11, v3;
	_ =	sdelay $0x1  }
0x115: {  	s23 =	sor.u32 $0x300, s0;
	[tilespmem:s31+$0x8000] =	vst v3;
	v3 =	vperm.xlane v3, v0  }
0x116: {  	v11 =	vld [tilespmem:s23+$0x0];
	v12, _, _ =	vpop (xrf2)  }
0x117: {  	(xrf2) =	vadd.scan.msk.f32 $0xffff, v4;
	v3 =	vadd.f32 v12, v3;
	_ =	sdelay $0x1  }
0x118: {  	s24 =	sor.u32 $0x300, s26;
	[tilespmem:s5+$0x8000] =	vst v3;
	v3 =	vperm.xlane v3, v0  }
0x119: {  	v12 =	vld [tilespmem:s24+$0x0];
	v4, _, _ =	vpop (xrf2)  }
0x11a: {  	(xrf2) =	vadd.scan.msk.f32 $0xffff, v11;
	v4 =	vadd.f32 v4, v3;
	_ =	sdelay $0x1  }
0x11b: {  	s30 =	sor.u32 $0x300, s6;
	[tilespmem:s14+$0x8000] =	vst v4  }
0x11c: {  	v3 =	vld [tilespmem:s30+$0x0]  }
0x11d: {  	(xrf2) =	vadd.scan.msk.f32 $0xffff, v12;
	_ =	sdelay $0x1  }
0x11e: {  	v11, _, _ =	vpop (xrf2)  }
0x11f: {  	v2 =	vadd.f32 v11, v2  }
0x120: {  	(xrf2) =	vadd.scan.msk.f32 $0xffff, v3  }
0x121: {  	s31 =	sor.u32 $0x380, s29;
	[tilespmem:s22+$0x8000] =	vst v2;
	v2 =	vperm.xlane v2, v0  }
0x122: {  	v3 =	vld [tilespmem:s31+$0x0];
	v11, _, _ =	vpop (xrf2)  }
0x123: {  	v2 =	vadd.f32 v11, v2;
	_ =	sdelay $0x1  }
0x124: {  	s0 =	sor.u32 $0x380, s0;
	[tilespmem:s23+$0x8000] =	vst v2;
	v2 =	vperm.xlane v2, v0  }
0x125: {  	v11 =	vld [tilespmem:s0+$0x0];
	v12, _, _ =	vpop (xrf2)  }
0x126: {  	(xrf2) =	vadd.scan.msk.f32 $0xffff, v3;
	v2 =	vadd.f32 v12, v2;
	_ =	sdelay $0x1  }
0x127: {  	s5 =	sor.u32 $0x380, s26;
	[tilespmem:s24+$0x8000] =	vst v2;
	v2 =	vperm.xlane v2, v0  }
0x128: {  	v12 =	vld [tilespmem:s5+$0x0];
	v3, _, _ =	vpop (xrf2)  }
0x129: {  	(xrf2) =	vadd.scan.msk.f32 $0xffff, v11;
	v3 =	vadd.f32 v3, v2  }
0x12a: {  	v2 =	vperm.xlane v10, v0  }
0x12b: {  	s6 =	sor.u32 $0x380, s6;
	[tilespmem:s30+$0x8000] =	vst v3  }
0x12c: {  	v2 =	vadd.f32 v9, v2;
	v9 =	vld [tilespmem:s6+$0x0]  }
0x12d: {  	(xrf2) =	vadd.scan.msk.f32 $0xffff, v12  }
0x12e: {  	v11 =	vperm.xlane v2, v0  }
0x12f: {  	v12, _, _ =	vpop (xrf2)  }
0x130: {  	v11 =	vadd.f32 v12, v11  }
0x131: {  	(xrf2) =	vadd.scan.msk.f32 $0xffff, v9  }
0x132: {  	v9 =	vperm.xlane v11, v0  }
0x133: {  	v12, _, _ =	vpop (xrf2)  }
0x134: {  	v9 =	vadd.f32 v12, v9;
	_ =	sdelay $0x1  }
0x135: {  	v12 =	vperm.xlane v9, v0  }
0x136: {  	v13, _, _ =	vpop (xrf2)  }
0x137: {  	v12 =	vadd.f32 v13, v12  }
0x138: {  	[tilespmem:s25+$0x8000] =	vst v10  }
0x139: {  	[tilespmem:s1+$0x8000] =	vst v2;
	v2 =	vperm.xlane v12, v0  }
0x13a: {  	[tilespmem:s31+$0x8000] =	vst v11;
	v10, _, _ =	vpop (xrf2)  }
0x13b: {  	[tilespmem:s0+$0x8000] =	vst v9;
	v2 =	vadd.f32 v10, v2  }
0x13c: {  	[tilespmem:s5+$0x8000] =	vst v12  }
0x13d: {  	[tilespmem:s6+$0x8000] =	vst v2  }
0x13e: {  	s9 =	simm.s32 $0x0;
	s1 =	rddreg [dreg:$0x5]  }
0x13f: {  	[hbm4b:s1+s9] =	stream.linear.scatter [tilespmem:s17], [sflag:$0x3], $0x4000, $0x38;
	[tilespmem:$0x10000] =	vst v63  }
0x140: {  	s10 =	rddreg [dreg:$0x6]  }
0x141: {  	[tilespmem:s9], [sflag:$0x1] =	stream.linear.gather [hbm4b:s10+s9], $0x4000, $0x38;
	[tilespmem:$0x10000] =	vst v63  }
0x142: {  	_ =	swait.ge [sflag:s18], $0x4000  }
0x143: {  	s14 =	sand.u32 $0x40, s9;
	s0 =	sand.u32 $0x3C00, s9;
	[sflag:s18] =	ssyncset.done $0x0  }
0x144: {  	s22 =	sor.u32 s14, s0;
	[sflag:s18] =	ssyncadd.s32 $0xFFFFC000  }
0x145: {  	v9 =	vld [tilespmem:s22+$0x4180]  }
0x146: {  	v10 =	vld [tilespmem:s22+$0x4090]  }
0x147: {  	v11 =	vld [tilespmem:s22+$0x41A0]  }
0x148: {  	v12 =	vld [tilespmem:s22+$0x4190]  }
0x149: {  	v13 =	vld [tilespmem:s22+$0x41B0]  }
0x14a: {  	(xrf2) =	vadd.scan.msk.f32 $0xffff, v9;
	v9 =	vld [tilespmem:s22+$0x4100]  }
0x14b: {  	(xrf2) =	vadd.scan.msk.f32 $0xffff, v10;
	v10 =	vld [tilespmem:s22+$0x4000]  }
0x14c: {  	v14 =	vld [tilespmem:s22+$0x4080];
	(xrf2) =	vadd.scan.msk.f32 $0xffff, v11  }
0x14d: {  	(xrf2) =	vadd.scan.msk.f32 $0xffff, v12  }
0x14e: {  	v11 =	vld [tilespmem:s22+$0x4010];
	(xrf2) =	vadd.scan.msk.f32 $0xffff, v13  }
0x14f: {  	v12 =	vld [tilespmem:s22+$0x40A0];
	(xrf2) =	vadd.scan.msk.f32 $0xffff, v9  }
0x150: {  	v9 =	vld [tilespmem:s22+$0x4020];
	(xrf2) =	vadd.scan.msk.f32 $0xffff, v10  }
0x151: {  	v10 =	vld [tilespmem:s22+$0x40B0];
	(xrf2) =	vadd.scan.msk.f32 $0xffff, v14;
	_ =	sdelay $0x1  }
0x152: {  	v13 =	vld [tilespmem:s22+$0x4110];
	(xrf2) =	vadd.scan.msk.f32 $0xffff, v11  }
0x153: {  	(xrf2) =	vadd.scan.msk.f32 $0xffff, v12;
	v11, _, _ =	vpop (xrf2)  }
0x154: {  	(xrf2) =	vadd.scan.msk.f32 $0xffff, v9;
	v9, _, _ =	vpop (xrf2)  }
0x155: {  	(xrf2) =	vadd.scan.msk.f32 $0xffff, v10;
	v10, _, _ =	vpop (xrf2)  }
0x156: {  	v12, _, _ =	vpop (xrf2)  }
0x157: {  	(xrf2) =	vadd.scan.msk.f32 $0xffff, v13;
	v13, _, _ =	vpop (xrf2)  }
0x158: {  	v14, _, _ =	vpop (xrf2)  }
0x159: {  	v16 =	vld [tilespmem:s22+$0x4120];
	v15, _, _ =	vpop (xrf2)  }
0x15a: {  	v7 =	vperm.xlane v7, v0;
	v17, _, _ =	vpop (xrf2)  }
0x15b: {  	v8 =	vperm.xlane v8, v0;
	v5 =	vadd.f32 v11, v5;
	v1 =	vadd.f32 v17, v1  }
0x15c: {  	p0 =	por $0x0, $0x0;
	s0 =	simm.s32 $0x1;
	v7 =	vadd.f32 v14, v7  }
0x15d: {  	s0 =	simm.s32 @!p0 $0x0;
	[tilespmem:s22+$0xC180] =	vst v5;
	v5 =	vperm.xlane v5, v0;
	v8 =	vadd.f32 v15, v8;
	v11, _, _ =	vpop (xrf2);
	v15 =	vperm.xlane v1, v0  }
0x15e: {  	s0 =	sshll.u32 s0, $0x6;
	v18 =	vld [tilespmem:s22+$0x4130];
	[tilespmem:s22+$0xC100] =	vst v7;
	v14, _, _ =	vpop (xrf2);
	(xrf2) =	vadd.scan.msk.f32 $0xffff, v16  }
0x15f: {  	s6 =	sadd.s32 $0x0, s0;
	v19 =	vld [tilespmem:s22+$0x4030];
	v5 =	vadd.f32 v12, v5;
	v17, _, _ =	vpop (xrf2);
	[tilespmem:s22+$0xC080] =	vst v1;
	v1 =	vperm.xlane v7, v0;
	v7 =	vperm.xlane v8, v0  }
0x160: {  	s25 =	sor.u32 $0x200, s6;
	[tilespmem:s22+$0xC000] =	vst v8;
	v16, _, _ =	vpop (xrf2);
	v9 =	vadd.f32 v9, v15  }
0x161: {  	[tilespmem:s22+$0xC190] =	vst v5;
	v8 =	vld [tilespmem:s25+$0x4000];
	v7 =	vadd.f32 v11, v7;
	v15, _, _ =	vpop (xrf2)  }
0x162: {  	[tilespmem:s22+$0xC090] =	vst v9;
	v1 =	vadd.f32 v15, v1  }
0x163: {  	s7 =	sadd.s32 $0x10, s6;
	(xrf2) =	vadd.scan.msk.f32 $0xffff, v18;
	[tilespmem:s22+$0xC010] =	vst v7  }
0x164: {  	s30 =	sor.u32 $0x200, s7;
	v9 =	vperm.xlane v9, v0;
	(xrf2) =	vadd.scan.msk.f32 $0xffff, v19;
	[tilespmem:s22+$0xC110] =	vst v1  }
0x165: {  	v11 =	vld [tilespmem:s30+$0x4000]  }
0x166: {  	v5 =	vperm.xlane v5, v0;
	(xrf2) =	vadd.scan.msk.f32 $0xffff, v8  }
0x167: {  	v7 =	vperm.xlane v7, v0;
	v1 =	vperm.xlane v1, v0  }
0x168: {  	v5 =	vadd.f32 v10, v5;
	v8 =	vadd.f32 v14, v9;
	v9, _, _ =	vpop (xrf2)  }
0x169: {  	v7 =	vadd.f32 v17, v7;
	v1 =	vadd.f32 v9, v1  }
0x16a: {  	[tilespmem:s22+$0xC0A0] =	vst v8;
	v9 =	vperm.xlane v8, v0;
	v8 =	vperm.xlane v5, v0;
	(xrf2) =	vadd.scan.msk.f32 $0xffff, v11  }
0x16b: {  	[tilespmem:s22+$0xC1A0] =	vst v5  }
0x16c: {  	s1 =	sadd.s32 $0x20, s6;
	[tilespmem:s22+$0xC020] =	vst v7;
	v10 =	vperm.xlane v1, v0;
	v8 =	vadd.f32 v13, v8  }
0x16d: {  	s31 =	sor.u32 $0x200, s1;
	[tilespmem:s22+$0xC120] =	vst v1;
	v11 =	vperm.xlane v7, v0;
	v7 =	vadd.f32 v16, v9;
	v1, _, _ =	vpop (xrf2)  }
0x16e: {  	v9 =	vld [tilespmem:s31+$0x4000];
	[tilespmem:s22+$0xC1B0] =	vst v8;
	v1 =	vadd.f32 v1, v10;
	v5, _, _ =	vpop (xrf2)  }
0x16f: {  	v6 =	vperm.xlane v6, v0;
	[tilespmem:s22+$0xC0B0] =	vst v7;
	v5 =	vadd.f32 v5, v11  }
0x170: {  	s24 =	simm.s32 $0x200;
	s5 =	simm.s32 $0x40;
	s0 =	sadd.s32 $0x30, s6;
	v10, _, _ =	vpop (xrf2);
	[tilespmem:s22+$0xC130] =	vst v1  }
0x171: {  	s14 =	sand.u32 $0x3C00, s24;
	s23 =	sand.u32 $0x40, s5;
	v6 =	vadd.f32 v10, v6;
	[tilespmem:s22+$0xC030] =	vst v5;
	s22 =	sor.u32 $0x200, s0  }
0x172: {  	s23 =	sor.u32 s23, s14;
	v10 =	vld [tilespmem:s22+$0x4000]  }
0x173: {  	s26 =	sor.u32 $0x280, s6;
	v11 =	vld [tilespmem:s23+$0x4180];
	(xrf2) =	vadd.scan.msk.f32 $0xffff, v9;
	[tilespmem:s25+$0xC000] =	vst v6;
	v6 =	vperm.xlane v6, v0  }
0x174: {  	v9 =	vld [tilespmem:s26+$0x4000];
	v12, _, _ =	vpop (xrf2)  }
0x175: {  	v6 =	vadd.f32 v12, v6;
	_ =	sdelay $0x1  }
0x176: {  	(xrf2) =	vadd.scan.msk.f32 $0xffff, v10;
	[tilespmem:s30+$0xC000] =	vst v6;
	s30 =	sor.u32 $0x280, s7  }
0x177: {  	(xrf2) =	vadd.scan.msk.f32 $0xffff, v11;
	v10 =	vld [tilespmem:s30+$0x4000]  }
0x178: {  	(xrf2) =	vadd.scan.msk.f32 $0xffff, v9;
	_ =	sdelay $0x2  }
0x179: {  	v6 =	vperm.xlane v6, v0  }
0x17a: {  	v9, _, _ =	vpop (xrf2);
	(xrf2) =	vadd.scan.msk.f32 $0xffff, v10  }
0x17b: {  	v6 =	vadd.f32 v9, v6;
	_ =	sdelay $0x1  }
0x17c: {  	v9 =	vperm.xlane v6, v0  }
0x17d: {  	v10, _, _ =	vpop (xrf2)  }
0x17e: {  	v4 =	vperm.xlane v4, v0;
	[tilespmem:s31+$0xC000] =	vst v6;
	s31 =	sor.u32 $0x280, s1;
	v9 =	vadd.f32 v10, v9;
	v6, _, _ =	vpop (xrf2)  }
0x17f: {  	v10 =	vld [tilespmem:s31+$0x4000];
	v11, _, _ =	vpop (xrf2)  }
0x180: {  	s5 =	sor.u32 $0x280, s0;
	[tilespmem:s22+$0xC000] =	vst v9;
	v4 =	vadd.f32 v11, v4  }
0x181: {  	v11 =	vld [tilespmem:s5+$0x4000]  }
0x182: {  	s14 =	sor.u32 $0x300, s6;
	v12 =	vld [tilespmem:s23+$0x4090];
	[tilespmem:s26+$0xC000] =	vst v4;
	v4 =	vperm.xlane v4, v0  }
0x183: {  	v13 =	vld [tilespmem:s14+$0x4000];
	v14, _, _ =	vpop (xrf2)  }
0x184: {  	(xrf2) =	vadd.scan.msk.f32 $0xffff, v10;
	v4 =	vadd.f32 v14, v4;
	_ =	sdelay $0x1  }
0x185: {  	s22 =	sor.u32 $0x300, s7;
	(xrf2) =	vadd.scan.msk.f32 $0xffff, v11;
	[tilespmem:s30+$0xC000] =	vst v4  }
0x186: {  	(xrf2) =	vadd.scan.msk.f32 $0xffff, v12;
	v10 =	vld [tilespmem:s22+$0x4000]  }
0x187: {  	(xrf2) =	vadd.scan.msk.f32 $0xffff, v13;
	_ =	sdelay $0x3  }
0x188: {  	(xrf2) =	vadd.scan.msk.f32 $0xffff, v10  }
0x189: {  	v4 =	vperm.xlane v4, v0  }
0x18a: {  	v10, _, _ =	vpop (xrf2)  }
0x18b: {  	v4 =	vadd.f32 v10, v4  }
0x18c: {  	v10, _, _ =	vpop (xrf2)  }
0x18d: {  	v3 =	vperm.xlane v3, v0;
	v11 =	vperm.xlane v4, v0;
	v12, _, _ =	vpop (xrf2)  }
0x18e: {  	v13, _, _ =	vpop (xrf2)  }
0x18f: {  	v10 =	vadd.f32 v10, v11;
	v3 =	vadd.f32 v13, v3  }
0x190: {  	s26 =	sor.u32 $0x300, s1;
	[tilespmem:s31+$0xC000] =	vst v4  }
0x191: {  	s30 =	sor.u32 $0x300, s0;
	v4 =	vld [tilespmem:s26+$0x4000];
	[tilespmem:s5+$0xC000] =	vst v10;
	v11 =	vperm.xlane v3, v0  }
0x192: {  	v13 =	vld [tilespmem:s30+$0x4000];
	v14, _, _ =	vpop (xrf2)  }
0x193: {  	v15 =	vld [tilespmem:s23+$0x41A0];
	v11 =	vadd.f32 v14, v11  }
0x194: {  	s6 =	sor.u32 $0x380, s6;
	[tilespmem:s14+$0xC000] =	vst v3;
	v14 =	vld [tilespmem:s23+$0x4190]  }
0x195: {  	s7 =	sor.u32 $0x380, s7;
	v3 =	vld [tilespmem:s6+$0x4000];
	[tilespmem:s22+$0xC000] =	vst v11  }
0x196: {  	(xrf2) =	vadd.scan.msk.f32 $0xffff, v4;
	v4 =	vld [tilespmem:s7+$0x4000]  }
0x197: {  	(xrf2) =	vadd.scan.msk.f32 $0xffff, v13;
	v13 =	vld [tilespmem:s23+$0x41B0]  }
0x198: {  	v16 =	vld [tilespmem:s23+$0x4100];
	(xrf2) =	vadd.scan.msk.f32 $0xffff, v15  }
0x199: {  	(xrf2) =	vadd.scan.msk.f32 $0xffff, v14;
	v14 =	vld [tilespmem:s23+$0x4000]  }
0x19a: {  	v15 =	vld [tilespmem:s23+$0x4080];
	(xrf2) =	vadd.scan.msk.f32 $0xffff, v3  }
0x19b: {  	(xrf2) =	vadd.scan.msk.f32 $0xffff, v4  }
0x19c: {  	(xrf2) =	vadd.scan.msk.f32 $0xffff, v13  }
0x19d: {  	(xrf2) =	vadd.scan.msk.f32 $0xffff, v16  }
0x19e: {  	(xrf2) =	vadd.scan.msk.f32 $0xffff, v14  }
0x19f: {  	(xrf2) =	vadd.scan.msk.f32 $0xffff, v15  }
0x1a0: {  	v3, _, _ =	vpop (xrf2)  }
0x1a1: {  	v4, _, _ =	vpop (xrf2)  }
0x1a2: {  	v11 =	vperm.xlane v11, v0;
	v13 =	vld [tilespmem:s23+$0x4010];
	v14, _, _ =	vpop (xrf2)  }
0x1a3: {  	v15 =	vld [tilespmem:s23+$0x40A0];
	v16, _, _ =	vpop (xrf2)  }
0x1a4: {  	v17, _, _ =	vpop (xrf2)  }
0x1a5: {  	v19 =	vld [tilespmem:s23+$0x4020];
	v18, _, _ =	vpop (xrf2)  }
0x1a6: {  	v8 =	vperm.xlane v8, v0;
	v3 =	vadd.f32 v3, v11;
	v11, _, _ =	vpop (xrf2)  }
0x1a7: {  	(xrf2) =	vadd.scan.msk.f32 $0xffff, v13;
	v21, _, _ =	vpop (xrf2)  }
0x1a8: {  	v7 =	vperm.xlane v7, v0;
	v24 =	vadd.f32 v6, v8;
	(xrf2) =	vadd.scan.msk.f32 $0xffff, v15;
	v15, _, _ =	vpop (xrf2)  }
0x1a9: {  	v13 =	vld [tilespmem:s23+$0x40B0];
	v23, _, _ =	vpop (xrf2)  }
0x1aa: {  	v20 =	vld [tilespmem:s23+$0x4110];
	v6 =	vperm.xlane v24, v0;
	(xrf2) =	vadd.scan.msk.f32 $0xffff, v19;
	v19 =	vadd.f32 v23, v7;
	_ =	sdelay $0x1  }
0x1ab: {  	v8 =	vadd.f32 v16, v6;
	v7 =	vperm.xlane v19, v0  }
0x1ac: {  	v2 =	vperm.xlane v2, v0;
	s25 =	sor.u32 $0x380, s1;
	[tilespmem:s26+$0xC000] =	vst v3  }
0x1ad: {  	v5 =	vperm.xlane v5, v0;
	v22 =	vld [tilespmem:s25+$0x4000];
	(xrf2) =	vadd.scan.msk.f32 $0xffff, v13;
	v63 =	vadd.f32 v12, v7;
	v7 =	vperm.xlane v8, v0  }
0x1ae: {  	v3 =	vperm.xlane v3, v0;
	v2 =	vadd.f32 v17, v2;
	(xrf2) =	vadd.scan.msk.f32 $0xffff, v20  }
0x1af: {  	v13 =	vadd.f32 v15, v5;
	v7 =	vadd.f32 v14, v7;
	v14 =	vld [tilespmem:s23+$0x4120]  }
0x1b0: {  	v4 =	vadd.f32 v4, v3;
	v3 =	vperm.xlane v2, v0  }
0x1b1: {  	v5 =	vperm.xlane v13, v0  }
0x1b2: {  	(xrf2) =	vadd.scan.msk.f32 $0xffff, v22;
	v15 =	vadd.f32 v18, v3;
	v6, _, _ =	vpop (xrf2);
	v3 =	vperm.xlane v63, v0  }
0x1b3: {  	v1 =	vperm.xlane v1, v0;
	v17 =	vld [tilespmem:s23+$0x4130];
	v6 =	vadd.f32 v6, v5;
	v12, _, _ =	vpop (xrf2)  }
0x1b4: {  	v5 =	vadd.f32 v12, v3;
	v12, _, _ =	vpop (xrf2);
	(xrf2) =	vadd.scan.msk.f32 $0xffff, v14  }
0x1b5: {  	[tilespmem:s30+$0xC000] =	vst v4;
	v1 =	vadd.f32 v21, v1;
	v3 =	vperm.xlane v9, v0;
	v9 =	vperm.xlane v6, v0  }
0x1b6: {  	p0 =	por !p0, !p0;
	s1 =	simm.s32 $0x1;
	[tilespmem:s6+$0xC000] =	vst v2;
	v2 =	vperm.xlane v10, v0;
	v18 =	vld [tilespmem:s23+$0x4030]  }
0x1b7: {  	s1 =	simm.s32 @!p0 $0x0;
	[tilespmem:s23+$0xC100] =	vst v1;
	v10 =	vperm.xlane v1, v0;
	v16 =	vperm.xlane v5, v0;
	v9 =	vadd.f32 v12, v9;
	v12, _, _ =	vpop (xrf2)  }
0x1b8: {  	s31 =	sshll.u32 s1, $0x6;
	s1 =	sor.u32 $0x380, s0;
	v1 =	vperm.xlane v4, v0;
	[tilespmem:s23+$0xC000] =	vst v13;
	v4, _, _ =	vpop (xrf2);
	(xrf2) =	vadd.scan.msk.f32 $0xffff, v17  }
0x1b9: {  	[tilespmem:s23+$0xC080] =	vst v19;
	v19 =	vperm.xlane v7, v0;
	v13 =	vadd.f32 v12, v16;
	v16 =	vadd.f32 v4, v10;
	v10 =	vld [tilespmem:s1+$0x4000]  }
0x1ba: {  	[tilespmem:s23+$0xC180] =	vst v24  }
0x1bb: {  	s29 =	sadd.s32 $0x200, s31;
	[tilespmem:s7+$0xC000] =	vst v15;
	v12 =	vadd.f32 v11, v19;
	v19 =	vperm.xlane v15, v0;
	(xrf2) =	vadd.scan.msk.f32 $0xffff, v18  }
0x1bc: {  	s7 =	sor.u32 $0x200, s29;
	v14 =	vperm.xlane v9, v0;
	[tilespmem:s23+$0xC020] =	vst v9;
	v4 =	vperm.xlane v13, v0;
	v9, _, _ =	vpop (xrf2)  }
0x1bd: {  	s28 =	simm.s32 $0x4;
	s0 =	simm.s32 $0x80;
	s26 =	sadd.s32 $0x20, s29;
	[tilespmem:s23+$0xC090] =	vst v63;
	v15 =	vld [tilespmem:s7+$0x4000];
	v11 =	vperm.xlane v12, v0;
	v17 =	vperm.xlane v16, v0;
	v9 =	vadd.f32 v9, v19  }
.LBB2_4:
0x1be: {  	s28 =	sadd.s32 $0x4, s28;
	[tilespmem:s23+$0xC110] =	vst v16;
	s24 =	sadd.s32 $0x200, s24;
	p0 =	por !p0, !p0;
	v16, _, _ =	vpop (xrf2);
	(xrf2) =	vadd.scan.msk.f32 $0xffff, v10  }
0x1bf: {  	p1 =	slt.u32 s28, $0x7C;
	[tilespmem:s23+$0xC010] =	vst v6;
	v6 =	vadd.f32 v16, v17  }
0x1c0: {  	s6 =	sadd.s32 $0x10, s29  }
0x1c1: {  	s9 =	sor.u32 $0x200, s6;
	[tilespmem:s23+$0xC190] =	vst v8;
	v8 =	vperm.xlane v6, v0  }
0x1c2: {  	s8 =	sand.u32 $0x40, s0;
	s10 =	sand.u32 $0x3C00, s24;
	v10 =	vld [tilespmem:s9+$0x4000];
	v16, _, _ =	vpop (xrf2)  }
0x1c3: {  	s10 =	sor.u32 s8, s10;
	[tilespmem:s23+$0xC120] =	vst v6;
	v6 =	vadd.f32 v16, v8;
	(xrf2) =	vadd.scan.msk.f32 $0xffff, v15  }
0x1c4: {  	v8 =	vld [tilespmem:s10+$0x4180];
	[tilespmem:s23+$0xC0A0] =	vst v5  }
0x1c5: {  	s30 =	sor.u32 $0x200, s26;
	[tilespmem:s23+$0xC1A0] =	vst v7;
	v5 =	vperm.xlane v6, v0;
	v7, _, _ =	vpop (xrf2)  }
0x1c6: {  	v15 =	vld [tilespmem:s30+$0x4000];
	v14 =	vadd.f32 v7, v14;
	[tilespmem:s23+$0xC0B0] =	vst v13  }
0x1c7: {  	[tilespmem:s23+$0xC130] =	vst v6;
	(xrf2) =	vadd.scan.msk.f32 $0xffff, v10;
	v10 =	vperm.xlane v9, v0  }
0x1c8: {  	s8 =	sadd.s32 $0x30, s29;
	[tilespmem:s23+$0xC030] =	vst v14;
	v6 =	vperm.xlane v14, v0;
	v7, _, _ =	vpop (xrf2)  }
0x1c9: {  	s31 =	sor.u32 $0x200, s8;
	[tilespmem:s23+$0xC1B0] =	vst v12;
	v7 =	vadd.f32 v7, v10;
	s23 =	smov.u32 s10  }
0x1ca: {  	v10 =	vld [tilespmem:s31+$0x4000];
	[tilespmem:s25+$0xC000] =	vst v9  }
0x1cb: {  	(xrf2) =	vadd.scan.msk.f32 $0xffff, v15;
	[tilespmem:s1+$0xC000] =	vst v7;
	v7 =	vperm.xlane v7, v0;
	_ =	sdelay $0x1  }
0x1cc: {  	v9, _, _ =	vpop (xrf2)  }
0x1cd: {  	v3 =	vadd.f32 v9, v3  }
0x1ce: {  	(xrf2) =	vadd.scan.msk.f32 $0xffff, v10  }
0x1cf: {  	s1 =	sor.u32 $0x280, s29;
	[tilespmem:s7+$0xC000] =	vst v3;
	v3 =	vperm.xlane v3, v0  }
0x1d0: {  	v9 =	vld [tilespmem:s1+$0x4000];
	v10, _, _ =	vpop (xrf2)  }
0x1d1: {  	v3 =	vadd.f32 v10, v3  }
0x1d2: {  	v10 =	vld [tilespmem:s23+$0x4090];
	(xrf2) =	vadd.scan.msk.f32 $0xffff, v8  }
0x1d3: {  	s7 =	sor.u32 $0x280, s6;
	[tilespmem:s9+$0xC000] =	vst v3;
	v3 =	vperm.xlane v3, v0  }
0x1d4: {  	v8 =	vld [tilespmem:s7+$0x4000];
	v12, _, _ =	vpop (xrf2)  }
0x1d5: {  	v3 =	vadd.f32 v12, v3;
	(xrf2) =	vadd.scan.msk.f32 $0xffff, v9;
	_ =	sdelay $0x1  }
0x1d6: {  	s9 =	sor.u32 $0x280, s26;
	[tilespmem:s30+$0xC000] =	vst v3;
	v3 =	vperm.xlane v3, v0  }
0x1d7: {  	v12 =	vld [tilespmem:s9+$0x4000];
	v9, _, _ =	vpop (xrf2)  }
0x1d8: {  	v3 =	vadd.f32 v9, v3;
	(xrf2) =	vadd.scan.msk.f32 $0xffff, v8;
	_ =	sdelay $0x1  }
0x1d9: {  	s10 =	sor.u32 $0x280, s8;
	[tilespmem:s31+$0xC000] =	vst v3;
	v3 =	vperm.xlane v3, v0  }
0x1da: {  	v8, _, _ =	vpop (xrf2);
	v13 =	vld [tilespmem:s10+$0x4000]  }
0x1db: {  	v9 =	vadd.f32 v8, v11;
	(xrf2) =	vadd.scan.msk.f32 $0xffff, v12;
	_ =	sdelay $0x1  }
0x1dc: {  	v8, _, _ =	vpop (xrf2)  }
0x1dd: {  	v2 =	vadd.f32 v8, v2  }
0x1de: {  	(xrf2) =	vadd.scan.msk.f32 $0xffff, v13  }
0x1df: {  	[tilespmem:s1+$0xC000] =	vst v2;
	v2 =	vperm.xlane v2, v0;
	s1 =	sor.u32 $0x300, s29  }
0x1e0: {  	v8 =	vld [tilespmem:s1+$0x4000];
	v11, _, _ =	vpop (xrf2)  }
0x1e1: {  	v2 =	vadd.f32 v11, v2  }
0x1e2: {  	(xrf2) =	vadd.scan.msk.f32 $0xffff, v10  }
0x1e3: {  	[tilespmem:s7+$0xC000] =	vst v2;
	v2 =	vperm.xlane v2, v0;
	s7 =	sor.u32 $0x300, s6  }
0x1e4: {  	v10 =	vld [tilespmem:s7+$0x4000];
	v11, _, _ =	vpop (xrf2)  }
0x1e5: {  	v2 =	vadd.f32 v11, v2;
	(xrf2) =	vadd.scan.msk.f32 $0xffff, v8;
	_ =	sdelay $0x1  }
0x1e6: {  	[tilespmem:s9+$0xC000] =	vst v2;
	v2 =	vperm.xlane v2, v0;
	s9 =	sor.u32 $0x300, s26  }
0x1e7: {  	v8 =	vld [tilespmem:s9+$0x4000];
	v11, _, _ =	vpop (xrf2)  }
0x1e8: {  	v2 =	vadd.f32 v11, v2;
	(xrf2) =	vadd.scan.msk.f32 $0xffff, v10  }
0x1e9: {  	v10 =	vld [tilespmem:s23+$0x4190]  }
0x1ea: {  	[tilespmem:s10+$0xC000] =	vst v2;
	v2 =	vperm.xlane v2, v0;
	s10 =	sor.u32 $0x300, s8  }
0x1eb: {  	v11, _, _ =	vpop (xrf2);
	v12 =	vld [tilespmem:s10+$0x4000]  }
0x1ec: {  	(xrf2) =	vadd.scan.msk.f32 $0xffff, v8;
	_ =	sdelay $0x1  }
0x1ed: {  	v8, _, _ =	vpop (xrf2)  }
0x1ee: {  	v13 =	vld [tilespmem:s23+$0x41A0];
	v1 =	vadd.f32 v8, v1  }
0x1ef: {  	(xrf2) =	vadd.scan.msk.f32 $0xffff, v12  }
0x1f0: {  	s29 =	sor.u32 $0x380, s29;
	v12 =	vld [tilespmem:s23+$0x4080];
	[tilespmem:s1+$0xC000] =	vst v1;
	v1 =	vperm.xlane v1, v0  }
0x1f1: {  	v8 =	vld [tilespmem:s29+$0x4000];
	v14, _, _ =	vpop (xrf2)  }
0x1f2: {  	v15 =	vld [tilespmem:s23+$0x4100];
	v1 =	vadd.f32 v14, v1  }
0x1f3: {  	(xrf2) =	vadd.scan.msk.f32 $0xffff, v13  }
0x1f4: {  	s6 =	sor.u32 $0x380, s6;
	[tilespmem:s7+$0xC000] =	vst v1;
	v1 =	vperm.xlane v1, v0  }
0x1f5: {  	v13 =	vld [tilespmem:s6+$0x4000];
	v14, _, _ =	vpop (xrf2)  }
0x1f6: {  	(xrf2) =	vadd.scan.msk.f32 $0xffff, v10;
	v1 =	vadd.f32 v14, v1;
	_ =	sdelay $0x1  }
0x1f7: {  	[tilespmem:s9+$0xC000] =	vst v1;
	v1 =	vperm.xlane v1, v0  }
0x1f8: {  	s25 =	sor.u32 $0x380, s26;
	v14 =	vld [tilespmem:s23+$0x41B0];
	(xrf2) =	vadd.scan.msk.f32 $0xffff, v8;
	v8, _, _ =	vpop (xrf2)  }
0x1f9: {  	v16 =	vld [tilespmem:s25+$0x4000];
	v1 =	vadd.f32 v8, v1  }
0x1fa: {  	v17 =	vld [tilespmem:s23+$0x4000]  }
0x1fb: {  	s1 =	sor.u32 $0x380, s8;
	[tilespmem:s10+$0xC000] =	vst v1;
	v1 =	vperm.xlane v1, v0;
	(xrf2) =	vadd.scan.msk.f32 $0xffff, v13  }
0x1fc: {  	v13, _, _ =	vpop (xrf2);
	v10 =	vld [tilespmem:s1+$0x4000];
	_ =	sdelay $0x1  }
0x1fd: {  	v8 =	vperm.xlane v9, v0;
	(xrf2) =	vadd.scan.msk.f32 $0xffff, v14  }
0x1fe: {  	v14, _, _ =	vpop (xrf2)  }
0x1ff: {  	v8 =	vadd.f32 v14, v8  }
0x200: {  	(xrf2) =	vadd.scan.msk.f32 $0xffff, v15  }
0x201: {  	v14 =	vld [tilespmem:s23+$0x4110];
	v20 =	vperm.xlane v8, v0;
	v18, _, _ =	vpop (xrf2)  }
0x202: {  	v18 =	vadd.f32 v18, v7  }
0x203: {  	v19 =	vld [tilespmem:s23+$0x4010];
	v7 =	vadd.f32 v13, v20;
	(xrf2) =	vadd.scan.msk.f32 $0xffff, v17  }
0x204: {  	[tilespmem:s29+$0xC000] =	vst v18;
	v13 =	vperm.xlane v18, v0;
	v15, _, _ =	vpop (xrf2);
	_ =	sdelay $0x1  }
0x205: {  	(xrf2) =	vadd.scan.msk.f32 $0xffff, v12;
	v17 =	vadd.f32 v15, v13  }
0x206: {  	v12, _, _ =	vpop (xrf2)  }
0x207: {  	v13 =	vld [tilespmem:s23+$0x40A0];
	[tilespmem:s6+$0xC000] =	vst v17;
	_ =	sdelay $0x1  }
0x208: {  	v15, _, _ =	vpop (xrf2);
	(xrf2) =	vadd.scan.msk.f32 $0xffff, v19  }
0x209: {  	v18 =	vld [tilespmem:s23+$0x4020];
	_ =	sdelay $0x1  }
0x20a: {  	v19 =	vld [tilespmem:s23+$0x40B0];
	v20, _, _ =	vpop (xrf2);
	(xrf2) =	vadd.scan.msk.f32 $0xffff, v13;
	_ =	sdelay $0x2  }
0x20b: {  	v13, _, _ =	vpop (xrf2);
	(xrf2) =	vadd.scan.msk.f32 $0xffff, v18  }
0x20c: {  	s6 =	simm.s32 $0x1;
	v4 =	vadd.f32 v13, v4  }
0x20d: {  	s6 =	simm.s32 @!p0 $0x0;
	v5 =	vadd.f32 v15, v5;
	[tilespmem:s23+$0xC180] =	vst v9  }
0x20e: {  	s6 =	sshll.u32 s6, $0x6;
	v6 =	vadd.f32 v20, v6;
	[tilespmem:s23+$0xC080] =	vst v4;
	v4 =	vperm.xlane v4, v0;
	(xrf2) =	vadd.scan.msk.f32 $0xffff, v19  }
0x20f: {  	s29 =	sadd.s32 s6, s24;
	[tilespmem:s23+$0xC100] =	vst v5;
	v9, _, _ =	vpop (xrf2)  }
0x210: {  	s7 =	sor.u32 $0x200, s29;
	s26 =	sadd.s32 $0x20, s29;
	[tilespmem:s23+$0xC000] =	vst v6;
	v6 =	vperm.xlane v6, v0;
	v18 =	vadd.f32 v11, v4;
	v4 =	vld [tilespmem:s23+$0x4120]  }
0x211: {  	v15 =	vld [tilespmem:s7+$0x4000];
	(xrf2) =	vadd.scan.msk.f32 $0xffff, v14  }
0x212: {  	v11 =	vperm.xlane v5, v0;
	v6 =	vadd.f32 v9, v6;
	v5 =	vperm.xlane v18, v0;
	v9, _, _ =	vpop (xrf2);
	_ =	sdelay $0x1  }
0x213: {  	v13 =	vperm.xlane v6, v0;
	v5 =	vadd.f32 v9, v5;
	(xrf2) =	vadd.scan.msk.f32 $0xffff, v16  }
0x214: {  	v9, _, _ =	vpop (xrf2)  }
0x215: {  	v9 =	vadd.f32 v9, v13;
	v13 =	vperm.xlane v5, v0;
	v16 =	vld [tilespmem:s23+$0x4130]  }
0x216: {  	(xrf2) =	vadd.scan.msk.f32 $0xffff, v4  }
0x217: {  	v14 =	vperm.xlane v9, v0;
	v4, _, _ =	vpop (xrf2)  }
0x218: {  	v19 =	vld [tilespmem:s23+$0x4030];
	v13 =	vadd.f32 v4, v13  }
0x219: {  	v20 =	vperm.xlane v7, v0  }
0x21a: {  	v4 =	vperm.xlane v13, v0;
	v21, _, _ =	vpop (xrf2);
	(xrf2) =	vadd.scan.msk.f32 $0xffff, v16  }
.Ltmp1:
0x21b: {  	v12 =	vadd.f32 v12, v20;
	(pc) =	sbr.rel @p1 .LBB2_4-.Ltmp1, $4  }
0x21c: {  	v20 =	vperm.xlane v17, v0;
	v16 =	vadd.f32 v21, v11  }
0x21d: {  	v11 =	vperm.xlane v12, v0;
	[tilespmem:s23+$0xC020] =	vst v9;
	(xrf2) =	vadd.scan.msk.f32 $0xffff, v19;
	v9, _, _ =	vpop (xrf2)  }
0x21e: {  	v17 =	vperm.xlane v16, v0;
	v9 =	vadd.f32 v9, v20  }
0x21f: {  	s0 =	sadd.s32 $0x40, s0;
	[tilespmem:s23+$0xC090] =	vst v18  }
0x220: {  	[tilespmem:s23+$0xC110] =	vst v16  }
0x221: {  	[tilespmem:s23+$0xC010] =	vst v6;
	s0 =	sadd.s32 $0x10, s29  }
0x222: {  	v4, _, _ =	vpop (xrf2);
	[tilespmem:s23+$0xC190] =	vst v8;
	s8 =	sor.u32 $0x200, s0  }
0x223: {  	(xrf2) =	vadd.scan.msk.f32 $0xffff, v10;
	v4 =	vadd.f32 v4, v17;
	v6 =	vld [tilespmem:s8+$0x4000]  }
0x224: {  	[tilespmem:s23+$0xC0A0] =	vst v5;
	(xrf2) =	vadd.scan.msk.f32 $0xffff, v15  }
0x225: {  	[tilespmem:s23+$0xC1A0] =	vst v7;
	v44 =	vperm.xlane v4, v0  }
0x226: {  	s9 =	sor.u32 $0x200, s26;
	[tilespmem:s23+$0xC120] =	vst v4;
	v45, _, _ =	vpop (xrf2)  }
0x227: {  	[tilespmem:s23+$0xC0B0] =	vst v13;
	v7 =	vld [tilespmem:s9+$0x4000];
	v4 =	vadd.f32 v45, v44;
	v46, _, _ =	vpop (xrf2)  }
0x228: {  	[tilespmem:s23+$0xC1B0] =	vst v12;
	(xrf2) =	vadd.scan.msk.f32 $0xffff, v6;
	v5 =	vadd.f32 v46, v14  }
0x229: {  	s6 =	sadd.s32 $0x30, s29;
	[tilespmem:s23+$0xC130] =	vst v4  }
0x22a: {  	s10 =	sor.u32 $0x200, s6;
	[tilespmem:s23+$0xC030] =	vst v5  }
0x22b: {  	v4 =	vld [tilespmem:s10+$0x4000]  }
0x22c: {  	(xrf2) =	vadd.scan.msk.f32 $0xffff, v7  }
0x22d: {  	v47, _, _ =	vpop (xrf2)  }
0x22e: {  	v48, _, _ =	vpop (xrf2)  }
0x22f: {  	v3 =	vadd.f32 v48, v3  }
0x230: {  	(xrf2) =	vadd.scan.msk.f32 $0xffff, v4  }
0x231: {  	s30 =	sor.u32 $0x280, s29;
	[tilespmem:s7+$0xC000] =	vst v3;
	v3 =	vperm.xlane v3, v0  }
0x232: {  	v49 =	vld [tilespmem:s30+$0x4000];
	v50, _, _ =	vpop (xrf2)  }
0x233: {  	v3 =	vadd.f32 v50, v3;
	_ =	sdelay $0x1  }
0x234: {  	s31 =	sor.u32 $0x280, s0;
	[tilespmem:s8+$0xC000] =	vst v3;
	v3 =	vperm.xlane v3, v0  }
0x235: {  	v7, _, _ =	vpop (xrf2);
	v51 =	vld [tilespmem:s31+$0x4000]  }
0x236: {  	(xrf2) =	vadd.scan.msk.f32 $0xffff, v49;
	v3 =	vadd.f32 v7, v3;
	_ =	sdelay $0x1  }
0x237: {  	s5 =	sor.u32 $0x280, s26;
	[tilespmem:s9+$0xC000] =	vst v3;
	v3 =	vperm.xlane v3, v0  }
0x238: {  	v52 =	vld [tilespmem:s5+$0x4000];
	v53, _, _ =	vpop (xrf2)  }
0x239: {  	(xrf2) =	vadd.scan.msk.f32 $0xffff, v51;
	v3 =	vadd.f32 v53, v3;
	_ =	sdelay $0x1  }
0x23a: {  	s14 =	sor.u32 $0x280, s6;
	[tilespmem:s10+$0xC000] =	vst v3  }
0x23b: {  	v3 =	vld [tilespmem:s14+$0x4000]  }
0x23c: {  	(xrf2) =	vadd.scan.msk.f32 $0xffff, v52;
	_ =	sdelay $0x1  }
0x23d: {  	v54, _, _ =	vpop (xrf2)  }
0x23e: {  	v2 =	vadd.f32 v54, v2  }
0x23f: {  	(xrf2) =	vadd.scan.msk.f32 $0xffff, v3  }
0x240: {  	s22 =	sor.u32 $0x300, s29;
	[tilespmem:s30+$0xC000] =	vst v2;
	v2 =	vperm.xlane v2, v0  }
0x241: {  	v3 =	vld [tilespmem:s22+$0x4000];
	v55, _, _ =	vpop (xrf2)  }
0x242: {  	v2 =	vadd.f32 v55, v2;
	_ =	sdelay $0x1  }
0x243: {  	s23 =	sor.u32 $0x300, s0;
	[tilespmem:s31+$0xC000] =	vst v2;
	v2 =	vperm.xlane v2, v0  }
0x244: {  	v56 =	vld [tilespmem:s23+$0x4000];
	v57, _, _ =	vpop (xrf2)  }
0x245: {  	(xrf2) =	vadd.scan.msk.f32 $0xffff, v3;
	v2 =	vadd.f32 v57, v2;
	_ =	sdelay $0x1  }
0x246: {  	s24 =	sor.u32 $0x300, s26;
	[tilespmem:s5+$0xC000] =	vst v2;
	v2 =	vperm.xlane v2, v0  }
0x247: {  	v3 =	vld [tilespmem:s24+$0x4000];
	v58, _, _ =	vpop (xrf2)  }
0x248: {  	(xrf2) =	vadd.scan.msk.f32 $0xffff, v56;
	v2 =	vadd.f32 v58, v2;
	_ =	sdelay $0x1  }
0x249: {  	s28 =	sor.u32 $0x300, s6;
	[tilespmem:s14+$0xC000] =	vst v2  }
0x24a: {  	v2 =	vld [tilespmem:s28+$0x4000]  }
0x24b: {  	(xrf2) =	vadd.scan.msk.f32 $0xffff, v3;
	_ =	sdelay $0x1  }
0x24c: {  	v3, _, _ =	vpop (xrf2)  }
0x24d: {  	v1 =	vadd.f32 v3, v1  }
0x24e: {  	(xrf2) =	vadd.scan.msk.f32 $0xffff, v2  }
0x24f: {  	s29 =	sor.u32 $0x380, s29;
	[tilespmem:s22+$0xC000] =	vst v1;
	v1 =	vperm.xlane v1, v0  }
0x250: {  	v2 =	vld [tilespmem:s29+$0x4000];
	v3, _, _ =	vpop (xrf2)  }
0x251: {  	v1 =	vadd.f32 v3, v1;
	_ =	sdelay $0x1  }
0x252: {  	s0 =	sor.u32 $0x380, s0;
	[tilespmem:s23+$0xC000] =	vst v1;
	v1 =	vperm.xlane v1, v0  }
0x253: {  	v3 =	vld [tilespmem:s0+$0x4000];
	v59, _, _ =	vpop (xrf2)  }
0x254: {  	(xrf2) =	vadd.scan.msk.f32 $0xffff, v2;
	v1 =	vadd.f32 v59, v1;
	_ =	sdelay $0x1  }
0x255: {  	s30 =	sor.u32 $0x380, s26;
	[tilespmem:s24+$0xC000] =	vst v1;
	v1 =	vperm.xlane v1, v0  }
0x256: {  	v60 =	vld [tilespmem:s30+$0x4000];
	v2, _, _ =	vpop (xrf2)  }
0x257: {  	(xrf2) =	vadd.scan.msk.f32 $0xffff, v3;
	v1 =	vadd.f32 v2, v1  }
0x258: {  	v2 =	vperm.xlane v9, v0  }
0x259: {  	s6 =	sor.u32 $0x380, s6;
	[tilespmem:s28+$0xC000] =	vst v1  }
0x25a: {  	v1 =	vadd.f32 v47, v2;
	v2 =	vld [tilespmem:s6+$0x4000]  }
0x25b: {  	(xrf2) =	vadd.scan.msk.f32 $0xffff, v60  }
0x25c: {  	v3 =	vperm.xlane v1, v0  }
0x25d: {  	v61, _, _ =	vpop (xrf2)  }
0x25e: {  	v3 =	vadd.f32 v61, v3  }
0x25f: {  	(xrf2) =	vadd.scan.msk.f32 $0xffff, v2  }
0x260: {  	v2 =	vperm.xlane v3, v0  }
0x261: {  	v62, _, _ =	vpop (xrf2)  }
0x262: {  	v2 =	vadd.f32 v62, v2;
	_ =	sdelay $0x1  }
0x263: {  	v4 =	vperm.xlane v2, v0  }
0x264: {  	v63, _, _ =	vpop (xrf2)  }
0x265: {  	v4 =	vadd.f32 v63, v4  }
0x266: {  	[tilespmem:s25+$0xC000] =	vst v9  }
0x267: {  	[tilespmem:s1+$0xC000] =	vst v1;
	v1 =	vperm.xlane v4, v0  }
0x268: {  	[tilespmem:s29+$0xC000] =	vst v3;
	v3, _, _ =	vpop (xrf2)  }
0x269: {  	[tilespmem:s0+$0xC000] =	vst v2;
	v1 =	vadd.f32 v3, v1  }
0x26a: {  	[tilespmem:s30+$0xC000] =	vst v4  }
0x26b: {  	[tilespmem:s6+$0xC000] =	vst v1  }
0x26c: {  	s0 =	rddreg [dreg:$0x7]  }
0x26d: {  	[hbm4b:s0+s4] =	stream.linear.scatter [tilespmem:s19], [sflag:$0x4], $0x4000, $0x38;
	[tilespmem:$0x10000] =	vst v63  }
0x26e: {  	s23 =	simm.s32 $0x1;
	s31 =	rddreg [dreg:$0x8]  }
0x26f: {  	[tilespmem:s15], [sflag:$0x2] =	stream.linear.gather [hbm4b:s31+s4], $0x4000, $0x38;
	[tilespmem:$0x10000] =	vst v63  }
.LBB2_6:
0x270: {  	_ =	swait.ge [sflag:s16], $0x4000  }
0x271: {  	[sflag:s16] =	ssyncset.done $0x0  }
0x272: {  	[sflag:s16] =	ssyncadd.s32 $0xFFFFC000  }
0x273: {  	s0 =	simm.s32 $0x0;
	_ =	swait.ge [sflag:s20], $0x4000  }
0x274: {  	s1 =	sand.u32 $0x40, s0;
	s0 =	sand.u32 $0x3C00, s0;
	[sflag:s20] =	ssyncset.done $0x0  }
0x275: {  	s8 =	sor.u32 s1, s0;
	[sflag:s20] =	ssyncadd.s32 $0xFFFFC000  }
0x276: {  	v1 =	vld [tilespmem:s8+$0x180]  }
0x277: {  	v2 =	vld [tilespmem:s8+$0x90]  }
0x278: {  	v3 =	vld [tilespmem:s8+$0x1A0]  }
0x279: {  	v4 =	vld [tilespmem:s8+$0x190]  }
0x27a: {  	v5 =	vld [tilespmem:s8+$0x1B0]  }
0x27b: {  	(xrf2) =	vadd.scan.msk.f32 $0xffff, v1;
	v1 =	vld [tilespmem:s8+$0x100]  }
0x27c: {  	(xrf2) =	vadd.scan.msk.f32 $0xffff, v2;
	v2 =	vld [tilespmem:s8+$0x0]  }
0x27d: {  	v6 =	vld [tilespmem:s8+$0x80];
	(xrf2) =	vadd.scan.msk.f32 $0xffff, v3  }
0x27e: {  	(xrf2) =	vadd.scan.msk.f32 $0xffff, v4  }
0x27f: {  	v3 =	vld [tilespmem:s8+$0x10];
	(xrf2) =	vadd.scan.msk.f32 $0xffff, v5  }
0x280: {  	v4 =	vld [tilespmem:s8+$0xA0];
	(xrf2) =	vadd.scan.msk.f32 $0xffff, v1  }
0x281: {  	v1 =	vld [tilespmem:s8+$0x20];
	(xrf2) =	vadd.scan.msk.f32 $0xffff, v2  }
0x282: {  	v2 =	vld [tilespmem:s8+$0xB0];
	(xrf2) =	vadd.scan.msk.f32 $0xffff, v6  }
0x283: {  	v5 =	vld [tilespmem:s8+$0x110]  }
0x284: {  	(xrf2) =	vadd.scan.msk.f32 $0xffff, v3  }
0x285: {  	(xrf2) =	vadd.scan.msk.f32 $0xffff, v4;
	v3, _, _ =	vpop (xrf2)  }
0x286: {  	(xrf2) =	vadd.scan.msk.f32 $0xffff, v1;
	v4, _, _ =	vpop (xrf2)  }
0x287: {  	(xrf2) =	vadd.scan.msk.f32 $0xffff, v2;
	v2, _, _ =	vpop (xrf2)  }
0x288: {  	(xrf2) =	vadd.scan.msk.f32 $0xffff, v5;
	v5, _, _ =	vpop (xrf2)  }
0x289: {  	v6, _, _ =	vpop (xrf2)  }
0x28a: {  	v9 =	vld [tilespmem:s8+$0x120];
	v7, _, _ =	vpop (xrf2)  }
0x28b: {  	v8, _, _ =	vpop (xrf2)  }
0x28c: {  	v1 =	vimm.f32 $0.0e+00;
	v10, _, _ =	vpop (xrf2)  }
0x28d: {  	v10 =	vadd.f32 v10, v1  }
0x28e: {  	v3 =	vadd.f32 v3, v1;
	v11, _, _ =	vpop (xrf2)  }
0x28f: {  	p0 =	por $0x0, $0x0;
	s0 =	simm.s32 $0x1;
	v15 =	vld [tilespmem:s8+$0x130];
	v7 =	vadd.f32 v7, v1;
	v12, _, _ =	vpop (xrf2);
	(xrf2) =	vadd.scan.msk.f32 $0xffff, v9;
	v13 =	vperm.xlane v10, v0  }
0x290: {  	s0 =	simm.s32 @!p0 $0x0;
	[tilespmem:s8+$0x8180] =	vst v3;
	v3 =	vperm.xlane v3, v0;
	v8 =	vadd.f32 v8, v1  }
0x291: {  	s0 =	sshll.u32 s0, $0x6;
	[tilespmem:s8+$0x8100] =	vst v7;
	v14, _, _ =	vpop (xrf2)  }
0x292: {  	s6 =	sadd.s32 $0x0, s0;
	v16 =	vld [tilespmem:s8+$0x30];
	v3 =	vadd.f32 v5, v3;
	[tilespmem:s8+$0x8080] =	vst v10;
	v10 =	vperm.xlane v7, v0;
	v7 =	vperm.xlane v8, v0;
	v9, _, _ =	vpop (xrf2)  }
0x293: {  	s9 =	sor.u32 $0x200, s6;
	[tilespmem:s8+$0x8000] =	vst v8;
	v4 =	vadd.f32 v4, v13;
	v13, _, _ =	vpop (xrf2)  }
0x294: {  	[tilespmem:s8+$0x8190] =	vst v3;
	v7 =	vadd.f32 v11, v7;
	(xrf2) =	vadd.scan.msk.f32 $0xffff, v15;
	v8 =	vadd.f32 v13, v10;
	v10 =	vld [tilespmem:s9+$0x0]  }
0x295: {  	[tilespmem:s8+$0x8090] =	vst v4  }
0x296: {  	s7 =	sadd.s32 $0x10, s6;
	[tilespmem:s8+$0x8010] =	vst v7  }
0x297: {  	s10 =	sor.u32 $0x200, s7;
	v3 =	vperm.xlane v3, v0;
	(xrf2) =	vadd.scan.msk.f32 $0xffff, v16;
	[tilespmem:s8+$0x8110] =	vst v8  }
0x298: {  	v7 =	vperm.xlane v7, v0;
	v8 =	vperm.xlane v8, v0;
	v5 =	vld [tilespmem:s10+$0x0]  }
0x299: {  	v3 =	vadd.f32 v2, v3;
	v4 =	vperm.xlane v4, v0;
	(xrf2) =	vadd.scan.msk.f32 $0xffff, v10;
	v10, _, _ =	vpop (xrf2)  }
0x29a: {  	v7 =	vadd.f32 v14, v7;
	v8 =	vadd.f32 v10, v8  }
0x29b: {  	[tilespmem:s8+$0x81A0] =	vst v3;
	v4 =	vadd.f32 v12, v4  }
0x29c: {  	[tilespmem:s8+$0x8020] =	vst v7  }
0x29d: {  	s1 =	sadd.s32 $0x20, s6;
	[tilespmem:s8+$0x80A0] =	vst v4;
	v10 =	vperm.xlane v4, v0;
	(xrf2) =	vadd.scan.msk.f32 $0xffff, v5;
	v2 =	vperm.xlane v8, v0  }
0x29e: {  	s26 =	sor.u32 $0x200, s1;
	v4 =	vperm.xlane v3, v0;
	[tilespmem:s8+$0x8120] =	vst v8;
	v8, _, _ =	vpop (xrf2)  }
0x29f: {  	v5 =	vperm.xlane v7, v0;
	v7 =	vadd.f32 v9, v10;
	v2 =	vadd.f32 v8, v2;
	v8 =	vld [tilespmem:s26+$0x0]  }
0x2a0: {  	v4 =	vadd.f32 v6, v4  }
0x2a1: {  	[tilespmem:s8+$0x80B0] =	vst v7;
	v3, _, _ =	vpop (xrf2)  }
0x2a2: {  	[tilespmem:s8+$0x81B0] =	vst v4;
	v3 =	vadd.f32 v3, v5  }
0x2a3: {  	s24 =	simm.s32 $0x40;
	s25 =	simm.s32 $0x200;
	s0 =	sadd.s32 $0x30, s6;
	[tilespmem:s8+$0x8130] =	vst v2;
	v5, _, _ =	vpop (xrf2)  }
0x2a4: {  	s24 =	sand.u32 $0x40, s24;
	s28 =	sand.u32 $0x3C00, s25;
	s22 =	sor.u32 $0x200, s0;
	[tilespmem:s8+$0x8030] =	vst v3;
	v5 =	vadd.f32 v5, v1;
	(xrf2) =	vadd.scan.msk.f32 $0xffff, v8  }
0x2a5: {  	s24 =	sor.u32 s24, s28;
	v6 =	vld [tilespmem:s22+$0x0]  }
0x2a6: {  	s31 =	sor.u32 $0x280, s6;
	v9 =	vld [tilespmem:s24+$0x180];
	[tilespmem:s9+$0x8000] =	vst v5;
	v5 =	vperm.xlane v5, v0  }
0x2a7: {  	v10, _, _ =	vpop (xrf2);
	v8 =	vld [tilespmem:s31+$0x0]  }
0x2a8: {  	v5 =	vadd.f32 v10, v5;
	_ =	sdelay $0x1  }
0x2a9: {  	s5 =	sor.u32 $0x280, s7;
	(xrf2) =	vadd.scan.msk.f32 $0xffff, v6;
	[tilespmem:s10+$0x8000] =	vst v5  }
0x2aa: {  	(xrf2) =	vadd.scan.msk.f32 $0xffff, v9;
	v6 =	vld [tilespmem:s5+$0x0]  }
0x2ab: {  	(xrf2) =	vadd.scan.msk.f32 $0xffff, v8  }
0x2ac: {  	v5 =	vperm.xlane v5, v0  }
0x2ad: {  	v8, _, _ =	vpop (xrf2)  }
0x2ae: {  	v5 =	vadd.f32 v8, v5  }
0x2af: {  	(xrf2) =	vadd.scan.msk.f32 $0xffff, v6  }
0x2b0: {  	v6 =	vperm.xlane v5, v0;
	_ =	sdelay $0x2  }
0x2b1: {  	v8, _, _ =	vpop (xrf2)  }
0x2b2: {  	s14 =	sor.u32 $0x280, s1;
	[tilespmem:s26+$0x8000] =	vst v5;
	v5 =	vadd.f32 v8, v6;
	v6, _, _ =	vpop (xrf2)  }
0x2b3: {  	v8 =	vld [tilespmem:s14+$0x0];
	v9, _, _ =	vpop (xrf2)  }
0x2b4: {  	[tilespmem:s22+$0x8000] =	vst v5;
	s22 =	sor.u32 $0x280, s0;
	v9 =	vadd.f32 v9, v1  }
0x2b5: {  	v10 =	vld [tilespmem:s22+$0x0]  }
0x2b6: {  	v11 =	vld [tilespmem:s24+$0x90];
	[tilespmem:s31+$0x8000] =	vst v9;
	v9 =	vperm.xlane v9, v0;
	s31 =	sor.u32 $0x300, s6  }
0x2b7: {  	v12 =	vld [tilespmem:s31+$0x0];
	v13, _, _ =	vpop (xrf2)  }
0x2b8: {  	(xrf2) =	vadd.scan.msk.f32 $0xffff, v8;
	v8 =	vadd.f32 v13, v9;
	_ =	sdelay $0x1  }
0x2b9: {  	(xrf2) =	vadd.scan.msk.f32 $0xffff, v10;
	[tilespmem:s5+$0x8000] =	vst v8;
	s5 =	sor.u32 $0x300, s7  }
0x2ba: {  	(xrf2) =	vadd.scan.msk.f32 $0xffff, v11;
	v9 =	vld [tilespmem:s5+$0x0]  }
0x2bb: {  	(xrf2) =	vadd.scan.msk.f32 $0xffff, v12;
	_ =	sdelay $0x3  }
0x2bc: {  	(xrf2) =	vadd.scan.msk.f32 $0xffff, v9  }
0x2bd: {  	v8 =	vperm.xlane v8, v0  }
0x2be: {  	v9, _, _ =	vpop (xrf2)  }
0x2bf: {  	v8 =	vadd.f32 v9, v8  }
0x2c0: {  	v9, _, _ =	vpop (xrf2)  }
0x2c1: {  	v10 =	vperm.xlane v8, v0;
	v11, _, _ =	vpop (xrf2)  }
0x2c2: {  	v12, _, _ =	vpop (xrf2)  }
0x2c3: {  	v10 =	vadd.f32 v9, v10;
	v9 =	vadd.f32 v12, v1  }
0x2c4: {  	[tilespmem:s14+$0x8000] =	vst v8;
	s14 =	sor.u32 $0x300, s1  }
0x2c5: {  	v8 =	vld [tilespmem:s14+$0x0];
	[tilespmem:s22+$0x8000] =	vst v10;
	s22 =	sor.u32 $0x300, s0;
	v12 =	vperm.xlane v9, v0  }
0x2c6: {  	v13 =	vld [tilespmem:s22+$0x0];
	v14, _, _ =	vpop (xrf2)  }
0x2c7: {  	v15 =	vld [tilespmem:s24+$0x1A0];
	v12 =	vadd.f32 v14, v12  }
0x2c8: {  	s6 =	sor.u32 $0x380, s6;
	[tilespmem:s31+$0x8000] =	vst v9;
	v14 =	vld [tilespmem:s24+$0x190]  }
0x2c9: {  	s7 =	sor.u32 $0x380, s7;
	v9 =	vld [tilespmem:s6+$0x0];
	[tilespmem:s5+$0x8000] =	vst v12  }
0x2ca: {  	(xrf2) =	vadd.scan.msk.f32 $0xffff, v8;
	v8 =	vld [tilespmem:s7+$0x0]  }
0x2cb: {  	(xrf2) =	vadd.scan.msk.f32 $0xffff, v13;
	v13 =	vld [tilespmem:s24+$0x1B0]  }
0x2cc: {  	v16 =	vld [tilespmem:s24+$0x100];
	(xrf2) =	vadd.scan.msk.f32 $0xffff, v15  }
0x2cd: {  	(xrf2) =	vadd.scan.msk.f32 $0xffff, v14;
	v14 =	vld [tilespmem:s24+$0x0]  }
0x2ce: {  	v15 =	vld [tilespmem:s24+$0x80];
	(xrf2) =	vadd.scan.msk.f32 $0xffff, v9  }
0x2cf: {  	(xrf2) =	vadd.scan.msk.f32 $0xffff, v8  }
0x2d0: {  	(xrf2) =	vadd.scan.msk.f32 $0xffff, v13  }
0x2d1: {  	(xrf2) =	vadd.scan.msk.f32 $0xffff, v16  }
0x2d2: {  	(xrf2) =	vadd.scan.msk.f32 $0xffff, v14  }
0x2d3: {  	(xrf2) =	vadd.scan.msk.f32 $0xffff, v15  }
0x2d4: {  	v8, _, _ =	vpop (xrf2);
	v13 =	vld [tilespmem:s24+$0x10]  }
0x2d5: {  	v9, _, _ =	vpop (xrf2);
	v15 =	vld [tilespmem:s24+$0xA0]  }
0x2d6: {  	v19 =	vld [tilespmem:s24+$0x20];
	v12 =	vperm.xlane v12, v0;
	v14, _, _ =	vpop (xrf2)  }
0x2d7: {  	v16, _, _ =	vpop (xrf2)  }
0x2d8: {  	v17, _, _ =	vpop (xrf2)  }
0x2d9: {  	(xrf2) =	vadd.scan.msk.f32 $0xffff, v13;
	v13 =	vld [tilespmem:s24+$0xB0];
	v18, _, _ =	vpop (xrf2)  }
0x2da: {  	v20 =	vld [tilespmem:s24+$0x110];
	v8 =	vadd.f32 v8, v12;
	(xrf2) =	vadd.scan.msk.f32 $0xffff, v15;
	v12, _, _ =	vpop (xrf2)  }
0x2db: {  	v4 =	vperm.xlane v4, v0;
	(xrf2) =	vadd.scan.msk.f32 $0xffff, v19;
	v21, _, _ =	vpop (xrf2)  }
0x2dc: {  	v7 =	vperm.xlane v7, v0;
	v15, _, _ =	vpop (xrf2)  }
0x2dd: {  	s26 =	sor.u32 $0x380, s1;
	v24 =	vadd.f32 v6, v4;
	[tilespmem:s14+$0x8000] =	vst v8;
	v23, _, _ =	vpop (xrf2)  }
0x2de: {  	v3 =	vperm.xlane v3, v0;
	v22 =	vld [tilespmem:s26+$0x0];
	v1 =	vadd.f32 v17, v1;
	(xrf2) =	vadd.scan.msk.f32 $0xffff, v13;
	v19 =	vadd.f32 v23, v7  }
0x2df: {  	v6 =	vperm.xlane v24, v0;
	v4 =	vperm.xlane v8, v0;
	(xrf2) =	vadd.scan.msk.f32 $0xffff, v20  }
0x2e0: {  	[tilespmem:s6+$0x8000] =	vst v1;
	v15 =	vadd.f32 v15, v3;
	v3 =	vperm.xlane v1, v0;
	v1 =	vld [tilespmem:s24+$0x120];
	v7 =	vperm.xlane v19, v0  }
0x2e1: {  	v13 =	vadd.f32 v9, v4;
	v9 =	vadd.f32 v16, v6  }
0x2e2: {  	v4 =	vperm.xlane v15, v0;
	v63 =	vadd.f32 v11, v7  }
0x2e3: {  	v2 =	vperm.xlane v2, v0;
	(xrf2) =	vadd.scan.msk.f32 $0xffff, v22;
	v8 =	vperm.xlane v9, v0;
	v6, _, _ =	vpop (xrf2)  }
0x2e4: {  	v17 =	vld [tilespmem:s24+$0x130];
	v11 =	vadd.f32 v18, v3;
	v16, _, _ =	vpop (xrf2);
	v7 =	vadd.f32 v6, v4;
	v3 =	vperm.xlane v63, v0  }
0x2e5: {  	v2 =	vadd.f32 v21, v2;
	v8 =	vadd.f32 v14, v8;
	v14, _, _ =	vpop (xrf2);
	(xrf2) =	vadd.scan.msk.f32 $0xffff, v1  }
0x2e6: {  	[tilespmem:s22+$0x8000] =	vst v13;
	v4 =	vperm.xlane v5, v0;
	v5 =	vperm.xlane v7, v0;
	v6 =	vadd.f32 v16, v3  }
0x2e7: {  	p0 =	por !p0, !p0;
	s1 =	simm.s32 $0x1;
	[tilespmem:s24+$0x8100] =	vst v2;
	v18 =	vld [tilespmem:s24+$0x30];
	v3 =	vperm.xlane v10, v0  }
0x2e8: {  	s1 =	simm.s32 @!p0 $0x0;
	[tilespmem:s24+$0x8000] =	vst v15;
	v10 =	vperm.xlane v2, v0;
	v5 =	vadd.f32 v14, v5;
	v14, _, _ =	vpop (xrf2);
	v16 =	vperm.xlane v6, v0  }
0x2e9: {  	s31 =	sshll.u32 s1, $0x6;
	s1 =	sor.u32 $0x380, s0;
	[tilespmem:s24+$0x8080] =	vst v19;
	v19 =	vperm.xlane v8, v0;
	(xrf2) =	vadd.scan.msk.f32 $0xffff, v17;
	v2 =	vperm.xlane v13, v0;
	v15, _, _ =	vpop (xrf2)  }
0x2ea: {  	[tilespmem:s7+$0x8000] =	vst v11;
	v13 =	vadd.f32 v14, v16;
	v16 =	vadd.f32 v15, v10;
	v10 =	vperm.xlane v11, v0;
	v11 =	vld [tilespmem:s1+$0x0]  }
0x2eb: {  	v12 =	vadd.f32 v12, v19  }
0x2ec: {  	[tilespmem:s24+$0x8180] =	vst v24;
	s30 =	sadd.s32 $0x200, s31;
	(xrf2) =	vadd.scan.msk.f32 $0xffff, v18  }
0x2ed: {  	s7 =	sor.u32 $0x200, s30;
	[tilespmem:s24+$0x8020] =	vst v5;
	v19, _, _ =	vpop (xrf2);
	v14 =	vperm.xlane v5, v0;
	v5 =	vperm.xlane v12, v0  }
0x2ee: {  	s29 =	simm.s32 $0x4;
	s0 =	simm.s32 $0x80;
	s28 =	sadd.s32 $0x20, s30;
	[tilespmem:s24+$0x8090] =	vst v63;
	v15 =	vld [tilespmem:s7+$0x0];
	v1 =	vperm.xlane v13, v0;
	v17 =	vperm.xlane v16, v0;
	v10 =	vadd.f32 v19, v10  }
.LBB2_7:
0x2ef: {  	s29 =	sadd.s32 $0x4, s29;
	[tilespmem:s24+$0x8110] =	vst v16;
	s25 =	sadd.s32 $0x200, s25;
	p0 =	por !p0, !p0;
	v16, _, _ =	vpop (xrf2);
	(xrf2) =	vadd.scan.msk.f32 $0xffff, v11  }
0x2f0: {  	p1 =	slt.u32 s29, $0x7C;
	[tilespmem:s24+$0x8010] =	vst v7;
	v7 =	vadd.f32 v16, v17  }
0x2f1: {  	s6 =	sadd.s32 $0x10, s30  }
0x2f2: {  	s9 =	sor.u32 $0x200, s6;
	[tilespmem:s24+$0x8190] =	vst v9;
	v9 =	vperm.xlane v7, v0  }
0x2f3: {  	s8 =	sand.u32 $0x40, s0;
	s10 =	sand.u32 $0x3C00, s25;
	v11 =	vld [tilespmem:s9+$0x0];
	v16, _, _ =	vpop (xrf2)  }
0x2f4: {  	s10 =	sor.u32 s8, s10;
	[tilespmem:s24+$0x8120] =	vst v7;
	v7 =	vadd.f32 v16, v9;
	(xrf2) =	vadd.scan.msk.f32 $0xffff, v15  }
0x2f5: {  	v9 =	vld [tilespmem:s10+$0x180];
	[tilespmem:s24+$0x80A0] =	vst v6  }
0x2f6: {  	s31 =	sor.u32 $0x200, s28;
	[tilespmem:s24+$0x81A0] =	vst v8;
	v6 =	vperm.xlane v7, v0;
	v8, _, _ =	vpop (xrf2)  }
0x2f7: {  	v15 =	vld [tilespmem:s31+$0x0];
	v14 =	vadd.f32 v8, v14;
	[tilespmem:s24+$0x80B0] =	vst v13  }
0x2f8: {  	[tilespmem:s24+$0x8130] =	vst v7;
	(xrf2) =	vadd.scan.msk.f32 $0xffff, v11;
	v11 =	vperm.xlane v10, v0  }
0x2f9: {  	s8 =	sadd.s32 $0x30, s30;
	[tilespmem:s24+$0x8030] =	vst v14;
	v7 =	vperm.xlane v14, v0;
	v8, _, _ =	vpop (xrf2)  }
0x2fa: {  	s14 =	sor.u32 $0x200, s8;
	[tilespmem:s24+$0x81B0] =	vst v12;
	v8 =	vadd.f32 v8, v11;
	s24 =	smov.u32 s10  }
0x2fb: {  	v11 =	vld [tilespmem:s14+$0x0];
	[tilespmem:s26+$0x8000] =	vst v10  }
0x2fc: {  	(xrf2) =	vadd.scan.msk.f32 $0xffff, v15;
	[tilespmem:s1+$0x8000] =	vst v8;
	v8 =	vperm.xlane v8, v0;
	_ =	sdelay $0x1  }
0x2fd: {  	v10, _, _ =	vpop (xrf2)  }
0x2fe: {  	v4 =	vadd.f32 v10, v4  }
0x2ff: {  	(xrf2) =	vadd.scan.msk.f32 $0xffff, v11  }
0x300: {  	s1 =	sor.u32 $0x280, s30;
	[tilespmem:s7+$0x8000] =	vst v4;
	v4 =	vperm.xlane v4, v0  }
0x301: {  	v10 =	vld [tilespmem:s1+$0x0];
	v11, _, _ =	vpop (xrf2)  }
0x302: {  	v4 =	vadd.f32 v11, v4  }
0x303: {  	v11 =	vld [tilespmem:s24+$0x90];
	(xrf2) =	vadd.scan.msk.f32 $0xffff, v9  }
0x304: {  	s7 =	sor.u32 $0x280, s6;
	[tilespmem:s9+$0x8000] =	vst v4;
	v4 =	vperm.xlane v4, v0  }
0x305: {  	v9 =	vld [tilespmem:s7+$0x0];
	v12, _, _ =	vpop (xrf2)  }
0x306: {  	v4 =	vadd.f32 v12, v4;
	(xrf2) =	vadd.scan.msk.f32 $0xffff, v10;
	_ =	sdelay $0x1  }
0x307: {  	s9 =	sor.u32 $0x280, s28;
	[tilespmem:s31+$0x8000] =	vst v4;
	v4 =	vperm.xlane v4, v0  }
0x308: {  	v10 =	vld [tilespmem:s9+$0x0];
	v12, _, _ =	vpop (xrf2)  }
0x309: {  	v4 =	vadd.f32 v12, v4;
	(xrf2) =	vadd.scan.msk.f32 $0xffff, v9;
	_ =	sdelay $0x1  }
0x30a: {  	s10 =	sor.u32 $0x280, s8;
	[tilespmem:s14+$0x8000] =	vst v4;
	v4 =	vperm.xlane v4, v0  }
0x30b: {  	v9, _, _ =	vpop (xrf2);
	v12 =	vld [tilespmem:s10+$0x0]  }
0x30c: {  	v5 =	vadd.f32 v9, v5;
	(xrf2) =	vadd.scan.msk.f32 $0xffff, v10;
	_ =	sdelay $0x1  }
0x30d: {  	v9, _, _ =	vpop (xrf2)  }
0x30e: {  	v3 =	vadd.f32 v9, v3  }
0x30f: {  	(xrf2) =	vadd.scan.msk.f32 $0xffff, v12  }
0x310: {  	[tilespmem:s1+$0x8000] =	vst v3;
	v3 =	vperm.xlane v3, v0;
	s1 =	sor.u32 $0x300, s30  }
0x311: {  	v9 =	vld [tilespmem:s1+$0x0];
	v10, _, _ =	vpop (xrf2)  }
0x312: {  	v3 =	vadd.f32 v10, v3  }
0x313: {  	(xrf2) =	vadd.scan.msk.f32 $0xffff, v11  }
0x314: {  	[tilespmem:s7+$0x8000] =	vst v3;
	v3 =	vperm.xlane v3, v0;
	s7 =	sor.u32 $0x300, s6  }
0x315: {  	v10 =	vld [tilespmem:s7+$0x0];
	v11, _, _ =	vpop (xrf2)  }
0x316: {  	v3 =	vadd.f32 v11, v3;
	(xrf2) =	vadd.scan.msk.f32 $0xffff, v9;
	_ =	sdelay $0x1  }
0x317: {  	[tilespmem:s9+$0x8000] =	vst v3;
	v3 =	vperm.xlane v3, v0;
	s9 =	sor.u32 $0x300, s28  }
0x318: {  	v9 =	vld [tilespmem:s9+$0x0];
	v11, _, _ =	vpop (xrf2)  }
0x319: {  	v3 =	vadd.f32 v11, v3;
	(xrf2) =	vadd.scan.msk.f32 $0xffff, v10  }
0x31a: {  	v10 =	vld [tilespmem:s24+$0x190]  }
0x31b: {  	[tilespmem:s10+$0x8000] =	vst v3;
	v3 =	vperm.xlane v3, v0;
	s10 =	sor.u32 $0x300, s8  }
0x31c: {  	v12, _, _ =	vpop (xrf2);
	v11 =	vld [tilespmem:s10+$0x0]  }
0x31d: {  	(xrf2) =	vadd.scan.msk.f32 $0xffff, v9;
	_ =	sdelay $0x1  }
0x31e: {  	v9, _, _ =	vpop (xrf2)  }
0x31f: {  	v13 =	vld [tilespmem:s24+$0x1A0];
	v2 =	vadd.f32 v9, v2  }
0x320: {  	(xrf2) =	vadd.scan.msk.f32 $0xffff, v11  }
0x321: {  	s14 =	sor.u32 $0x380, s30;
	v14 =	vld [tilespmem:s24+$0x80];
	[tilespmem:s1+$0x8000] =	vst v2;
	v2 =	vperm.xlane v2, v0  }
0x322: {  	v9 =	vld [tilespmem:s14+$0x0];
	v11, _, _ =	vpop (xrf2)  }
0x323: {  	v15 =	vld [tilespmem:s24+$0x100];
	v2 =	vadd.f32 v11, v2  }
0x324: {  	(xrf2) =	vadd.scan.msk.f32 $0xffff, v13  }
0x325: {  	s6 =	sor.u32 $0x380, s6;
	[tilespmem:s7+$0x8000] =	vst v2;
	v2 =	vperm.xlane v2, v0  }
0x326: {  	v11 =	vld [tilespmem:s6+$0x0];
	v13, _, _ =	vpop (xrf2)  }
0x327: {  	(xrf2) =	vadd.scan.msk.f32 $0xffff, v10;
	v2 =	vadd.f32 v13, v2;
	_ =	sdelay $0x1  }
0x328: {  	[tilespmem:s9+$0x8000] =	vst v2;
	v2 =	vperm.xlane v2, v0  }
0x329: {  	s26 =	sor.u32 $0x380, s28;
	v10 =	vld [tilespmem:s24+$0x1B0];
	(xrf2) =	vadd.scan.msk.f32 $0xffff, v9;
	v9, _, _ =	vpop (xrf2)  }
0x32a: {  	v13 =	vld [tilespmem:s26+$0x0];
	v2 =	vadd.f32 v9, v2  }
0x32b: {  	v16 =	vld [tilespmem:s24+$0x0]  }
0x32c: {  	s1 =	sor.u32 $0x380, s8;
	[tilespmem:s10+$0x8000] =	vst v2;
	v2 =	vperm.xlane v2, v0;
	(xrf2) =	vadd.scan.msk.f32 $0xffff, v11  }
0x32d: {  	v17, _, _ =	vpop (xrf2);
	v11 =	vld [tilespmem:s1+$0x0];
	_ =	sdelay $0x1  }
0x32e: {  	v9 =	vperm.xlane v5, v0;
	(xrf2) =	vadd.scan.msk.f32 $0xffff, v10  }
0x32f: {  	v10, _, _ =	vpop (xrf2)  }
0x330: {  	v9 =	vadd.f32 v10, v9  }
0x331: {  	(xrf2) =	vadd.scan.msk.f32 $0xffff, v15  }
0x332: {  	v10 =	vld [tilespmem:s24+$0x110];
	v15 =	vperm.xlane v9, v0;
	v18, _, _ =	vpop (xrf2)  }
0x333: {  	v18 =	vadd.f32 v18, v8  }
0x334: {  	v19 =	vld [tilespmem:s24+$0x10];
	v8 =	vadd.f32 v17, v15;
	(xrf2) =	vadd.scan.msk.f32 $0xffff, v16  }
0x335: {  	[tilespmem:s14+$0x8000] =	vst v18;
	v15 =	vperm.xlane v18, v0;
	v16, _, _ =	vpop (xrf2);
	_ =	sdelay $0x1  }
0x336: {  	(xrf2) =	vadd.scan.msk.f32 $0xffff, v14;
	v17 =	vadd.f32 v16, v15  }
0x337: {  	v16, _, _ =	vpop (xrf2)  }
0x338: {  	v14 =	vld [tilespmem:s24+$0xA0];
	[tilespmem:s6+$0x8000] =	vst v17;
	_ =	sdelay $0x1  }
0x339: {  	v15, _, _ =	vpop (xrf2);
	(xrf2) =	vadd.scan.msk.f32 $0xffff, v19  }
0x33a: {  	v18 =	vld [tilespmem:s24+$0x20];
	_ =	sdelay $0x1  }
0x33b: {  	v19 =	vld [tilespmem:s24+$0xB0];
	v20, _, _ =	vpop (xrf2);
	(xrf2) =	vadd.scan.msk.f32 $0xffff, v14;
	_ =	sdelay $0x2  }
0x33c: {  	v14, _, _ =	vpop (xrf2);
	(xrf2) =	vadd.scan.msk.f32 $0xffff, v18  }
0x33d: {  	s6 =	simm.s32 $0x1;
	v1 =	vadd.f32 v14, v1  }
0x33e: {  	s6 =	simm.s32 @!p0 $0x0;
	v6 =	vadd.f32 v15, v6;
	[tilespmem:s24+$0x8180] =	vst v5  }
0x33f: {  	s6 =	sshll.u32 s6, $0x6;
	v5 =	vadd.f32 v20, v7;
	[tilespmem:s24+$0x8080] =	vst v1;
	v1 =	vperm.xlane v1, v0;
	(xrf2) =	vadd.scan.msk.f32 $0xffff, v19  }
0x340: {  	s30 =	sadd.s32 s6, s25;
	[tilespmem:s24+$0x8100] =	vst v6;
	v7, _, _ =	vpop (xrf2)  }
0x341: {  	s7 =	sor.u32 $0x200, s30;
	s28 =	sadd.s32 $0x20, s30;
	[tilespmem:s24+$0x8000] =	vst v5;
	v5 =	vperm.xlane v5, v0;
	v18 =	vadd.f32 v12, v1;
	v1 =	vld [tilespmem:s24+$0x120]  }
0x342: {  	v15 =	vld [tilespmem:s7+$0x0];
	(xrf2) =	vadd.scan.msk.f32 $0xffff, v10  }
0x343: {  	v10 =	vperm.xlane v6, v0;
	v7 =	vadd.f32 v7, v5;
	v14 =	vperm.xlane v18, v0;
	v6, _, _ =	vpop (xrf2);
	_ =	sdelay $0x1  }
0x344: {  	v12 =	vperm.xlane v7, v0;
	v6 =	vadd.f32 v6, v14;
	(xrf2) =	vadd.scan.msk.f32 $0xffff, v13  }
0x345: {  	v5, _, _ =	vpop (xrf2)  }
0x346: {  	v5 =	vadd.f32 v5, v12;
	v12 =	vperm.xlane v6, v0;
	v19 =	vld [tilespmem:s24+$0x130]  }
0x347: {  	(xrf2) =	vadd.scan.msk.f32 $0xffff, v1  }
0x348: {  	v14 =	vperm.xlane v5, v0;
	v1, _, _ =	vpop (xrf2)  }
0x349: {  	v20 =	vld [tilespmem:s24+$0x30];
	v13 =	vadd.f32 v1, v12  }
0x34a: {  	v12 =	vperm.xlane v8, v0  }
0x34b: {  	v1 =	vperm.xlane v13, v0;
	v21, _, _ =	vpop (xrf2);
	(xrf2) =	vadd.scan.msk.f32 $0xffff, v19  }
.Ltmp2:
0x34c: {  	v12 =	vadd.f32 v16, v12;
	(pc) =	sbr.rel @p1 .LBB2_7-.Ltmp2, $4  }
0x34d: {  	v16 =	vadd.f32 v21, v10;
	v10 =	vperm.xlane v17, v0  }
0x34e: {  	[tilespmem:s24+$0x8020] =	vst v5;
	v5 =	vperm.xlane v12, v0;
	(xrf2) =	vadd.scan.msk.f32 $0xffff, v20;
	v19, _, _ =	vpop (xrf2)  }
0x34f: {  	v17 =	vperm.xlane v16, v0;
	v10 =	vadd.f32 v19, v10  }
0x350: {  	s0 =	sadd.s32 $0x40, s0;
	[tilespmem:s24+$0x8090] =	vst v18  }
0x351: {  	[tilespmem:s24+$0x8110] =	vst v16  }
0x352: {  	v16, _, _ =	vpop (xrf2);
	[tilespmem:s24+$0x8010] =	vst v7;
	s0 =	sadd.s32 $0x10, s30  }
0x353: {  	[tilespmem:s24+$0x8190] =	vst v9;
	v7 =	vadd.f32 v16, v17;
	s8 =	sor.u32 $0x200, s0  }
0x354: {  	(xrf2) =	vadd.scan.msk.f32 $0xffff, v11;
	v9 =	vld [tilespmem:s8+$0x0]  }
0x355: {  	[tilespmem:s24+$0x80A0] =	vst v6;
	(xrf2) =	vadd.scan.msk.f32 $0xffff, v15  }
0x356: {  	[tilespmem:s24+$0x81A0] =	vst v8;
	v11 =	vperm.xlane v7, v0  }
0x357: {  	s9 =	sor.u32 $0x200, s28;
	[tilespmem:s24+$0x8120] =	vst v7;
	v7, _, _ =	vpop (xrf2)  }
0x358: {  	[tilespmem:s24+$0x80B0] =	vst v13;
	v7 =	vadd.f32 v7, v11;
	v11 =	vld [tilespmem:s9+$0x0];
	v6, _, _ =	vpop (xrf2)  }
0x359: {  	[tilespmem:s24+$0x81B0] =	vst v12;
	(xrf2) =	vadd.scan.msk.f32 $0xffff, v9;
	v8 =	vadd.f32 v6, v14  }
0x35a: {  	s6 =	sadd.s32 $0x30, s30;
	[tilespmem:s24+$0x8130] =	vst v7  }
0x35b: {  	s10 =	sor.u32 $0x200, s6;
	[tilespmem:s24+$0x8030] =	vst v8  }
0x35c: {  	v6 =	vld [tilespmem:s10+$0x0]  }
0x35d: {  	(xrf2) =	vadd.scan.msk.f32 $0xffff, v11  }
0x35e: {  	v9, _, _ =	vpop (xrf2)  }
0x35f: {  	v11, _, _ =	vpop (xrf2)  }
0x360: {  	v4 =	vadd.f32 v11, v4  }
0x361: {  	(xrf2) =	vadd.scan.msk.f32 $0xffff, v6  }
0x362: {  	s14 =	sor.u32 $0x280, s30;
	[tilespmem:s7+$0x8000] =	vst v4;
	v4 =	vperm.xlane v4, v0  }
0x363: {  	v6 =	vld [tilespmem:s14+$0x0];
	v11, _, _ =	vpop (xrf2)  }
0x364: {  	v4 =	vadd.f32 v11, v4;
	_ =	sdelay $0x1  }
0x365: {  	s22 =	sor.u32 $0x280, s0;
	[tilespmem:s8+$0x8000] =	vst v4;
	v4 =	vperm.xlane v4, v0  }
0x366: {  	v11 =	vld [tilespmem:s22+$0x0];
	v12, _, _ =	vpop (xrf2)  }
0x367: {  	(xrf2) =	vadd.scan.msk.f32 $0xffff, v6;
	v4 =	vadd.f32 v12, v4;
	_ =	sdelay $0x1  }
0x368: {  	s24 =	sor.u32 $0x280, s28;
	[tilespmem:s9+$0x8000] =	vst v4;
	v4 =	vperm.xlane v4, v0  }
0x369: {  	v12 =	vld [tilespmem:s24+$0x0];
	v6, _, _ =	vpop (xrf2)  }
0x36a: {  	(xrf2) =	vadd.scan.msk.f32 $0xffff, v11;
	v6 =	vadd.f32 v6, v4;
	_ =	sdelay $0x1  }
0x36b: {  	s25 =	sor.u32 $0x280, s6;
	[tilespmem:s10+$0x8000] =	vst v6  }
0x36c: {  	v4 =	vld [tilespmem:s25+$0x0]  }
0x36d: {  	(xrf2) =	vadd.scan.msk.f32 $0xffff, v12;
	_ =	sdelay $0x1  }
0x36e: {  	v11, _, _ =	vpop (xrf2)  }
0x36f: {  	v3 =	vadd.f32 v11, v3  }
0x370: {  	(xrf2) =	vadd.scan.msk.f32 $0xffff, v4  }
0x371: {  	s5 =	sor.u32 $0x300, s30;
	[tilespmem:s14+$0x8000] =	vst v3;
	v3 =	vperm.xlane v3, v0  }
0x372: {  	v4 =	vld [tilespmem:s5+$0x0];
	v11, _, _ =	vpop (xrf2)  }
0x373: {  	v3 =	vadd.f32 v11, v3;
	_ =	sdelay $0x1  }
0x374: {  	s14 =	sor.u32 $0x300, s0;
	[tilespmem:s22+$0x8000] =	vst v3;
	v3 =	vperm.xlane v3, v0  }
0x375: {  	v11 =	vld [tilespmem:s14+$0x0];
	v12, _, _ =	vpop (xrf2)  }
0x376: {  	(xrf2) =	vadd.scan.msk.f32 $0xffff, v4;
	v3 =	vadd.f32 v12, v3;
	_ =	sdelay $0x1  }
0x377: {  	s22 =	sor.u32 $0x300, s28;
	[tilespmem:s24+$0x8000] =	vst v3;
	v3 =	vperm.xlane v3, v0  }
0x378: {  	v12 =	vld [tilespmem:s22+$0x0];
	v4, _, _ =	vpop (xrf2)  }
0x379: {  	(xrf2) =	vadd.scan.msk.f32 $0xffff, v11;
	v4 =	vadd.f32 v4, v3;
	_ =	sdelay $0x1  }
0x37a: {  	s24 =	sor.u32 $0x300, s6;
	[tilespmem:s25+$0x8000] =	vst v4  }
0x37b: {  	v3 =	vld [tilespmem:s24+$0x0]  }
0x37c: {  	(xrf2) =	vadd.scan.msk.f32 $0xffff, v12;
	_ =	sdelay $0x1  }
0x37d: {  	v11, _, _ =	vpop (xrf2)  }
0x37e: {  	v2 =	vadd.f32 v11, v2  }
0x37f: {  	(xrf2) =	vadd.scan.msk.f32 $0xffff, v3  }
0x380: {  	s25 =	sor.u32 $0x380, s30;
	[tilespmem:s5+$0x8000] =	vst v2;
	v2 =	vperm.xlane v2, v0  }
0x381: {  	v3 =	vld [tilespmem:s25+$0x0];
	v11, _, _ =	vpop (xrf2)  }
0x382: {  	v2 =	vadd.f32 v11, v2;
	_ =	sdelay $0x1  }
0x383: {  	s0 =	sor.u32 $0x380, s0;
	[tilespmem:s14+$0x8000] =	vst v2;
	v2 =	vperm.xlane v2, v0  }
0x384: {  	v11 =	vld [tilespmem:s0+$0x0];
	v12, _, _ =	vpop (xrf2)  }
0x385: {  	(xrf2) =	vadd.scan.msk.f32 $0xffff, v3;
	v2 =	vadd.f32 v12, v2;
	_ =	sdelay $0x1  }
0x386: {  	s5 =	sor.u32 $0x380, s28;
	[tilespmem:s22+$0x8000] =	vst v2;
	v2 =	vperm.xlane v2, v0  }
0x387: {  	v12 =	vld [tilespmem:s5+$0x0];
	v3, _, _ =	vpop (xrf2)  }
0x388: {  	(xrf2) =	vadd.scan.msk.f32 $0xffff, v11;
	v3 =	vadd.f32 v3, v2  }
0x389: {  	v2 =	vperm.xlane v10, v0  }
0x38a: {  	s6 =	sor.u32 $0x380, s6;
	[tilespmem:s24+$0x8000] =	vst v3  }
0x38b: {  	v2 =	vadd.f32 v9, v2;
	v9 =	vld [tilespmem:s6+$0x0]  }
0x38c: {  	(xrf2) =	vadd.scan.msk.f32 $0xffff, v12  }
0x38d: {  	v11 =	vperm.xlane v2, v0  }
0x38e: {  	v12, _, _ =	vpop (xrf2)  }
0x38f: {  	v11 =	vadd.f32 v12, v11  }
0x390: {  	(xrf2) =	vadd.scan.msk.f32 $0xffff, v9  }
0x391: {  	v9 =	vperm.xlane v11, v0  }
0x392: {  	v12, _, _ =	vpop (xrf2)  }
0x393: {  	v9 =	vadd.f32 v12, v9;
	_ =	sdelay $0x1  }
0x394: {  	v12 =	vperm.xlane v9, v0  }
0x395: {  	v13, _, _ =	vpop (xrf2)  }
0x396: {  	v12 =	vadd.f32 v13, v12  }
0x397: {  	[tilespmem:s26+$0x8000] =	vst v10  }
0x398: {  	[tilespmem:s1+$0x8000] =	vst v2;
	v2 =	vperm.xlane v12, v0  }
0x399: {  	[tilespmem:s25+$0x8000] =	vst v11;
	v10, _, _ =	vpop (xrf2)  }
0x39a: {  	s7 =	sadd.s32 s11, s23;
	s24 =	sshll.u32 s23, $0x1;
	[tilespmem:s0+$0x8000] =	vst v9;
	v2 =	vadd.f32 v10, v2  }
0x39b: {  	s9 =	smin.u32 s24, $0x3D;
	s25 =	sshll.u32 s7, $0xC;
	[tilespmem:s5+$0x8000] =	vst v12  }
0x39c: {  	s8 =	simm.s32 $0x0;
	s10 =	sadd.s32 $0x2, s9;
	s0 =	sadd.s32 s3, s25;
	[tilespmem:s6+$0x8000] =	vst v2  }
0x39d: {  	[hbm4b:s0+s8] =	stream.linear.scatter [tilespmem:s17], [sflag:$0x3], $0x4000, $0x38;
	[tilespmem:$0x10000] =	vst v63  }
0x39e: {  	s6 =	sshrl.u32 s10, $0x1;
	s0 =	sshll.u32 s9, $0xB  }
0x39f: {  	s6 =	sadd.s32 s11, s6;
	s0 =	sand.u32 $0x800, s0  }
0x3a0: {  	s6 =	sshll.u32 s6, $0xC;
	s0 =	sadd.s32 s2, s0  }
0x3a1: {  	s0 =	sadd.s32 s6, s0  }
0x3a2: {  	[tilespmem:s8], [sflag:$0x1] =	stream.linear.gather [hbm4b:s0+s8], $0x4000, $0x38;
	[tilespmem:$0x10000] =	vst v63  }
0x3a3: {  	_ =	swait.ge [sflag:s18], $0x4000  }
0x3a4: {  	[sflag:s18] =	ssyncset.done $0x0  }
0x3a5: {  	[sflag:s18] =	ssyncadd.s32 $0xFFFFC000  }
0x3a6: {  	_ =	swait.ge [sflag:s21], $0x4000  }
0x3a7: {  	s14 =	sand.u32 $0x40, s8;
	s1 =	sand.u32 $0x3C00, s8;
	[sflag:s21] =	ssyncset.done $0x0  }
0x3a8: {  	s22 =	sor.u32 s14, s1;
	[sflag:s21] =	ssyncadd.s32 $0xFFFFC000  }
0x3a9: {  	v9 =	vld [tilespmem:s22+$0x4180]  }
0x3aa: {  	v10 =	vld [tilespmem:s22+$0x4090]  }
0x3ab: {  	v11 =	vld [tilespmem:s22+$0x41A0]  }
0x3ac: {  	v12 =	vld [tilespmem:s22+$0x4190]  }
0x3ad: {  	v13 =	vld [tilespmem:s22+$0x41B0]  }
0x3ae: {  	(xrf2) =	vadd.scan.msk.f32 $0xffff, v9;
	v9 =	vld [tilespmem:s22+$0x4100]  }
0x3af: {  	(xrf2) =	vadd.scan.msk.f32 $0xffff, v10;
	v10 =	vld [tilespmem:s22+$0x4000]  }
0x3b0: {  	v14 =	vld [tilespmem:s22+$0x4080];
	(xrf2) =	vadd.scan.msk.f32 $0xffff, v11  }
0x3b1: {  	(xrf2) =	vadd.scan.msk.f32 $0xffff, v12  }
0x3b2: {  	v11 =	vld [tilespmem:s22+$0x4010];
	(xrf2) =	vadd.scan.msk.f32 $0xffff, v13  }
0x3b3: {  	v12 =	vld [tilespmem:s22+$0x40A0];
	(xrf2) =	vadd.scan.msk.f32 $0xffff, v9  }
0x3b4: {  	v9 =	vld [tilespmem:s22+$0x4020];
	(xrf2) =	vadd.scan.msk.f32 $0xffff, v10  }
0x3b5: {  	v10 =	vld [tilespmem:s22+$0x40B0];
	(xrf2) =	vadd.scan.msk.f32 $0xffff, v14;
	_ =	sdelay $0x1  }
0x3b6: {  	v13 =	vld [tilespmem:s22+$0x4110];
	(xrf2) =	vadd.scan.msk.f32 $0xffff, v11  }
0x3b7: {  	(xrf2) =	vadd.scan.msk.f32 $0xffff, v12;
	v11, _, _ =	vpop (xrf2)  }
0x3b8: {  	(xrf2) =	vadd.scan.msk.f32 $0xffff, v9;
	v9, _, _ =	vpop (xrf2)  }
0x3b9: {  	(xrf2) =	vadd.scan.msk.f32 $0xffff, v10;
	v10, _, _ =	vpop (xrf2)  }
0x3ba: {  	v12, _, _ =	vpop (xrf2)  }
0x3bb: {  	(xrf2) =	vadd.scan.msk.f32 $0xffff, v13;
	v13, _, _ =	vpop (xrf2)  }
0x3bc: {  	v14, _, _ =	vpop (xrf2)  }
0x3bd: {  	v16 =	vld [tilespmem:s22+$0x4120];
	v15, _, _ =	vpop (xrf2)  }
0x3be: {  	v7 =	vperm.xlane v7, v0;
	v17, _, _ =	vpop (xrf2)  }
0x3bf: {  	v8 =	vperm.xlane v8, v0;
	v5 =	vadd.f32 v11, v5;
	v1 =	vadd.f32 v17, v1  }
0x3c0: {  	p0 =	por $0x0, $0x0;
	s0 =	simm.s32 $0x1;
	v7 =	vadd.f32 v14, v7  }
0x3c1: {  	s0 =	simm.s32 @!p0 $0x0;
	[tilespmem:s22+$0xC180] =	vst v5;
	v5 =	vperm.xlane v5, v0;
	v8 =	vadd.f32 v15, v8;
	v11, _, _ =	vpop (xrf2);
	v15 =	vperm.xlane v1, v0  }
0x3c2: {  	s0 =	sshll.u32 s0, $0x6;
	v18 =	vld [tilespmem:s22+$0x4130];
	[tilespmem:s22+$0xC100] =	vst v7;
	v14, _, _ =	vpop (xrf2);
	(xrf2) =	vadd.scan.msk.f32 $0xffff, v16  }
0x3c3: {  	s6 =	sadd.s32 $0x0, s0;
	v19 =	vld [tilespmem:s22+$0x4030];
	v5 =	vadd.f32 v12, v5;
	v17, _, _ =	vpop (xrf2);
	[tilespmem:s22+$0xC080] =	vst v1;
	v1 =	vperm.xlane v7, v0;
	v7 =	vperm.xlane v8, v0  }
0x3c4: {  	s9 =	sor.u32 $0x200, s6;
	[tilespmem:s22+$0xC000] =	vst v8;
	v16, _, _ =	vpop (xrf2);
	v9 =	vadd.f32 v9, v15  }
0x3c5: {  	[tilespmem:s22+$0xC190] =	vst v5;
	v8 =	vld [tilespmem:s9+$0x4000];
	v7 =	vadd.f32 v11, v7;
	v15, _, _ =	vpop (xrf2)  }
0x3c6: {  	[tilespmem:s22+$0xC090] =	vst v9;
	v1 =	vadd.f32 v15, v1  }
0x3c7: {  	s7 =	sadd.s32 $0x10, s6;
	(xrf2) =	vadd.scan.msk.f32 $0xffff, v18;
	[tilespmem:s22+$0xC010] =	vst v7  }
0x3c8: {  	s10 =	sor.u32 $0x200, s7;
	v9 =	vperm.xlane v9, v0;
	(xrf2) =	vadd.scan.msk.f32 $0xffff, v19;
	[tilespmem:s22+$0xC110] =	vst v1  }
0x3c9: {  	v11 =	vld [tilespmem:s10+$0x4000]  }
0x3ca: {  	v5 =	vperm.xlane v5, v0;
	(xrf2) =	vadd.scan.msk.f32 $0xffff, v8  }
0x3cb: {  	v7 =	vperm.xlane v7, v0;
	v1 =	vperm.xlane v1, v0  }
0x3cc: {  	v5 =	vadd.f32 v10, v5;
	v8 =	vadd.f32 v14, v9;
	v9, _, _ =	vpop (xrf2)  }
0x3cd: {  	v7 =	vadd.f32 v17, v7;
	v1 =	vadd.f32 v9, v1  }
0x3ce: {  	[tilespmem:s22+$0xC0A0] =	vst v8;
	v9 =	vperm.xlane v8, v0;
	v8 =	vperm.xlane v5, v0;
	(xrf2) =	vadd.scan.msk.f32 $0xffff, v11  }
0x3cf: {  	[tilespmem:s22+$0xC1A0] =	vst v5  }
0x3d0: {  	s1 =	sadd.s32 $0x20, s6;
	[tilespmem:s22+$0xC020] =	vst v7;
	v10 =	vperm.xlane v1, v0;
	v8 =	vadd.f32 v13, v8  }
0x3d1: {  	s14 =	sor.u32 $0x200, s1;
	[tilespmem:s22+$0xC120] =	vst v1;
	v11 =	vperm.xlane v7, v0;
	v7 =	vadd.f32 v16, v9;
	v1, _, _ =	vpop (xrf2)  }
0x3d2: {  	v9 =	vld [tilespmem:s14+$0x4000];
	[tilespmem:s22+$0xC1B0] =	vst v8;
	v1 =	vadd.f32 v1, v10;
	v5, _, _ =	vpop (xrf2)  }
0x3d3: {  	v6 =	vperm.xlane v6, v0;
	[tilespmem:s22+$0xC0B0] =	vst v7;
	v5 =	vadd.f32 v5, v11  }
0x3d4: {  	s28 =	simm.s32 $0x200;
	s5 =	simm.s32 $0x40;
	s0 =	sadd.s32 $0x30, s6;
	v10, _, _ =	vpop (xrf2);
	[tilespmem:s22+$0xC130] =	vst v1  }
0x3d5: {  	s29 =	sand.u32 $0x3C00, s28;
	s26 =	sand.u32 $0x40, s5;
	v6 =	vadd.f32 v10, v6;
	[tilespmem:s22+$0xC030] =	vst v5;
	s22 =	sor.u32 $0x200, s0  }
0x3d6: {  	s26 =	sor.u32 s26, s29;
	v10 =	vld [tilespmem:s22+$0x4000]  }
0x3d7: {  	v11 =	vld [tilespmem:s26+$0x4180];
	(xrf2) =	vadd.scan.msk.f32 $0xffff, v9;
	[tilespmem:s9+$0xC000] =	vst v6;
	v6 =	vperm.xlane v6, v0;
	s9 =	sor.u32 $0x280, s6  }
0x3d8: {  	v9 =	vld [tilespmem:s9+$0x4000];
	v12, _, _ =	vpop (xrf2)  }
0x3d9: {  	v6 =	vadd.f32 v12, v6;
	_ =	sdelay $0x1  }
0x3da: {  	(xrf2) =	vadd.scan.msk.f32 $0xffff, v10;
	[tilespmem:s10+$0xC000] =	vst v6;
	s10 =	sor.u32 $0x280, s7  }
0x3db: {  	(xrf2) =	vadd.scan.msk.f32 $0xffff, v11;
	v10 =	vld [tilespmem:s10+$0x4000]  }
0x3dc: {  	(xrf2) =	vadd.scan.msk.f32 $0xffff, v9;
	_ =	sdelay $0x2  }
0x3dd: {  	v6 =	vperm.xlane v6, v0  }
0x3de: {  	v9, _, _ =	vpop (xrf2);
	(xrf2) =	vadd.scan.msk.f32 $0xffff, v10  }
0x3df: {  	v6 =	vadd.f32 v9, v6;
	_ =	sdelay $0x1  }
0x3e0: {  	v9 =	vperm.xlane v6, v0  }
0x3e1: {  	v10, _, _ =	vpop (xrf2)  }
0x3e2: {  	v4 =	vperm.xlane v4, v0;
	s5 =	sor.u32 $0x280, s1;
	[tilespmem:s14+$0xC000] =	vst v6;
	v9 =	vadd.f32 v10, v9;
	v6, _, _ =	vpop (xrf2)  }
0x3e3: {  	v10 =	vld [tilespmem:s5+$0x4000];
	v11, _, _ =	vpop (xrf2)  }
0x3e4: {  	[tilespmem:s22+$0xC000] =	vst v9;
	s22 =	sor.u32 $0x280, s0;
	v4 =	vadd.f32 v11, v4  }
0x3e5: {  	v11 =	vld [tilespmem:s22+$0x4000]  }
0x3e6: {  	v12 =	vld [tilespmem:s26+$0x4090];
	[tilespmem:s9+$0xC000] =	vst v4;
	v4 =	vperm.xlane v4, v0;
	s9 =	sor.u32 $0x300, s6  }
0x3e7: {  	v13 =	vld [tilespmem:s9+$0x4000];
	v14, _, _ =	vpop (xrf2)  }
0x3e8: {  	(xrf2) =	vadd.scan.msk.f32 $0xffff, v10;
	v4 =	vadd.f32 v14, v4;
	_ =	sdelay $0x1  }
0x3e9: {  	(xrf2) =	vadd.scan.msk.f32 $0xffff, v11;
	[tilespmem:s10+$0xC000] =	vst v4;
	s10 =	sor.u32 $0x300, s7  }
0x3ea: {  	(xrf2) =	vadd.scan.msk.f32 $0xffff, v12;
	v10 =	vld [tilespmem:s10+$0x4000]  }
0x3eb: {  	(xrf2) =	vadd.scan.msk.f32 $0xffff, v13;
	_ =	sdelay $0x3  }
0x3ec: {  	(xrf2) =	vadd.scan.msk.f32 $0xffff, v10  }
0x3ed: {  	v4 =	vperm.xlane v4, v0  }
0x3ee: {  	v10, _, _ =	vpop (xrf2)  }
0x3ef: {  	v4 =	vadd.f32 v10, v4  }
0x3f0: {  	v10, _, _ =	vpop (xrf2)  }
0x3f1: {  	v3 =	vperm.xlane v3, v0;
	v11 =	vperm.xlane v4, v0;
	v12, _, _ =	vpop (xrf2)  }
0x3f2: {  	v13, _, _ =	vpop (xrf2)  }
0x3f3: {  	v10 =	vadd.f32 v10, v11;
	v3 =	vadd.f32 v13, v3  }
0x3f4: {  	[tilespmem:s5+$0xC000] =	vst v4;
	s5 =	sor.u32 $0x300, s1  }
0x3f5: {  	v4 =	vld [tilespmem:s5+$0x4000];
	[tilespmem:s22+$0xC000] =	vst v10;
	s22 =	sor.u32 $0x300, s0;
	v11 =	vperm.xlane v3, v0  }
0x3f6: {  	v13 =	vld [tilespmem:s22+$0x4000];
	v14, _, _ =	vpop (xrf2)  }
0x3f7: {  	v15 =	vld [tilespmem:s26+$0x41A0];
	v11 =	vadd.f32 v14, v11  }
0x3f8: {  	s6 =	sor.u32 $0x380, s6;
	[tilespmem:s9+$0xC000] =	vst v3;
	v14 =	vld [tilespmem:s26+$0x4190]  }
0x3f9: {  	s7 =	sor.u32 $0x380, s7;
	v3 =	vld [tilespmem:s6+$0x4000];
	[tilespmem:s10+$0xC000] =	vst v11  }
0x3fa: {  	(xrf2) =	vadd.scan.msk.f32 $0xffff, v4;
	v4 =	vld [tilespmem:s7+$0x4000]  }
0x3fb: {  	(xrf2) =	vadd.scan.msk.f32 $0xffff, v13;
	v13 =	vld [tilespmem:s26+$0x41B0]  }
0x3fc: {  	v16 =	vld [tilespmem:s26+$0x4100];
	(xrf2) =	vadd.scan.msk.f32 $0xffff, v15  }
0x3fd: {  	(xrf2) =	vadd.scan.msk.f32 $0xffff, v14;
	v14 =	vld [tilespmem:s26+$0x4000]  }
0x3fe: {  	v15 =	vld [tilespmem:s26+$0x4080];
	(xrf2) =	vadd.scan.msk.f32 $0xffff, v3  }
0x3ff: {  	(xrf2) =	vadd.scan.msk.f32 $0xffff, v4  }
0x400: {  	(xrf2) =	vadd.scan.msk.f32 $0xffff, v13  }
0x401: {  	(xrf2) =	vadd.scan.msk.f32 $0xffff, v16  }
0x402: {  	(xrf2) =	vadd.scan.msk.f32 $0xffff, v14  }
0x403: {  	(xrf2) =	vadd.scan.msk.f32 $0xffff, v15  }
0x404: {  	v3, _, _ =	vpop (xrf2)  }
0x405: {  	v4, _, _ =	vpop (xrf2)  }
0x406: {  	v11 =	vperm.xlane v11, v0;
	v13 =	vld [tilespmem:s26+$0x4010];
	v14, _, _ =	vpop (xrf2)  }
0x407: {  	v15 =	vld [tilespmem:s26+$0x40A0];
	v16, _, _ =	vpop (xrf2)  }
0x408: {  	v17, _, _ =	vpop (xrf2)  }
0x409: {  	v19 =	vld [tilespmem:s26+$0x4020];
	v18, _, _ =	vpop (xrf2)  }
0x40a: {  	v8 =	vperm.xlane v8, v0;
	v3 =	vadd.f32 v3, v11;
	v11, _, _ =	vpop (xrf2)  }
0x40b: {  	(xrf2) =	vadd.scan.msk.f32 $0xffff, v13;
	v21, _, _ =	vpop (xrf2)  }
0x40c: {  	v7 =	vperm.xlane v7, v0;
	v24 =	vadd.f32 v6, v8;
	(xrf2) =	vadd.scan.msk.f32 $0xffff, v15;
	v15, _, _ =	vpop (xrf2)  }
0x40d: {  	v13 =	vld [tilespmem:s26+$0x40B0];
	v23, _, _ =	vpop (xrf2)  }
0x40e: {  	v20 =	vld [tilespmem:s26+$0x4110];
	v6 =	vperm.xlane v24, v0;
	(xrf2) =	vadd.scan.msk.f32 $0xffff, v19;
	v19 =	vadd.f32 v23, v7;
	_ =	sdelay $0x1  }
0x40f: {  	v8 =	vadd.f32 v16, v6;
	v7 =	vperm.xlane v19, v0  }
0x410: {  	v2 =	vperm.xlane v2, v0;
	s29 =	sor.u32 $0x380, s1;
	[tilespmem:s5+$0xC000] =	vst v3  }
0x411: {  	v5 =	vperm.xlane v5, v0;
	v22 =	vld [tilespmem:s29+$0x4000];
	(xrf2) =	vadd.scan.msk.f32 $0xffff, v13;
	v63 =	vadd.f32 v12, v7;
	v7 =	vperm.xlane v8, v0  }
0x412: {  	v3 =	vperm.xlane v3, v0;
	v2 =	vadd.f32 v17, v2;
	(xrf2) =	vadd.scan.msk.f32 $0xffff, v20  }
0x413: {  	v13 =	vadd.f32 v15, v5;
	v7 =	vadd.f32 v14, v7;
	v14 =	vld [tilespmem:s26+$0x4120]  }
0x414: {  	v4 =	vadd.f32 v4, v3;
	v3 =	vperm.xlane v2, v0  }
0x415: {  	v5 =	vperm.xlane v13, v0  }
0x416: {  	(xrf2) =	vadd.scan.msk.f32 $0xffff, v22;
	v15 =	vadd.f32 v18, v3;
	v6, _, _ =	vpop (xrf2);
	v3 =	vperm.xlane v63, v0  }
0x417: {  	v1 =	vperm.xlane v1, v0;
	v17 =	vld [tilespmem:s26+$0x4130];
	v6 =	vadd.f32 v6, v5;
	v12, _, _ =	vpop (xrf2)  }
0x418: {  	v5 =	vadd.f32 v12, v3;
	v12, _, _ =	vpop (xrf2);
	(xrf2) =	vadd.scan.msk.f32 $0xffff, v14  }
0x419: {  	[tilespmem:s22+$0xC000] =	vst v4;
	v1 =	vadd.f32 v21, v1;
	v3 =	vperm.xlane v9, v0;
	v9 =	vperm.xlane v6, v0  }
0x41a: {  	[tilespmem:s6+$0xC000] =	vst v2;
	v2 =	vperm.xlane v10, v0;
	v18 =	vld [tilespmem:s26+$0x4030]  }
0x41b: {  	[tilespmem:s26+$0xC100] =	vst v1;
	v10 =	vperm.xlane v1, v0;
	v16 =	vperm.xlane v5, v0;
	v9 =	vadd.f32 v12, v9;
	v12, _, _ =	vpop (xrf2)  }
0x41c: {  	p0 =	por !p0, !p0;
	s1 =	simm.s32 $0x1;
	s6 =	sor.u32 $0x380, s0;
	v1 =	vperm.xlane v4, v0;
	[tilespmem:s26+$0xC000] =	vst v13;
	v4, _, _ =	vpop (xrf2);
	(xrf2) =	vadd.scan.msk.f32 $0xffff, v17  }
0x41d: {  	s1 =	simm.s32 @!p0 $0x0;
	[tilespmem:s26+$0xC080] =	vst v19;
	v19 =	vperm.xlane v7, v0;
	v13 =	vadd.f32 v12, v16;
	v16 =	vadd.f32 v4, v10;
	v10 =	vld [tilespmem:s6+$0x4000]  }
0x41e: {  	[tilespmem:s26+$0xC180] =	vst v24;
	s1 =	sshll.u32 s1, $0x6  }
0x41f: {  	s0 =	sadd.s32 $0x200, s1;
	[tilespmem:s7+$0xC000] =	vst v15;
	v12 =	vadd.f32 v11, v19;
	v19 =	vperm.xlane v15, v0;
	(xrf2) =	vadd.scan.msk.f32 $0xffff, v18  }
0x420: {  	s8 =	sor.u32 $0x200, s0;
	v14 =	vperm.xlane v9, v0;
	[tilespmem:s26+$0xC020] =	vst v9;
	v4 =	vperm.xlane v13, v0;
	v9, _, _ =	vpop (xrf2)  }
0x421: {  	s31 =	simm.s32 $0x4;
	s1 =	simm.s32 $0x80;
	s30 =	sadd.s32 $0x20, s0;
	[tilespmem:s26+$0xC090] =	vst v63;
	v15 =	vld [tilespmem:s8+$0x4000];
	v11 =	vperm.xlane v12, v0;
	v17 =	vperm.xlane v16, v0;
	v9 =	vadd.f32 v9, v19  }
.LBB2_9:
0x422: {  	s31 =	sadd.s32 $0x4, s31;
	[tilespmem:s26+$0xC110] =	vst v16;
	s28 =	sadd.s32 $0x200, s28;
	p0 =	por !p0, !p0;
	v16, _, _ =	vpop (xrf2);
	(xrf2) =	vadd.scan.msk.f32 $0xffff, v10  }
0x423: {  	p1 =	slt.u32 s31, $0x7C;
	[tilespmem:s26+$0xC010] =	vst v6;
	v6 =	vadd.f32 v16, v17  }
0x424: {  	s7 =	sadd.s32 $0x10, s0  }
0x425: {  	s10 =	sor.u32 $0x200, s7;
	[tilespmem:s26+$0xC190] =	vst v8;
	v8 =	vperm.xlane v6, v0  }
0x426: {  	s9 =	sand.u32 $0x40, s1;
	s14 =	sand.u32 $0x3C00, s28;
	v10 =	vld [tilespmem:s10+$0x4000];
	v16, _, _ =	vpop (xrf2)  }
0x427: {  	s14 =	sor.u32 s9, s14;
	[tilespmem:s26+$0xC120] =	vst v6;
	v6 =	vadd.f32 v16, v8;
	(xrf2) =	vadd.scan.msk.f32 $0xffff, v15  }
0x428: {  	v8 =	vld [tilespmem:s14+$0x4180];
	[tilespmem:s26+$0xC0A0] =	vst v5  }
0x429: {  	s5 =	sor.u32 $0x200, s30;
	[tilespmem:s26+$0xC1A0] =	vst v7;
	v5 =	vperm.xlane v6, v0;
	v7, _, _ =	vpop (xrf2)  }
0x42a: {  	v15 =	vld [tilespmem:s5+$0x4000];
	v14 =	vadd.f32 v7, v14;
	[tilespmem:s26+$0xC0B0] =	vst v13  }
0x42b: {  	[tilespmem:s26+$0xC130] =	vst v6;
	(xrf2) =	vadd.scan.msk.f32 $0xffff, v10;
	v10 =	vperm.xlane v9, v0  }
0x42c: {  	s9 =	sadd.s32 $0x30, s0;
	[tilespmem:s26+$0xC030] =	vst v14;
	v6 =	vperm.xlane v14, v0;
	v7, _, _ =	vpop (xrf2)  }
0x42d: {  	s22 =	sor.u32 $0x200, s9;
	[tilespmem:s26+$0xC1B0] =	vst v12;
	v7 =	vadd.f32 v7, v10;
	s26 =	smov.u32 s14  }
0x42e: {  	v10 =	vld [tilespmem:s22+$0x4000];
	[tilespmem:s29+$0xC000] =	vst v9  }
0x42f: {  	(xrf2) =	vadd.scan.msk.f32 $0xffff, v15;
	[tilespmem:s6+$0xC000] =	vst v7;
	v7 =	vperm.xlane v7, v0;
	_ =	sdelay $0x1  }
0x430: {  	v9, _, _ =	vpop (xrf2)  }
0x431: {  	v3 =	vadd.f32 v9, v3  }
0x432: {  	(xrf2) =	vadd.scan.msk.f32 $0xffff, v10  }
0x433: {  	s6 =	sor.u32 $0x280, s0;
	[tilespmem:s8+$0xC000] =	vst v3;
	v3 =	vperm.xlane v3, v0  }
0x434: {  	v9 =	vld [tilespmem:s6+$0x4000];
	v10, _, _ =	vpop (xrf2)  }
0x435: {  	v3 =	vadd.f32 v10, v3  }
0x436: {  	v10 =	vld [tilespmem:s26+$0x4090];
	(xrf2) =	vadd.scan.msk.f32 $0xffff, v8  }
0x437: {  	s8 =	sor.u32 $0x280, s7;
	[tilespmem:s10+$0xC000] =	vst v3;
	v3 =	vperm.xlane v3, v0  }
0x438: {  	v8 =	vld [tilespmem:s8+$0x4000];
	v12, _, _ =	vpop (xrf2)  }
0x439: {  	v3 =	vadd.f32 v12, v3;
	(xrf2) =	vadd.scan.msk.f32 $0xffff, v9;
	_ =	sdelay $0x1  }
0x43a: {  	[tilespmem:s5+$0xC000] =	vst v3;
	v3 =	vperm.xlane v3, v0;
	s5 =	sor.u32 $0x280, s30  }
0x43b: {  	v12 =	vld [tilespmem:s5+$0x4000];
	v9, _, _ =	vpop (xrf2)  }
0x43c: {  	v3 =	vadd.f32 v9, v3;
	(xrf2) =	vadd.scan.msk.f32 $0xffff, v8;
	_ =	sdelay $0x1  }
0x43d: {  	s10 =	sor.u32 $0x280, s9;
	[tilespmem:s22+$0xC000] =	vst v3;
	v3 =	vperm.xlane v3, v0  }
0x43e: {  	v8, _, _ =	vpop (xrf2);
	v13 =	vld [tilespmem:s10+$0x4000]  }
0x43f: {  	v9 =	vadd.f32 v8, v11;
	(xrf2) =	vadd.scan.msk.f32 $0xffff, v12;
	_ =	sdelay $0x1  }
0x440: {  	v8, _, _ =	vpop (xrf2)  }
0x441: {  	v2 =	vadd.f32 v8, v2  }
0x442: {  	(xrf2) =	vadd.scan.msk.f32 $0xffff, v13  }
0x443: {  	[tilespmem:s6+$0xC000] =	vst v2;
	v2 =	vperm.xlane v2, v0;
	s6 =	sor.u32 $0x300, s0  }
0x444: {  	v8 =	vld [tilespmem:s6+$0x4000];
	v11, _, _ =	vpop (xrf2)  }
0x445: {  	v2 =	vadd.f32 v11, v2  }
0x446: {  	(xrf2) =	vadd.scan.msk.f32 $0xffff, v10  }
0x447: {  	[tilespmem:s8+$0xC000] =	vst v2;
	v2 =	vperm.xlane v2, v0;
	s8 =	sor.u32 $0x300, s7  }
0x448: {  	v10 =	vld [tilespmem:s8+$0x4000];
	v11, _, _ =	vpop (xrf2)  }
0x449: {  	v2 =	vadd.f32 v11, v2;
	(xrf2) =	vadd.scan.msk.f32 $0xffff, v8;
	_ =	sdelay $0x1  }
0x44a: {  	[tilespmem:s5+$0xC000] =	vst v2;
	v2 =	vperm.xlane v2, v0;
	s5 =	sor.u32 $0x300, s30  }
0x44b: {  	v8 =	vld [tilespmem:s5+$0x4000];
	v11, _, _ =	vpop (xrf2)  }
0x44c: {  	v2 =	vadd.f32 v11, v2;
	(xrf2) =	vadd.scan.msk.f32 $0xffff, v10  }
0x44d: {  	v10 =	vld [tilespmem:s26+$0x4190]  }
0x44e: {  	[tilespmem:s10+$0xC000] =	vst v2;
	v2 =	vperm.xlane v2, v0;
	s10 =	sor.u32 $0x300, s9  }
0x44f: {  	v11, _, _ =	vpop (xrf2);
	v12 =	vld [tilespmem:s10+$0x4000]  }
0x450: {  	(xrf2) =	vadd.scan.msk.f32 $0xffff, v8;
	_ =	sdelay $0x1  }
0x451: {  	v8, _, _ =	vpop (xrf2)  }
0x452: {  	v13 =	vld [tilespmem:s26+$0x41A0];
	v1 =	vadd.f32 v8, v1  }
0x453: {  	(xrf2) =	vadd.scan.msk.f32 $0xffff, v12  }
0x454: {  	s0 =	sor.u32 $0x380, s0;
	v12 =	vld [tilespmem:s26+$0x4080];
	[tilespmem:s6+$0xC000] =	vst v1;
	v1 =	vperm.xlane v1, v0  }
0x455: {  	v8 =	vld [tilespmem:s0+$0x4000];
	v14, _, _ =	vpop (xrf2)  }
0x456: {  	v15 =	vld [tilespmem:s26+$0x4100];
	v1 =	vadd.f32 v14, v1  }
0x457: {  	(xrf2) =	vadd.scan.msk.f32 $0xffff, v13  }
0x458: {  	s7 =	sor.u32 $0x380, s7;
	[tilespmem:s8+$0xC000] =	vst v1;
	v1 =	vperm.xlane v1, v0  }
0x459: {  	v13 =	vld [tilespmem:s7+$0x4000];
	v14, _, _ =	vpop (xrf2)  }
0x45a: {  	(xrf2) =	vadd.scan.msk.f32 $0xffff, v10;
	v1 =	vadd.f32 v14, v1;
	_ =	sdelay $0x1  }
0x45b: {  	[tilespmem:s5+$0xC000] =	vst v1;
	v1 =	vperm.xlane v1, v0  }
0x45c: {  	s29 =	sor.u32 $0x380, s30;
	v14 =	vld [tilespmem:s26+$0x41B0];
	(xrf2) =	vadd.scan.msk.f32 $0xffff, v8;
	v8, _, _ =	vpop (xrf2)  }
0x45d: {  	v16 =	vld [tilespmem:s29+$0x4000];
	v1 =	vadd.f32 v8, v1  }
0x45e: {  	v17 =	vld [tilespmem:s26+$0x4000]  }
0x45f: {  	s6 =	sor.u32 $0x380, s9;
	[tilespmem:s10+$0xC000] =	vst v1;
	v1 =	vperm.xlane v1, v0;
	(xrf2) =	vadd.scan.msk.f32 $0xffff, v13  }
0x460: {  	v13, _, _ =	vpop (xrf2);
	v10 =	vld [tilespmem:s6+$0x4000];
	_ =	sdelay $0x1  }
0x461: {  	v8 =	vperm.xlane v9, v0;
	(xrf2) =	vadd.scan.msk.f32 $0xffff, v14  }
0x462: {  	v14, _, _ =	vpop (xrf2)  }
0x463: {  	v8 =	vadd.f32 v14, v8  }
0x464: {  	(xrf2) =	vadd.scan.msk.f32 $0xffff, v15  }
0x465: {  	v14 =	vld [tilespmem:s26+$0x4110];
	v20 =	vperm.xlane v8, v0;
	v18, _, _ =	vpop (xrf2)  }
0x466: {  	v18 =	vadd.f32 v18, v7  }
0x467: {  	v19 =	vld [tilespmem:s26+$0x4010];
	v7 =	vadd.f32 v13, v20;
	(xrf2) =	vadd.scan.msk.f32 $0xffff, v17  }
0x468: {  	[tilespmem:s0+$0xC000] =	vst v18;
	v13 =	vperm.xlane v18, v0;
	v15, _, _ =	vpop (xrf2);
	_ =	sdelay $0x1  }
0x469: {  	(xrf2) =	vadd.scan.msk.f32 $0xffff, v12;
	v17 =	vadd.f32 v15, v13  }
0x46a: {  	v12, _, _ =	vpop (xrf2)  }
0x46b: {  	v13 =	vld [tilespmem:s26+$0x40A0];
	[tilespmem:s7+$0xC000] =	vst v17;
	_ =	sdelay $0x1  }
0x46c: {  	v15, _, _ =	vpop (xrf2);
	(xrf2) =	vadd.scan.msk.f32 $0xffff, v19  }
0x46d: {  	v18 =	vld [tilespmem:s26+$0x4020];
	_ =	sdelay $0x1  }
0x46e: {  	v19 =	vld [tilespmem:s26+$0x40B0];
	v20, _, _ =	vpop (xrf2);
	(xrf2) =	vadd.scan.msk.f32 $0xffff, v13;
	_ =	sdelay $0x2  }
0x46f: {  	v13, _, _ =	vpop (xrf2);
	(xrf2) =	vadd.scan.msk.f32 $0xffff, v18  }
0x470: {  	s0 =	simm.s32 $0x1;
	v4 =	vadd.f32 v13, v4  }
0x471: {  	s0 =	simm.s32 @!p0 $0x0;
	v5 =	vadd.f32 v15, v5;
	[tilespmem:s26+$0xC180] =	vst v9  }
0x472: {  	s0 =	sshll.u32 s0, $0x6;
	v6 =	vadd.f32 v20, v6;
	[tilespmem:s26+$0xC080] =	vst v4;
	v4 =	vperm.xlane v4, v0;
	(xrf2) =	vadd.scan.msk.f32 $0xffff, v19  }
0x473: {  	s0 =	sadd.s32 s0, s28;
	[tilespmem:s26+$0xC100] =	vst v5;
	v9, _, _ =	vpop (xrf2)  }
0x474: {  	s8 =	sor.u32 $0x200, s0;
	s30 =	sadd.s32 $0x20, s0;
	[tilespmem:s26+$0xC000] =	vst v6;
	v6 =	vperm.xlane v6, v0;
	v18 =	vadd.f32 v11, v4;
	v4 =	vld [tilespmem:s26+$0x4120]  }
0x475: {  	v15 =	vld [tilespmem:s8+$0x4000];
	(xrf2) =	vadd.scan.msk.f32 $0xffff, v14  }
0x476: {  	v11 =	vperm.xlane v5, v0;
	v6 =	vadd.f32 v9, v6;
	v5 =	vperm.xlane v18, v0;
	v9, _, _ =	vpop (xrf2);
	_ =	sdelay $0x1  }
0x477: {  	v13 =	vperm.xlane v6, v0;
	v5 =	vadd.f32 v9, v5;
	(xrf2) =	vadd.scan.msk.f32 $0xffff, v16  }
0x478: {  	v9, _, _ =	vpop (xrf2)  }
0x479: {  	v9 =	vadd.f32 v9, v13;
	v13 =	vperm.xlane v5, v0;
	v16 =	vld [tilespmem:s26+$0x4130]  }
0x47a: {  	(xrf2) =	vadd.scan.msk.f32 $0xffff, v4  }
0x47b: {  	v14 =	vperm.xlane v9, v0;
	v4, _, _ =	vpop (xrf2)  }
0x47c: {  	v19 =	vld [tilespmem:s26+$0x4030];
	v13 =	vadd.f32 v4, v13  }
0x47d: {  	v20 =	vperm.xlane v7, v0  }
0x47e: {  	v4 =	vperm.xlane v13, v0;
	v21, _, _ =	vpop (xrf2);
	(xrf2) =	vadd.scan.msk.f32 $0xffff, v16  }
.Ltmp3:
0x47f: {  	v12 =	vadd.f32 v12, v20;
	(pc) =	sbr.rel @p1 .LBB2_9-.Ltmp3, $4  }
0x480: {  	v20 =	vperm.xlane v17, v0;
	v16 =	vadd.f32 v21, v11  }
0x481: {  	v11 =	vperm.xlane v12, v0;
	[tilespmem:s26+$0xC020] =	vst v9;
	(xrf2) =	vadd.scan.msk.f32 $0xffff, v19;
	v9, _, _ =	vpop (xrf2)  }
0x482: {  	v17 =	vperm.xlane v16, v0;
	v9 =	vadd.f32 v9, v20  }
0x483: {  	s1 =	sadd.s32 $0x40, s1;
	[tilespmem:s26+$0xC090] =	vst v18  }
0x484: {  	[tilespmem:s26+$0xC110] =	vst v16  }
0x485: {  	[tilespmem:s26+$0xC010] =	vst v6;
	s1 =	sadd.s32 $0x10, s0  }
0x486: {  	v4, _, _ =	vpop (xrf2);
	[tilespmem:s26+$0xC190] =	vst v8;
	s5 =	sor.u32 $0x200, s1  }
0x487: {  	(xrf2) =	vadd.scan.msk.f32 $0xffff, v10;
	v4 =	vadd.f32 v4, v17;
	v6 =	vld [tilespmem:s5+$0x4000]  }
0x488: {  	[tilespmem:s26+$0xC0A0] =	vst v5;
	(xrf2) =	vadd.scan.msk.f32 $0xffff, v15  }
0x489: {  	[tilespmem:s26+$0xC1A0] =	vst v7;
	v44 =	vperm.xlane v4, v0  }
0x48a: {  	s9 =	sor.u32 $0x200, s30;
	[tilespmem:s26+$0xC120] =	vst v4;
	v45, _, _ =	vpop (xrf2)  }
0x48b: {  	[tilespmem:s26+$0xC0B0] =	vst v13;
	v7 =	vld [tilespmem:s9+$0x4000];
	v4 =	vadd.f32 v45, v44;
	v46, _, _ =	vpop (xrf2)  }
0x48c: {  	[tilespmem:s26+$0xC1B0] =	vst v12;
	(xrf2) =	vadd.scan.msk.f32 $0xffff, v6;
	v5 =	vadd.f32 v46, v14  }
0x48d: {  	s7 =	sadd.s32 $0x30, s0;
	[tilespmem:s26+$0xC130] =	vst v4  }
0x48e: {  	s10 =	sor.u32 $0x200, s7;
	[tilespmem:s26+$0xC030] =	vst v5  }
0x48f: {  	v4 =	vld [tilespmem:s10+$0x4000]  }
0x490: {  	(xrf2) =	vadd.scan.msk.f32 $0xffff, v7  }
0x491: {  	v47, _, _ =	vpop (xrf2)  }
0x492: {  	v48, _, _ =	vpop (xrf2)  }
0x493: {  	v3 =	vadd.f32 v48, v3  }
0x494: {  	(xrf2) =	vadd.scan.msk.f32 $0xffff, v4  }
0x495: {  	s31 =	sor.u32 $0x280, s0;
	[tilespmem:s8+$0xC000] =	vst v3;
	v3 =	vperm.xlane v3, v0  }
0x496: {  	v49 =	vld [tilespmem:s31+$0x4000];
	v50, _, _ =	vpop (xrf2)  }
0x497: {  	v3 =	vadd.f32 v50, v3;
	_ =	sdelay $0x1  }
0x498: {  	s14 =	sor.u32 $0x280, s1;
	[tilespmem:s5+$0xC000] =	vst v3;
	v3 =	vperm.xlane v3, v0  }
0x499: {  	v7, _, _ =	vpop (xrf2);
	v51 =	vld [tilespmem:s14+$0x4000]  }
0x49a: {  	(xrf2) =	vadd.scan.msk.f32 $0xffff, v49;
	v3 =	vadd.f32 v7, v3;
	_ =	sdelay $0x1  }
0x49b: {  	s22 =	sor.u32 $0x280, s30;
	[tilespmem:s9+$0xC000] =	vst v3;
	v3 =	vperm.xlane v3, v0  }
0x49c: {  	v52 =	vld [tilespmem:s22+$0x4000];
	v53, _, _ =	vpop (xrf2)  }
0x49d: {  	(xrf2) =	vadd.scan.msk.f32 $0xffff, v51;
	v3 =	vadd.f32 v53, v3;
	_ =	sdelay $0x1  }
0x49e: {  	s26 =	sor.u32 $0x280, s7;
	[tilespmem:s10+$0xC000] =	vst v3  }
0x49f: {  	v3 =	vld [tilespmem:s26+$0x4000]  }
0x4a0: {  	(xrf2) =	vadd.scan.msk.f32 $0xffff, v52;
	_ =	sdelay $0x1  }
0x4a1: {  	v54, _, _ =	vpop (xrf2)  }
0x4a2: {  	v2 =	vadd.f32 v54, v2  }
0x4a3: {  	(xrf2) =	vadd.scan.msk.f32 $0xffff, v3  }
0x4a4: {  	s28 =	sor.u32 $0x300, s0;
	[tilespmem:s31+$0xC000] =	vst v2;
	v2 =	vperm.xlane v2, v0  }
0x4a5: {  	v3 =	vld [tilespmem:s28+$0x4000];
	v55, _, _ =	vpop (xrf2)  }
0x4a6: {  	v2 =	vadd.f32 v55, v2;
	_ =	sdelay $0x1  }
0x4a7: {  	s31 =	sor.u32 $0x300, s1;
	[tilespmem:s14+$0xC000] =	vst v2;
	v2 =	vperm.xlane v2, v0  }
0x4a8: {  	v56 =	vld [tilespmem:s31+$0x4000];
	v57, _, _ =	vpop (xrf2)  }
0x4a9: {  	(xrf2) =	vadd.scan.msk.f32 $0xffff, v3;
	v2 =	vadd.f32 v57, v2;
	_ =	sdelay $0x1  }
0x4aa: {  	s14 =	sor.u32 $0x300, s30;
	[tilespmem:s22+$0xC000] =	vst v2;
	v2 =	vperm.xlane v2, v0  }
0x4ab: {  	v3 =	vld [tilespmem:s14+$0x4000];
	v58, _, _ =	vpop (xrf2)  }
0x4ac: {  	(xrf2) =	vadd.scan.msk.f32 $0xffff, v56;
	v2 =	vadd.f32 v58, v2;
	_ =	sdelay $0x1  }
0x4ad: {  	s22 =	sor.u32 $0x300, s7;
	[tilespmem:s26+$0xC000] =	vst v2  }
0x4ae: {  	v2 =	vld [tilespmem:s22+$0x4000]  }
0x4af: {  	(xrf2) =	vadd.scan.msk.f32 $0xffff, v3;
	_ =	sdelay $0x1  }
0x4b0: {  	v3, _, _ =	vpop (xrf2)  }
0x4b1: {  	v1 =	vadd.f32 v3, v1  }
0x4b2: {  	(xrf2) =	vadd.scan.msk.f32 $0xffff, v2  }
0x4b3: {  	s26 =	sor.u32 $0x380, s0;
	[tilespmem:s28+$0xC000] =	vst v1;
	v1 =	vperm.xlane v1, v0  }
0x4b4: {  	v2 =	vld [tilespmem:s26+$0x4000];
	v3, _, _ =	vpop (xrf2)  }
0x4b5: {  	v1 =	vadd.f32 v3, v1;
	_ =	sdelay $0x1  }
0x4b6: {  	s1 =	sor.u32 $0x380, s1;
	[tilespmem:s31+$0xC000] =	vst v1;
	v1 =	vperm.xlane v1, v0  }
0x4b7: {  	v3 =	vld [tilespmem:s1+$0x4000];
	v59, _, _ =	vpop (xrf2)  }
0x4b8: {  	(xrf2) =	vadd.scan.msk.f32 $0xffff, v2;
	v1 =	vadd.f32 v59, v1;
	_ =	sdelay $0x1  }
0x4b9: {  	s28 =	sor.u32 $0x380, s30;
	[tilespmem:s14+$0xC000] =	vst v1;
	v1 =	vperm.xlane v1, v0  }
0x4ba: {  	v60 =	vld [tilespmem:s28+$0x4000];
	v2, _, _ =	vpop (xrf2)  }
0x4bb: {  	(xrf2) =	vadd.scan.msk.f32 $0xffff, v3;
	v1 =	vadd.f32 v2, v1  }
0x4bc: {  	v2 =	vperm.xlane v9, v0  }
0x4bd: {  	s7 =	sor.u32 $0x380, s7;
	[tilespmem:s22+$0xC000] =	vst v1  }
0x4be: {  	v1 =	vadd.f32 v47, v2;
	v2 =	vld [tilespmem:s7+$0x4000]  }
0x4bf: {  	(xrf2) =	vadd.scan.msk.f32 $0xffff, v60  }
0x4c0: {  	v3 =	vperm.xlane v1, v0  }
0x4c1: {  	v61, _, _ =	vpop (xrf2)  }
0x4c2: {  	v3 =	vadd.f32 v61, v3  }
0x4c3: {  	(xrf2) =	vadd.scan.msk.f32 $0xffff, v2  }
0x4c4: {  	v2 =	vperm.xlane v3, v0  }
0x4c5: {  	v62, _, _ =	vpop (xrf2)  }
0x4c6: {  	v2 =	vadd.f32 v62, v2;
	_ =	sdelay $0x1  }
0x4c7: {  	v4 =	vperm.xlane v2, v0  }
0x4c8: {  	v63, _, _ =	vpop (xrf2)  }
0x4c9: {  	v4 =	vadd.f32 v63, v4  }
0x4ca: {  	[tilespmem:s29+$0xC000] =	vst v9  }
0x4cb: {  	s31 =	smin.u32 s24, $0x3C;
	[tilespmem:s6+$0xC000] =	vst v1;
	v1 =	vperm.xlane v4, v0  }
0x4cc: {  	s23 =	sadd.s32 $0x1, s23;
	s0 =	sadd.s32 $0x2, s31;
	[tilespmem:s26+$0xC000] =	vst v3;
	v3, _, _ =	vpop (xrf2)  }
0x4cd: {  	p0 =	sne.s32 s23, $0x20;
	s0 =	sshrl.u32 s0, $0x1;
	[tilespmem:s1+$0xC000] =	vst v2;
	v1 =	vadd.f32 v3, v1  }
.Ltmp4:
0x4ce: {  	s0 =	sadd.s32 s11, s0;
	[tilespmem:s28+$0xC000] =	vst v4;
	(pc) =	sbr.rel @p0 .LBB2_6-.Ltmp4, $4  }
0x4cf: {  	s30 =	sadd.s32 s25, s12;
	s0 =	sshll.u32 s0, $0xC;
	[tilespmem:s7+$0xC000] =	vst v1  }
0x4d0: {  	[hbm4b:s30+s4] =	stream.linear.scatter [tilespmem:s19], [sflag:$0x4], $0x4000, $0x38;
	[tilespmem:$0x10000] =	vst v63  }
0x4d1: {  	s0 =	sadd.s32 s0, s13  }
0x4d2: {  	[tilespmem:s15], [sflag:$0x2] =	stream.linear.gather [hbm4b:s0+s4], $0x4000, $0x38;
	[tilespmem:$0x10000] =	vst v63  }
0x4d3: {  	_ =	swait.ge [sflag:s16], $0x4000  }
0x4d4: {  	[sflag:s16] =	ssyncset.done $0x0  }
0x4d5: {  	[sflag:s16] =	ssyncadd.s32 $0xFFFFC000  }
0x4d6: {  	_ =	swait.ge [sflag:s18], $0x4000  }
0x4d7: {  	[sflag:s18] =	ssyncset.done $0x0  }
0x4d8: {  	[sflag:s18] =	ssyncadd.s32 $0xFFFFC000  }
0x4d9: {  	_ =	swait.ge [sflag:s20], $0x4000  }
0x4da: {  	[sflag:s20] =	ssyncset.done $0x0  }
0x4db: {  	[sflag:s20] =	ssyncadd.s32 $0xFFFFC000  }
0x4dc: {  	_ =	swait.ge [sflag:s21], $0x4000  }
0x4dd: {  	s1 =	rddreg [dreg:$0xa]  }
0x4de: {  	s0 =	rddreg [dreg:$0x9];
	s1 =	sadd.s32 $0x1, s1  }
0x4df: {  	p0 =	sne.s32 s1, s0  }
.Ltmp5:
0x4e0: {  	_ = 	snop;
	(pc) =	sbr.rel @p0 .LBB2_1-.Ltmp5, $3  }
0x4e1: {  	_ =	sdelay $0x1  }
0x4e2: {  	[sflag:s21] =	ssyncset.done $0x0  }
0x4e3: {  	[sflag:s21] =	ssyncadd.s32 $0xFFFFC000  }
0x4e4: {  	_ =	sfence.sel $0x180000  }
0x4e5: {  	[bflag:$0x0] =	sbarrier.arrive $0xFFFF  }
0x4e6: {  	_ =	strace $0x90000047  }
0x4e7: {  	s0 =	stileid.u32;
	[bflag:$0x2] =	sbarrier.arrive $0xFFFF  }
0x4e8: {  	p0 =	sne.s32 s0, $0x0;
	s0 =	rddreg [dreg:$0x2]  }
0x4e9: {  	s0 =	sadd.s32 @!p0 $0x100000, s0  }
0x4ea: {  	[sflag:s0] =	ssyncadd.tile.s32 @!p0 $0x1;
	_ =	shalt  }
.Lfunc_end2:
_tile_overlayer_lowered:
.L_overlay_start_2:
0x4eb: {  	(tag) =	ssettag $0x2  }
0x4ec: {  	s0 =	rddreg [dreg:$0x0];
	s2 =	stileid.u32  }
0x4ed: {  	s1 =	rddreg [dreg:$0x1];
	p0 =	sne.s32 s2, $0x0  }
0x4ee: {  	s3 =	rddreg [dreg:$0x2];
	[bflag:$0x3] =	sbarrier.arrive $0xFFFF;
	s2 =	simm.s32 @!p0 $0x1C05  }
0x4ef: {  	[timem:s3], [sflag:s2] =	dma.local @!p0 [hbm:s0], s1  }
0x4f0: {  	s0 =	simm.s32 @!p0 $0x5  }
0x4f1: {  	_ =	swait.ge @!p0 [sflag:s0], s1  }
0x4f2: {  	s1 =	ssub.s32 @!p0 $0x0, s1;
	[sflag:s0] =	ssyncset.done @!p0 $0x0  }
0x4f3: {  	[sflag:s0] =	ssyncadd.s32 @!p0 s1  }
0x4f4: {  	[bflag:$0x3] =	sbarrier.arrive $0xFFFF  }
0x4f5: {  	_ =	shalt  }

</sc_bundles>
